<compile_context>
chip_gen: v7x
topology: tpu7x:2x2x1
jax: 0.10.2.dev20260603
libtpu: 0.0.44.dev20260713+nightly
codegen_flags: <defaults>
</compile_context>

<pallas_src>
import functools

import jax
import jax.numpy as jnp
from jax import lax
from jax.experimental import pallas as pl
from jax.experimental.pallas import tpu as pltpu
from jax.experimental.pallas import tpu_sc as plsc

_NC = 2
_NS = 16
_NW = _NC * _NS
_LANES = 16


def _positional_encoding_table(seq_len, d):
    position = jnp.arange(0, seq_len, dtype=jnp.float32)[:, None]
    div_term = jnp.exp(
        jnp.arange(0, d, 2, dtype=jnp.float32) * -(jnp.log(10000.0) / d)
    )
    enc = jnp.zeros((seq_len, d), dtype=jnp.float32)
    enc = enc.at[:, 0::2].set(jnp.sin(position * div_term))
    enc = enc.at[:, 1::2].set(jnp.cos(position * div_term[: d // 2]))
    return enc


@functools.partial(jax.jit, static_argnames=("ch", "nb", "unroll"))
def _embed_sc(weight, idx3, enc, *, ch, nb, unroll):
    nw, nch, _ = idx3.shape
    _, d = weight.shape
    tot = nw * nch * ch
    per_w = nch * ch
    ngroups = nch // nb
    enc_rows = enc.shape[0]
    slots_per_seq = enc_rows // ch

    mesh = plsc.VectorSubcoreMesh(core_axis_name="c", subcore_axis_name="s")

    @functools.partial(
        pl.kernel,
        mesh=mesh,
        compiler_params=pltpu.CompilerParams(use_tc_tiling_on_sc=False),
        out_type=jax.ShapeDtypeStruct((tot // 2, 2 * d), jnp.float32),
        scratch_types=[
            pltpu.VMEM((nch, ch), jnp.int32),
            pltpu.VMEM((enc_rows, d), jnp.float32),
            [pltpu.VMEM((ch, d), jnp.float32) for _ in range(nb)],
            [pltpu.VMEM((ch // 2, 2 * d), jnp.float32) for _ in range(nb)],
            [pltpu.SemaphoreType.DMA for _ in range(nb)],
            [pltpu.SemaphoreType.DMA for _ in range(nb)],
        ],
    )
    def body(weight_hbm, idx_hbm, enc_hbm, out_hbm,
             idx_v, enc_v, inb, oub, gsem, ssem):
        wid = lax.axis_index("s") * _NC + lax.axis_index("c")
        base = wid * per_w

        pltpu.sync_copy(idx_hbm.at[wid], idx_v)
        pltpu.sync_copy(enc_hbm, enc_v)

        for b in range(nb):
            pltpu.async_copy(weight_hbm.at[idx_v.at[b]], inb[b], gsem[b])

        @pl.loop(0, ngroups)
        def _group(g):
            for b in range(nb):
                c = g * nb + b
                erow = (b % slots_per_seq) * ch

                pltpu.make_async_copy(
                    weight_hbm.at[idx_v.at[c]], inb[b], gsem[b]
                ).wait()

                @pl.when(g > 0)
                def _():
                    pltpu.make_async_copy(
                        oub[b], out_hbm.at[pl.ds(base // 2, ch // 2)],
                        ssem[b]
                    ).wait()

                @plsc.parallel_loop(0, ch // 2, unroll=unroll)
                def _row(r2):
                    for h in range(2):
                        for j in range(d // _LANES):
                            si = pl.ds(j * _LANES, _LANES)
                            so = pl.ds(h * d + j * _LANES, _LANES)
                            oub[b][r2, so] = (
                                inb[b][2 * r2 + h, si]
                                + enc_v[erow + 2 * r2 + h, si]
                            )

                pltpu.async_copy(
                    oub[b],
                    out_hbm.at[pl.ds((base + c * ch) // 2, ch // 2)],
                    ssem[b]
                )

                @pl.when(g < ngroups - 1)
                def _():
                    pltpu.async_copy(
                        weight_hbm.at[idx_v.at[c + nb]], inb[b], gsem[b]
                    )

        for b in range(nb):
            pltpu.make_async_copy(
                oub[b], out_hbm.at[pl.ds(base // 2, ch // 2)], ssem[b]
            ).wait()

    return body(weight, idx3, enc)


def kernel(text, weight):
    b, s = text.shape
    v, d = weight.shape
    tot = b * s

    ch = s
    while ch > 128 or s % ch:
        ch //= 2
    nb = 4

    per_w = tot // _NW
    assert tot % _NW == 0 and per_w % s == 0 and per_w % (ch * nb) == 0

    enc = _positional_encoding_table(s, d)
    idx3 = text.reshape(_NW, per_w // ch, ch).astype(jnp.int32)
    out = _embed_sc(weight, idx3, enc, ch=ch, nb=nb, unroll=10)
    return out.reshape(b, s, d)

# --- scband reference (transcript-rebuilt; emitter-appended) ---
"""Pipeline reference for scband-embedding-layer-24275155157479 (READ-ONLY COPY).

The authoritative reference and input builder live on the scoring server;
editing this copy changes nothing except your own understanding.
"""

import jax, jax.numpy as jnp
import numpy as np

VOCAB = 1000000
EMBED_DIM = 64
BATCH = 4096
SEQ = 200


def setup_inputs(seed: int = 0) -> dict:
    key = jax.random.key(seed)
    k1, k2 = jax.random.split(key)
    text = jax.random.randint(k1, (BATCH, SEQ), 0, VOCAB, dtype=jnp.int64 if jax.config.jax_enable_x64 else jnp.int32)
    weight = jax.random.normal(k2, (VOCAB, EMBED_DIM), dtype=jnp.float32)
    return {"text": text, "weight": weight}


def _positional_encoding(seq_len, d):
    position = jnp.arange(0, seq_len, dtype=jnp.float32)[:, None]
    div_term = jnp.exp(jnp.arange(0, d, 2, dtype=jnp.float32) * -(jnp.log(10000.0) / d))
    enc = jnp.zeros((seq_len, d), dtype=jnp.float32)
    enc = enc.at[:, 0::2].set(jnp.sin(position * div_term))
    enc = enc.at[:, 1::2].set(jnp.cos(position * div_term[: d // 2]))
    return enc


def reference(text, weight):
    embedded = jnp.take(weight, text, axis=0)  # [B, S, D] gather
    enc = _positional_encoding(text.shape[1], weight.shape[1])
    return embedded + enc[None, :, :]

if __name__ == "__main__":
    import jax
    _d = setup_inputs()
    print(jax.jit(kernel)(*tuple(_d.values())))

</pallas_src>

<mosaic_0001>
#map = affine_map<(d0, d1) -> (0, 0)>
#map1 = affine_map<(d0, d1) -> (0, 0, 0)>
module attributes {stable_mosaic.version = 14 : i64} {
  func.func @body(%arg0: i32, %arg1: i32, %arg2: memref<1000000x64xf32, #tpu.memory_space<hbm>>, %arg3: memref<32x256x100xi32, #tpu.memory_space<hbm>>, %arg4: memref<200x64xf32, #tpu.memory_space<hbm>>, %arg5: memref<409600x128xf32, #tpu.memory_space<hbm>>, %arg6: memref<256x100xi32, #tpu.memory_space<vmem>>, %arg7: memref<200x64xf32, #tpu.memory_space<vmem>>, %arg8: memref<100x64xf32, #tpu.memory_space<vmem>>, %arg9: memref<100x64xf32, #tpu.memory_space<vmem>>, %arg10: memref<100x64xf32, #tpu.memory_space<vmem>>, %arg11: memref<100x64xf32, #tpu.memory_space<vmem>>, %arg12: memref<50x128xf32, #tpu.memory_space<vmem>>, %arg13: memref<50x128xf32, #tpu.memory_space<vmem>>, %arg14: memref<50x128xf32, #tpu.memory_space<vmem>>, %arg15: memref<50x128xf32, #tpu.memory_space<vmem>>, %arg16: memref<!tpu.dma_semaphore, #tpu.memory_space<semaphore_mem>>, %arg17: memref<!tpu.dma_semaphore, #tpu.memory_space<semaphore_mem>>, %arg18: memref<!tpu.dma_semaphore, #tpu.memory_space<semaphore_mem>>, %arg19: memref<!tpu.dma_semaphore, #tpu.memory_space<semaphore_mem>>, %arg20: memref<!tpu.dma_semaphore, #tpu.memory_space<semaphore_mem>>, %arg21: memref<!tpu.dma_semaphore, #tpu.memory_space<semaphore_mem>>, %arg22: memref<!tpu.dma_semaphore, #tpu.memory_space<semaphore_mem>>, %arg23: memref<!tpu.dma_semaphore, #tpu.memory_space<semaphore_mem>>) attributes {dimension_semantics = [#tpu.dimension_semantics<core_parallel>, #tpu.dimension_semantics<subcore_parallel>], iteration_bounds = array<i64: 2, 16>, scalar_prefetch = 0 : i64, scratch_operands = 18 : i64, tpu.core_type = #tpu.core_type<sc_vector_subcore>, window_params = [{transform_indices = #map}, {transform_indices = #map1}, {transform_indices = #map}, {transform_indices = #map}]} {
    %mul3A = arith.constant 2 : i32
    %mul3A_0 = arith.muli %arg1, %mul3A : i32
    %add3A = arith.addi %mul3A_0, %arg0 : i32
    %mul3A_1 = arith.constant 25600 : i32
    %mul3A_2 = arith.muli %add3A, %mul3A_1 : i32
    "tpu.region"() ({
      %run_scoped3A = tpu.sem_alloc : memref<!tpu.dma_semaphore, #tpu.memory_space<semaphore_mem>>
      %dma_start3A_137 = arith.constant 0 : i32
      %dma_start3A_138 = arith.constant 0 : i32
      %dma_start3A_139 = tpu.memref_slice %arg3[%add3A, %dma_start3A_137, %dma_start3A_138] : memref<32x256x100xi32, #tpu.memory_space<hbm>> -> memref<1x256x100xi32, #tpu.memory_space<hbm>>
      %dma_start3A_140 = tpu.memref_squeeze %dma_start3A_139 : memref<1x256x100xi32, #tpu.memory_space<hbm>> -> memref<256x100xi32, #tpu.memory_space<hbm>>
      %dma_start3A_141 = arith.constant 0 : i32
      %dma_start3A_142 = arith.constant 0 : i32
      %dma_start3A_143 = tpu.memref_slice %arg3[%add3A, %dma_start3A_141, %dma_start3A_142] : memref<32x256x100xi32, #tpu.memory_space<hbm>> -> memref<1x256x100xi32, #tpu.memory_space<hbm>>
      %dma_start3A_144 = tpu.memref_squeeze %dma_start3A_143 : memref<1x256x100xi32, #tpu.memory_space<hbm>> -> memref<256x100xi32, #tpu.memory_space<hbm>>
      tpu.enqueue_dma source(%dma_start3A_144 : memref<256x100xi32, #tpu.memory_space<hbm>>) target(%arg6 : memref<256x100xi32, #tpu.memory_space<vmem>>) target_semaphore(%run_scoped3A : memref<!tpu.dma_semaphore, #tpu.memory_space<semaphore_mem>>)
      %dma_wait3A_145 = arith.constant 0 : i32
      %dma_wait3A_146 = arith.constant 0 : i32
      %dma_wait3A_147 = tpu.memref_slice %arg3[%add3A, %dma_wait3A_145, %dma_wait3A_146] : memref<32x256x100xi32, #tpu.memory_space<hbm>> -> memref<1x256x100xi32, #tpu.memory_space<hbm>>
      %dma_wait3A_148 = tpu.memref_squeeze %dma_wait3A_147 : memref<1x256x100xi32, #tpu.memory_space<hbm>> -> memref<256x100xi32, #tpu.memory_space<hbm>>
      %dma_wait3A_149 = arith.constant 0 : i32
      %dma_wait3A_150 = arith.constant 0 : i32
      %dma_wait3A_151 = tpu.memref_slice %arg3[%add3A, %dma_wait3A_149, %dma_wait3A_150] : memref<32x256x100xi32, #tpu.memory_space<hbm>> -> memref<1x256x100xi32, #tpu.memory_space<hbm>>
      %dma_wait3A_152 = tpu.memref_squeeze %dma_wait3A_151 : memref<1x256x100xi32, #tpu.memory_space<hbm>> -> memref<256x100xi32, #tpu.memory_space<hbm>>
      tpu.wait_dma2 semaphore(%run_scoped3A : memref<!tpu.dma_semaphore, #tpu.memory_space<semaphore_mem>>) src(%dma_wait3A_152 : memref<256x100xi32, #tpu.memory_space<hbm>>) dst(%arg6 : memref<256x100xi32, #tpu.memory_space<vmem>>)
      tpu.yield
    }) : () -> ()
    "tpu.region"() ({
      %run_scoped3A = tpu.sem_alloc : memref<!tpu.dma_semaphore, #tpu.memory_space<semaphore_mem>>
      tpu.enqueue_dma source(%arg4 : memref<200x64xf32, #tpu.memory_space<hbm>>) target(%arg7 : memref<200x64xf32, #tpu.memory_space<vmem>>) target_semaphore(%run_scoped3A : memref<!tpu.dma_semaphore, #tpu.memory_space<semaphore_mem>>)
      tpu.wait_dma2 semaphore(%run_scoped3A : memref<!tpu.dma_semaphore, #tpu.memory_space<semaphore_mem>>) src(%arg4 : memref<200x64xf32, #tpu.memory_space<hbm>>) dst(%arg7 : memref<200x64xf32, #tpu.memory_space<vmem>>)
      tpu.yield
    }) : () -> ()
    %dma_start3A = arith.constant 0 : i32
    %dma_start3A_3 = arith.constant 0 : i32
    %dma_start3A_4 = tpu.memref_slice %arg6[%dma_start3A, %dma_start3A_3] : memref<256x100xi32, #tpu.memory_space<vmem>> -> memref<1x100xi32, #tpu.memory_space<vmem>>
    %dma_start3A_5 = tpu.memref_squeeze %dma_start3A_4 : memref<1x100xi32, #tpu.memory_space<vmem>> -> memref<100xi32, #tpu.memory_space<vmem>>
    %dma_start3A_6 = arith.constant 0 : i32
    %dma_start3A_7 = arith.constant 0 : i32
    %dma_start3A_8 = tpu.memref_slice %arg2[%dma_start3A_6, %dma_start3A_7] : memref<1000000x64xf32, #tpu.memory_space<hbm>> -> memref<1000000x64xf32, #tpu.memory_space<hbm>>
    tpu.enqueue_indirect_dma source(%dma_start3A_8 : memref<1000000x64xf32, #tpu.memory_space<hbm>>) target(%arg8 : memref<100x64xf32, #tpu.memory_space<vmem>>) offsets(%dma_start3A_5 : memref<100xi32, #tpu.memory_space<vmem>>) semaphore(%arg16 : memref<!tpu.dma_semaphore, #tpu.memory_space<semaphore_mem>>)
    %dma_start3A_9 = arith.constant 1 : i32
    %dma_start3A_10 = arith.constant 0 : i32
    %dma_start3A_11 = tpu.memref_slice %arg6[%dma_start3A_9, %dma_start3A_10] : memref<256x100xi32, #tpu.memory_space<vmem>> -> memref<1x100xi32, #tpu.memory_space<vmem>>
    %dma_start3A_12 = tpu.memref_squeeze %dma_start3A_11 : memref<1x100xi32, #tpu.memory_space<vmem>> -> memref<100xi32, #tpu.memory_space<vmem>>
    %dma_start3A_13 = arith.constant 0 : i32
    %dma_start3A_14 = arith.constant 0 : i32
    %dma_start3A_15 = tpu.memref_slice %arg2[%dma_start3A_13, %dma_start3A_14] : memref<1000000x64xf32, #tpu.memory_space<hbm>> -> memref<1000000x64xf32, #tpu.memory_space<hbm>>
    tpu.enqueue_indirect_dma source(%dma_start3A_15 : memref<1000000x64xf32, #tpu.memory_space<hbm>>) target(%arg9 : memref<100x64xf32, #tpu.memory_space<vmem>>) offsets(%dma_start3A_12 : memref<100xi32, #tpu.memory_space<vmem>>) semaphore(%arg17 : memref<!tpu.dma_semaphore, #tpu.memory_space<semaphore_mem>>)
    %dma_start3A_16 = arith.constant 2 : i32
    %dma_start3A_17 = arith.constant 0 : i32
    %dma_start3A_18 = tpu.memref_slice %arg6[%dma_start3A_16, %dma_start3A_17] : memref<256x100xi32, #tpu.memory_space<vmem>> -> memref<1x100xi32, #tpu.memory_space<vmem>>
    %dma_start3A_19 = tpu.memref_squeeze %dma_start3A_18 : memref<1x100xi32, #tpu.memory_space<vmem>> -> memref<100xi32, #tpu.memory_space<vmem>>
    %dma_start3A_20 = arith.constant 0 : i32
    %dma_start3A_21 = arith.constant 0 : i32
    %dma_start3A_22 = tpu.memref_slice %arg2[%dma_start3A_20, %dma_start3A_21] : memref<1000000x64xf32, #tpu.memory_space<hbm>> -> memref<1000000x64xf32, #tpu.memory_space<hbm>>
    tpu.enqueue_indirect_dma source(%dma_start3A_22 : memref<1000000x64xf32, #tpu.memory_space<hbm>>) target(%arg10 : memref<100x64xf32, #tpu.memory_space<vmem>>) offsets(%dma_start3A_19 : memref<100xi32, #tpu.memory_space<vmem>>) semaphore(%arg18 : memref<!tpu.dma_semaphore, #tpu.memory_space<semaphore_mem>>)
    %dma_start3A_23 = arith.constant 3 : i32
    %dma_start3A_24 = arith.constant 0 : i32
    %dma_start3A_25 = tpu.memref_slice %arg6[%dma_start3A_23, %dma_start3A_24] : memref<256x100xi32, #tpu.memory_space<vmem>> -> memref<1x100xi32, #tpu.memory_space<vmem>>
    %dma_start3A_26 = tpu.memref_squeeze %dma_start3A_25 : memref<1x100xi32, #tpu.memory_space<vmem>> -> memref<100xi32, #tpu.memory_space<vmem>>
    %dma_start3A_27 = arith.constant 0 : i32
    %dma_start3A_28 = arith.constant 0 : i32
    %dma_start3A_29 = tpu.memref_slice %arg2[%dma_start3A_27, %dma_start3A_28] : memref<1000000x64xf32, #tpu.memory_space<hbm>> -> memref<1000000x64xf32, #tpu.memory_space<hbm>>
    tpu.enqueue_indirect_dma source(%dma_start3A_29 : memref<1000000x64xf32, #tpu.memory_space<hbm>>) target(%arg11 : memref<100x64xf32, #tpu.memory_space<vmem>>) offsets(%dma_start3A_26 : memref<100xi32, #tpu.memory_space<vmem>>) semaphore(%arg19 : memref<!tpu.dma_semaphore, #tpu.memory_space<semaphore_mem>>)
    %scan3A = arith.constant 0 : i32
    %scan3A_30 = arith.constant 64 : i32
    %scan3A_31 = arith.addi %scan3A, %scan3A_30 : i32
    %scan3A_32 = arith.constant 1 : i32
    scf.for %scan3A_137 = %scan3A to %scan3A_31 step %scan3A_32  : i32 {
      %mul3A_138 = arith.constant 1 : i32
      %mul3A_139 = arith.muli %scan3A_137, %mul3A_138 : i32
      %add3A_140 = arith.constant 0 : i32
      %add3A_141 = arith.addi %add3A_140, %mul3A_139 : i32
      %mul3A_142 = arith.constant 4 : i32
      %mul3A_143 = arith.muli %add3A_141, %mul3A_142 : i32
      %add3A_144 = arith.constant 0 : i32
      %add3A_145 = arith.addi %mul3A_143, %add3A_144 : i32
      %dma_wait3A_146 = arith.constant 0 : i32
      %dma_wait3A_147 = tpu.memref_slice %arg6[%add3A_145, %dma_wait3A_146] : memref<256x100xi32, #tpu.memory_space<vmem>> -> memref<1x100xi32, #tpu.memory_space<vmem>>
      %dma_wait3A_148 = tpu.memref_squeeze %dma_wait3A_147 : memref<1x100xi32, #tpu.memory_space<vmem>> -> memref<100xi32, #tpu.memory_space<vmem>>
      %dma_wait3A_149 = arith.constant 0 : i32
      %dma_wait3A_150 = arith.constant 0 : i32
      %dma_wait3A_151 = tpu.memref_slice %arg2[%dma_wait3A_149, %dma_wait3A_150] : memref<1000000x64xf32, #tpu.memory_space<hbm>> -> memref<1000000x64xf32, #tpu.memory_space<hbm>>
      tpu.wait_indirect_dma semaphore(%arg16 : memref<!tpu.dma_semaphore, #tpu.memory_space<semaphore_mem>>) src(%dma_wait3A_151 : memref<1000000x64xf32, #tpu.memory_space<hbm>>) dst(%arg8 : memref<100x64xf32, #tpu.memory_space<vmem>>)
      %gt3A = arith.constant 0 : i32
      %gt3A_152 = arith.cmpi sgt, %add3A_141, %gt3A : i32
      %convert_element_type3A = arith.extui %gt3A_152 : i1 to i32
      %cond3A = arith.constant 0 : i32
      %cond3A_153 = arith.cmpi ne, %convert_element_type3A, %cond3A : i32
      scf.if %cond3A_153 {
        %jit3A_353 = arith.constant 2 : i32
        %div3A_354 = arith.divsi %mul3A_2, %jit3A_353 : i32
        %sign3A_355 = arith.constant 0 : i32
        %sign3A_356 = arith.cmpi sgt, %mul3A_2, %sign3A_355 : i32
        %sign3A_357 = arith.extui %sign3A_356 : i1 to i32
        %sign3A_358 = arith.constant 0 : i32
        %sign3A_359 = arith.cmpi slt, %mul3A_2, %sign3A_358 : i32
        %sign3A_360 = arith.extui %sign3A_359 : i1 to i32
        %sign3A_361 = arith.subi %sign3A_357, %sign3A_360 : i32
        %sign3A_362 = arith.constant 0 : i32
        %sign3A_363 = arith.cmpi sgt, %jit3A_353, %sign3A_362 : i32
        %sign3A_364 = arith.extui %sign3A_363 : i1 to i32
        %sign3A_365 = arith.constant 0 : i32
        %sign3A_366 = arith.cmpi slt, %jit3A_353, %sign3A_365 : i32
        %sign3A_367 = arith.extui %sign3A_366 : i1 to i32
        %sign3A_368 = arith.subi %sign3A_364, %sign3A_367 : i32
        %ne3A_369 = arith.cmpi ne, %sign3A_361, %sign3A_368 : i32
        %rem3A_370 = arith.remsi %mul3A_2, %jit3A_353 : i32
        %ne3A_371 = arith.constant 0 : i32
        %ne3A_372 = arith.cmpi ne, %rem3A_370, %ne3A_371 : i32
        %and3A_373 = arith.andi %ne3A_369, %ne3A_372 : i1
        %sub3A_374 = arith.constant 1 : i32
        %sub3A_375 = arith.subi %div3A_354, %sub3A_374 : i32
        %select_n3A_376 = arith.select %and3A_373, %sub3A_375, %div3A_354 : i32
        %dma_wait3A_377 = arith.constant 0 : i32
        %dma_wait3A_378 = tpu.memref_slice %arg5[%select_n3A_376, %dma_wait3A_377] : memref<409600x128xf32, #tpu.memory_space<hbm>> -> memref<50x128xf32, #tpu.memory_space<hbm>>
        %dma_wait3A_379 = arith.constant 0 : i32
        %dma_wait3A_380 = tpu.memref_slice %arg5[%select_n3A_376, %dma_wait3A_379] : memref<409600x128xf32, #tpu.memory_space<hbm>> -> memref<50x128xf32, #tpu.memory_space<hbm>>
        tpu.wait_dma2 semaphore(%arg20 : memref<!tpu.dma_semaphore, #tpu.memory_space<semaphore_mem>>) src(%arg12 : memref<50x128xf32, #tpu.memory_space<vmem>>) dst(%dma_wait3A_380 : memref<50x128xf32, #tpu.memory_space<hbm>>)
      } else {
      }
      %parallel_loop3A = arith.constant 0 : i32
      %parallel_loop3A_154 = arith.constant 50 : i32
      %parallel_loop3A_155 = arith.constant 1 : i32
      scf.for %parallel_loop3A_353 = %parallel_loop3A to %parallel_loop3A_154 step %parallel_loop3A_155  : i32 {
        %parallel_loop3A_354 = arith.constant 2 : i32
        %parallel_loop3A_355 = arith.muli %parallel_loop3A_354, %parallel_loop3A_353 : i32
        %parallel_loop3A_356 = arith.constant 0 : i32
        %parallel_loop3A_357 = arith.addi %parallel_loop3A_355, %parallel_loop3A_356 : i32
        %parallel_loop3A_358 = arith.index_cast %parallel_loop3A_357 : i32 to index
        %parallel_loop3A_359 = arith.constant 0 : index
        %parallel_loop3A_360 = tpu.vector_load %arg8[%parallel_loop3A_358, %parallel_loop3A_359] {strides = array<i32>} : memref<100x64xf32, #tpu.memory_space<vmem>>, vector<1x16xf32>,
        %parallel_loop3A_361 = vector.shape_cast %parallel_loop3A_360 : vector<1x16xf32> to vector<16xf32>
        %parallel_loop3A_362 = arith.constant 2 : i32
        %parallel_loop3A_363 = arith.muli %parallel_loop3A_362, %parallel_loop3A_353 : i32
        %parallel_loop3A_364 = arith.constant 0 : i32
        %parallel_loop3A_365 = arith.addi %parallel_loop3A_364, %parallel_loop3A_363 : i32
        %parallel_loop3A_366 = arith.constant 0 : i32
        %parallel_loop3A_367 = arith.addi %parallel_loop3A_365, %parallel_loop3A_366 : i32
        %parallel_loop3A_368 = arith.index_cast %parallel_loop3A_367 : i32 to index
        %parallel_loop3A_369 = arith.constant 0 : index
        %parallel_loop3A_370 = tpu.vector_load %arg7[%parallel_loop3A_368, %parallel_loop3A_369] {strides = array<i32>} : memref<200x64xf32, #tpu.memory_space<vmem>>, vector<1x16xf32>,
        %parallel_loop3A_371 = vector.shape_cast %parallel_loop3A_370 : vector<1x16xf32> to vector<16xf32>
        %parallel_loop3A_372 = arith.addf %parallel_loop3A_361, %parallel_loop3A_371 : vector<16xf32>
        %parallel_loop3A_373 = arith.index_cast %parallel_loop3A_353 : i32 to index
        %parallel_loop3A_374 = arith.constant 0 : index
        %parallel_loop3A_375 = tpu.vector_load %arg12[%parallel_loop3A_373, %parallel_loop3A_374] {strides = array<i32>} : memref<50x128xf32, #tpu.memory_space<vmem>>, vector<1x16xf32>,
        %parallel_loop3A_376 = vector.shape_cast %parallel_loop3A_375 : vector<1x16xf32> to vector<16xf32>
        %parallel_loop3A_377 = vector.shape_cast %parallel_loop3A_372 : vector<16xf32> to vector<1x16xf32>
        tpu.vector_store %arg12[%parallel_loop3A_373, %parallel_loop3A_374], %parallel_loop3A_377 {strides = array<i32>} : memref<50x128xf32, #tpu.memory_space<vmem>>, vector<1x16xf32>,
        %parallel_loop3A_378 = arith.constant 2 : i32
        %parallel_loop3A_379 = arith.muli %parallel_loop3A_378, %parallel_loop3A_353 : i32
        %parallel_loop3A_380 = arith.constant 0 : i32
        %parallel_loop3A_381 = arith.addi %parallel_loop3A_379, %parallel_loop3A_380 : i32
        %parallel_loop3A_382 = arith.index_cast %parallel_loop3A_381 : i32 to index
        %parallel_loop3A_383 = arith.constant 16 : index
        %parallel_loop3A_384 = tpu.vector_load %arg8[%parallel_loop3A_382, %parallel_loop3A_383] {strides = array<i32>} : memref<100x64xf32, #tpu.memory_space<vmem>>, vector<1x16xf32>,
        %parallel_loop3A_385 = vector.shape_cast %parallel_loop3A_384 : vector<1x16xf32> to vector<16xf32>
        %parallel_loop3A_386 = arith.constant 2 : i32
        %parallel_loop3A_387 = arith.muli %parallel_loop3A_386, %parallel_loop3A_353 : i32
        %parallel_loop3A_388 = arith.constant 0 : i32
        %parallel_loop3A_389 = arith.addi %parallel_loop3A_388, %parallel_loop3A_387 : i32
        %parallel_loop3A_390 = arith.constant 0 : i32
        %parallel_loop3A_391 = arith.addi %parallel_loop3A_389, %parallel_loop3A_390 : i32
        %parallel_loop3A_392 = arith.index_cast %parallel_loop3A_391 : i32 to index
        %parallel_loop3A_393 = arith.constant 16 : index
        %parallel_loop3A_394 = tpu.vector_load %arg7[%parallel_loop3A_392, %parallel_loop3A_393] {strides = array<i32>} : memref<200x64xf32, #tpu.memory_space<vmem>>, vector<1x16xf32>,
        %parallel_loop3A_395 = vector.shape_cast %parallel_loop3A_394 : vector<1x16xf32> to vector<16xf32>
        %parallel_loop3A_396 = arith.addf %parallel_loop3A_385, %parallel_loop3A_395 : vector<16xf32>
        %parallel_loop3A_397 = arith.index_cast %parallel_loop3A_353 : i32 to index
        %parallel_loop3A_398 = arith.constant 16 : index
        %parallel_loop3A_399 = tpu.vector_load %arg12[%parallel_loop3A_397, %parallel_loop3A_398] {strides = array<i32>} : memref<50x128xf32, #tpu.memory_space<vmem>>, vector<1x16xf32>,
        %parallel_loop3A_400 = vector.shape_cast %parallel_loop3A_399 : vector<1x16xf32> to vector<16xf32>
        %parallel_loop3A_401 = vector.shape_cast %parallel_loop3A_396 : vector<16xf32> to vector<1x16xf32>
        tpu.vector_store %arg12[%parallel_loop3A_397, %parallel_loop3A_398], %parallel_loop3A_401 {strides = array<i32>} : memref<50x128xf32, #tpu.memory_space<vmem>>, vector<1x16xf32>,
        %parallel_loop3A_402 = arith.constant 2 : i32
        %parallel_loop3A_403 = arith.muli %parallel_loop3A_402, %parallel_loop3A_353 : i32
        %parallel_loop3A_404 = arith.constant 0 : i32
        %parallel_loop3A_405 = arith.addi %parallel_loop3A_403, %parallel_loop3A_404 : i32
        %parallel_loop3A_406 = arith.index_cast %parallel_loop3A_405 : i32 to index
        %parallel_loop3A_407 = arith.constant 32 : index
        %parallel_loop3A_408 = tpu.vector_load %arg8[%parallel_loop3A_406, %parallel_loop3A_407] {strides = array<i32>} : memref<100x64xf32, #tpu.memory_space<vmem>>, vector<1x16xf32>,
        %parallel_loop3A_409 = vector.shape_cast %parallel_loop3A_408 : vector<1x16xf32> to vector<16xf32>
        %parallel_loop3A_410 = arith.constant 2 : i32
        %parallel_loop3A_411 = arith.muli %parallel_loop3A_410, %parallel_loop3A_353 : i32
        %parallel_loop3A_412 = arith.constant 0 : i32
        %parallel_loop3A_413 = arith.addi %parallel_loop3A_412, %parallel_loop3A_411 : i32
        %parallel_loop3A_414 = arith.constant 0 : i32
        %parallel_loop3A_415 = arith.addi %parallel_loop3A_413, %parallel_loop3A_414 : i32
        %parallel_loop3A_416 = arith.index_cast %parallel_loop3A_415 : i32 to index
        %parallel_loop3A_417 = arith.constant 32 : index
        %parallel_loop3A_418 = tpu.vector_load %arg7[%parallel_loop3A_416, %parallel_loop3A_417] {strides = array<i32>} : memref<200x64xf32, #tpu.memory_space<vmem>>, vector<1x16xf32>,
        %parallel_loop3A_419 = vector.shape_cast %parallel_loop3A_418 : vector<1x16xf32> to vector<16xf32>
        %parallel_loop3A_420 = arith.addf %parallel_loop3A_409, %parallel_loop3A_419 : vector<16xf32>
        %parallel_loop3A_421 = arith.index_cast %parallel_loop3A_353 : i32 to index
        %parallel_loop3A_422 = arith.constant 32 : index
        %parallel_loop3A_423 = tpu.vector_load %arg12[%parallel_loop3A_421, %parallel_loop3A_422] {strides = array<i32>} : memref<50x128xf32, #tpu.memory_space<vmem>>, vector<1x16xf32>,
        %parallel_loop3A_424 = vector.shape_cast %parallel_loop3A_423 : vector<1x16xf32> to vector<16xf32>
        %parallel_loop3A_425 = vector.shape_cast %parallel_loop3A_420 : vector<16xf32> to vector<1x16xf32>
        tpu.vector_store %arg12[%parallel_loop3A_421, %parallel_loop3A_422], %parallel_loop3A_425 {strides = array<i32>} : memref<50x128xf32, #tpu.memory_space<vmem>>, vector<1x16xf32>,
        %parallel_loop3A_426 = arith.constant 2 : i32
        %parallel_loop3A_427 = arith.muli %parallel_loop3A_426, %parallel_loop3A_353 : i32
        %parallel_loop3A_428 = arith.constant 0 : i32
        %parallel_loop3A_429 = arith.addi %parallel_loop3A_427, %parallel_loop3A_428 : i32
        %parallel_loop3A_430 = arith.index_cast %parallel_loop3A_429 : i32 to index
        %parallel_loop3A_431 = arith.constant 48 : index
        %parallel_loop3A_432 = tpu.vector_load %arg8[%parallel_loop3A_430, %parallel_loop3A_431] {strides = array<i32>} : memref<100x64xf32, #tpu.memory_space<vmem>>, vector<1x16xf32>,
        %parallel_loop3A_433 = vector.shape_cast %parallel_loop3A_432 : vector<1x16xf32> to vector<16xf32>
        %parallel_loop3A_434 = arith.constant 2 : i32
        %parallel_loop3A_435 = arith.muli %parallel_loop3A_434, %parallel_loop3A_353 : i32
        %parallel_loop3A_436 = arith.constant 0 : i32
        %parallel_loop3A_437 = arith.addi %parallel_loop3A_436, %parallel_loop3A_435 : i32
        %parallel_loop3A_438 = arith.constant 0 : i32
        %parallel_loop3A_439 = arith.addi %parallel_loop3A_437, %parallel_loop3A_438 : i32
        %parallel_loop3A_440 = arith.index_cast %parallel_loop3A_439 : i32 to index
        %parallel_loop3A_441 = arith.constant 48 : index
        %parallel_loop3A_442 = tpu.vector_load %arg7[%parallel_loop3A_440, %parallel_loop3A_441] {strides = array<i32>} : memref<200x64xf32, #tpu.memory_space<vmem>>, vector<1x16xf32>,
        %parallel_loop3A_443 = vector.shape_cast %parallel_loop3A_442 : vector<1x16xf32> to vector<16xf32>
        %parallel_loop3A_444 = arith.addf %parallel_loop3A_433, %parallel_loop3A_443 : vector<16xf32>
        %parallel_loop3A_445 = arith.index_cast %parallel_loop3A_353 : i32 to index
        %parallel_loop3A_446 = arith.constant 48 : index
        %parallel_loop3A_447 = tpu.vector_load %arg12[%parallel_loop3A_445, %parallel_loop3A_446] {strides = array<i32>} : memref<50x128xf32, #tpu.memory_space<vmem>>, vector<1x16xf32>,
        %parallel_loop3A_448 = vector.shape_cast %parallel_loop3A_447 : vector<1x16xf32> to vector<16xf32>
        %parallel_loop3A_449 = vector.shape_cast %parallel_loop3A_444 : vector<16xf32> to vector<1x16xf32>
        tpu.vector_store %arg12[%parallel_loop3A_445, %parallel_loop3A_446], %parallel_loop3A_449 {strides = array<i32>} : memref<50x128xf32, #tpu.memory_space<vmem>>, vector<1x16xf32>,
        %parallel_loop3A_450 = arith.constant 2 : i32
        %parallel_loop3A_451 = arith.muli %parallel_loop3A_450, %parallel_loop3A_353 : i32
        %parallel_loop3A_452 = arith.constant 1 : i32
        %parallel_loop3A_453 = arith.addi %parallel_loop3A_451, %parallel_loop3A_452 : i32
        %parallel_loop3A_454 = arith.index_cast %parallel_loop3A_453 : i32 to index
        %parallel_loop3A_455 = arith.constant 0 : index
        %parallel_loop3A_456 = tpu.vector_load %arg8[%parallel_loop3A_454, %parallel_loop3A_455] {strides = array<i32>} : memref<100x64xf32, #tpu.memory_space<vmem>>, vector<1x16xf32>,
        %parallel_loop3A_457 = vector.shape_cast %parallel_loop3A_456 : vector<1x16xf32> to vector<16xf32>
        %parallel_loop3A_458 = arith.constant 2 : i32
        %parallel_loop3A_459 = arith.muli %parallel_loop3A_458, %parallel_loop3A_353 : i32
        %parallel_loop3A_460 = arith.constant 0 : i32
        %parallel_loop3A_461 = arith.addi %parallel_loop3A_460, %parallel_loop3A_459 : i32
        %parallel_loop3A_462 = arith.constant 1 : i32
        %parallel_loop3A_463 = arith.addi %parallel_loop3A_461, %parallel_loop3A_462 : i32
        %parallel_loop3A_464 = arith.index_cast %parallel_loop3A_463 : i32 to index
        %parallel_loop3A_465 = arith.constant 0 : index
        %parallel_loop3A_466 = tpu.vector_load %arg7[%parallel_loop3A_464, %parallel_loop3A_465] {strides = array<i32>} : memref<200x64xf32, #tpu.memory_space<vmem>>, vector<1x16xf32>,
        %parallel_loop3A_467 = vector.shape_cast %parallel_loop3A_466 : vector<1x16xf32> to vector<16xf32>
        %parallel_loop3A_468 = arith.addf %parallel_loop3A_457, %parallel_loop3A_467 : vector<16xf32>
        %parallel_loop3A_469 = arith.index_cast %parallel_loop3A_353 : i32 to index
        %parallel_loop3A_470 = arith.constant 64 : index
        %parallel_loop3A_471 = tpu.vector_load %arg12[%parallel_loop3A_469, %parallel_loop3A_470] {strides = array<i32>} : memref<50x128xf32, #tpu.memory_space<vmem>>, vector<1x16xf32>,
        %parallel_loop3A_472 = vector.shape_cast %parallel_loop3A_471 : vector<1x16xf32> to vector<16xf32>
        %parallel_loop3A_473 = vector.shape_cast %parallel_loop3A_468 : vector<16xf32> to vector<1x16xf32>
        tpu.vector_store %arg12[%parallel_loop3A_469, %parallel_loop3A_470], %parallel_loop3A_473 {strides = array<i32>} : memref<50x128xf32, #tpu.memory_space<vmem>>, vector<1x16xf32>,
        %parallel_loop3A_474 = arith.constant 2 : i32
        %parallel_loop3A_475 = arith.muli %parallel_loop3A_474, %parallel_loop3A_353 : i32
        %parallel_loop3A_476 = arith.constant 1 : i32
        %parallel_loop3A_477 = arith.addi %parallel_loop3A_475, %parallel_loop3A_476 : i32
        %parallel_loop3A_478 = arith.index_cast %parallel_loop3A_477 : i32 to index
        %parallel_loop3A_479 = arith.constant 16 : index
        %parallel_loop3A_480 = tpu.vector_load %arg8[%parallel_loop3A_478, %parallel_loop3A_479] {strides = array<i32>} : memref<100x64xf32, #tpu.memory_space<vmem>>, vector<1x16xf32>,
        %parallel_loop3A_481 = vector.shape_cast %parallel_loop3A_480 : vector<1x16xf32> to vector<16xf32>
        %parallel_loop3A_482 = arith.constant 2 : i32
        %parallel_loop3A_483 = arith.muli %parallel_loop3A_482, %parallel_loop3A_353 : i32
        %parallel_loop3A_484 = arith.constant 0 : i32
        %parallel_loop3A_485 = arith.addi %parallel_loop3A_484, %parallel_loop3A_483 : i32
        %parallel_loop3A_486 = arith.constant 1 : i32
        %parallel_loop3A_487 = arith.addi %parallel_loop3A_485, %parallel_loop3A_486 : i32
        %parallel_loop3A_488 = arith.index_cast %parallel_loop3A_487 : i32 to index
        %parallel_loop3A_489 = arith.constant 16 : index
        %parallel_loop3A_490 = tpu.vector_load %arg7[%parallel_loop3A_488, %parallel_loop3A_489] {strides = array<i32>} : memref<200x64xf32, #tpu.memory_space<vmem>>, vector<1x16xf32>,
        %parallel_loop3A_491 = vector.shape_cast %parallel_loop3A_490 : vector<1x16xf32> to vector<16xf32>
        %parallel_loop3A_492 = arith.addf %parallel_loop3A_481, %parallel_loop3A_491 : vector<16xf32>
        %parallel_loop3A_493 = arith.index_cast %parallel_loop3A_353 : i32 to index
        %parallel_loop3A_494 = arith.constant 80 : index
        %parallel_loop3A_495 = tpu.vector_load %arg12[%parallel_loop3A_493, %parallel_loop3A_494] {strides = array<i32>} : memref<50x128xf32, #tpu.memory_space<vmem>>, vector<1x16xf32>,
        %parallel_loop3A_496 = vector.shape_cast %parallel_loop3A_495 : vector<1x16xf32> to vector<16xf32>
        %parallel_loop3A_497 = vector.shape_cast %parallel_loop3A_492 : vector<16xf32> to vector<1x16xf32>
        tpu.vector_store %arg12[%parallel_loop3A_493, %parallel_loop3A_494], %parallel_loop3A_497 {strides = array<i32>} : memref<50x128xf32, #tpu.memory_space<vmem>>, vector<1x16xf32>,
        %parallel_loop3A_498 = arith.constant 2 : i32
        %parallel_loop3A_499 = arith.muli %parallel_loop3A_498, %parallel_loop3A_353 : i32
        %parallel_loop3A_500 = arith.constant 1 : i32
        %parallel_loop3A_501 = arith.addi %parallel_loop3A_499, %parallel_loop3A_500 : i32
        %parallel_loop3A_502 = arith.index_cast %parallel_loop3A_501 : i32 to index
        %parallel_loop3A_503 = arith.constant 32 : index
        %parallel_loop3A_504 = tpu.vector_load %arg8[%parallel_loop3A_502, %parallel_loop3A_503] {strides = array<i32>} : memref<100x64xf32, #tpu.memory_space<vmem>>, vector<1x16xf32>,
        %parallel_loop3A_505 = vector.shape_cast %parallel_loop3A_504 : vector<1x16xf32> to vector<16xf32>
        %parallel_loop3A_506 = arith.constant 2 : i32
        %parallel_loop3A_507 = arith.muli %parallel_loop3A_506, %parallel_loop3A_353 : i32
        %parallel_loop3A_508 = arith.constant 0 : i32
        %parallel_loop3A_509 = arith.addi %parallel_loop3A_508, %parallel_loop3A_507 : i32
        %parallel_loop3A_510 = arith.constant 1 : i32
        %parallel_loop3A_511 = arith.addi %parallel_loop3A_509, %parallel_loop3A_510 : i32
        %parallel_loop3A_512 = arith.index_cast %parallel_loop3A_511 : i32 to index
        %parallel_loop3A_513 = arith.constant 32 : index
        %parallel_loop3A_514 = tpu.vector_load %arg7[%parallel_loop3A_512, %parallel_loop3A_513] {strides = array<i32>} : memref<200x64xf32, #tpu.memory_space<vmem>>, vector<1x16xf32>,
        %parallel_loop3A_515 = vector.shape_cast %parallel_loop3A_514 : vector<1x16xf32> to vector<16xf32>
        %parallel_loop3A_516 = arith.addf %parallel_loop3A_505, %parallel_loop3A_515 : vector<16xf32>
        %parallel_loop3A_517 = arith.index_cast %parallel_loop3A_353 : i32 to index
        %parallel_loop3A_518 = arith.constant 96 : index
        %parallel_loop3A_519 = tpu.vector_load %arg12[%parallel_loop3A_517, %parallel_loop3A_518] {strides = array<i32>} : memref<50x128xf32, #tpu.memory_space<vmem>>, vector<1x16xf32>,
        %parallel_loop3A_520 = vector.shape_cast %parallel_loop3A_519 : vector<1x16xf32> to vector<16xf32>
        %parallel_loop3A_521 = vector.shape_cast %parallel_loop3A_516 : vector<16xf32> to vector<1x16xf32>
        tpu.vector_store %arg12[%parallel_loop3A_517, %parallel_loop3A_518], %parallel_loop3A_521 {strides = array<i32>} : memref<50x128xf32, #tpu.memory_space<vmem>>, vector<1x16xf32>,
        %parallel_loop3A_522 = arith.constant 2 : i32
        %parallel_loop3A_523 = arith.muli %parallel_loop3A_522, %parallel_loop3A_353 : i32
        %parallel_loop3A_524 = arith.constant 1 : i32
        %parallel_loop3A_525 = arith.addi %parallel_loop3A_523, %parallel_loop3A_524 : i32
        %parallel_loop3A_526 = arith.index_cast %parallel_loop3A_525 : i32 to index
        %parallel_loop3A_527 = arith.constant 48 : index
        %parallel_loop3A_528 = tpu.vector_load %arg8[%parallel_loop3A_526, %parallel_loop3A_527] {strides = array<i32>} : memref<100x64xf32, #tpu.memory_space<vmem>>, vector<1x16xf32>,
        %parallel_loop3A_529 = vector.shape_cast %parallel_loop3A_528 : vector<1x16xf32> to vector<16xf32>
        %parallel_loop3A_530 = arith.constant 2 : i32
        %parallel_loop3A_531 = arith.muli %parallel_loop3A_530, %parallel_loop3A_353 : i32
        %parallel_loop3A_532 = arith.constant 0 : i32
        %parallel_loop3A_533 = arith.addi %parallel_loop3A_532, %parallel_loop3A_531 : i32
        %parallel_loop3A_534 = arith.constant 1 : i32
        %parallel_loop3A_535 = arith.addi %parallel_loop3A_533, %parallel_loop3A_534 : i32
        %parallel_loop3A_536 = arith.index_cast %parallel_loop3A_535 : i32 to index
        %parallel_loop3A_537 = arith.constant 48 : index
        %parallel_loop3A_538 = tpu.vector_load %arg7[%parallel_loop3A_536, %parallel_loop3A_537] {strides = array<i32>} : memref<200x64xf32, #tpu.memory_space<vmem>>, vector<1x16xf32>,
        %parallel_loop3A_539 = vector.shape_cast %parallel_loop3A_538 : vector<1x16xf32> to vector<16xf32>
        %parallel_loop3A_540 = arith.addf %parallel_loop3A_529, %parallel_loop3A_539 : vector<16xf32>
        %parallel_loop3A_541 = arith.index_cast %parallel_loop3A_353 : i32 to index
        %parallel_loop3A_542 = arith.constant 112 : index
        %parallel_loop3A_543 = tpu.vector_load %arg12[%parallel_loop3A_541, %parallel_loop3A_542] {strides = array<i32>} : memref<50x128xf32, #tpu.memory_space<vmem>>, vector<1x16xf32>,
        %parallel_loop3A_544 = vector.shape_cast %parallel_loop3A_543 : vector<1x16xf32> to vector<16xf32>
        %parallel_loop3A_545 = vector.shape_cast %parallel_loop3A_540 : vector<16xf32> to vector<1x16xf32>
        tpu.vector_store %arg12[%parallel_loop3A_541, %parallel_loop3A_542], %parallel_loop3A_545 {strides = array<i32>} : memref<50x128xf32, #tpu.memory_space<vmem>>, vector<1x16xf32>,
      } {sc.loop_unroll_factor = 10 : i64, sc.parallel_access}
      %mul3A_156 = arith.constant 100 : i32
      %mul3A_157 = arith.muli %add3A_145, %mul3A_156 : i32
      %add3A_158 = arith.addi %mul3A_2, %mul3A_157 : i32
      %jit3A_159 = arith.constant 2 : i32
      %div3A_160 = arith.divsi %add3A_158, %jit3A_159 : i32
      %sign3A_161 = arith.constant 0 : i32
      %sign3A_162 = arith.cmpi sgt, %add3A_158, %sign3A_161 : i32
      %sign3A_163 = arith.extui %sign3A_162 : i1 to i32
      %sign3A_164 = arith.constant 0 : i32
      %sign3A_165 = arith.cmpi slt, %add3A_158, %sign3A_164 : i32
      %sign3A_166 = arith.extui %sign3A_165 : i1 to i32
      %sign3A_167 = arith.subi %sign3A_163, %sign3A_166 : i32
      %sign3A_168 = arith.constant 0 : i32
      %sign3A_169 = arith.cmpi sgt, %jit3A_159, %sign3A_168 : i32
      %sign3A_170 = arith.extui %sign3A_169 : i1 to i32
      %sign3A_171 = arith.constant 0 : i32
      %sign3A_172 = arith.cmpi slt, %jit3A_159, %sign3A_171 : i32
      %sign3A_173 = arith.extui %sign3A_172 : i1 to i32
      %sign3A_174 = arith.subi %sign3A_170, %sign3A_173 : i32
      %ne3A_175 = arith.cmpi ne, %sign3A_167, %sign3A_174 : i32
      %rem3A_176 = arith.remsi %add3A_158, %jit3A_159 : i32
      %ne3A_177 = arith.constant 0 : i32
      %ne3A_178 = arith.cmpi ne, %rem3A_176, %ne3A_177 : i32
      %and3A_179 = arith.andi %ne3A_175, %ne3A_178 : i1
      %sub3A_180 = arith.constant 1 : i32
      %sub3A_181 = arith.subi %div3A_160, %sub3A_180 : i32
      %select_n3A_182 = arith.select %and3A_179, %sub3A_181, %div3A_160 : i32
      %dma_start3A_183 = arith.constant 0 : i32
      %dma_start3A_184 = tpu.memref_slice %arg5[%select_n3A_182, %dma_start3A_183] : memref<409600x128xf32, #tpu.memory_space<hbm>> -> memref<50x128xf32, #tpu.memory_space<hbm>>
      %dma_start3A_185 = arith.constant 0 : i32
      %dma_start3A_186 = tpu.memref_slice %arg5[%select_n3A_182, %dma_start3A_185] : memref<409600x128xf32, #tpu.memory_space<hbm>> -> memref<50x128xf32, #tpu.memory_space<hbm>>
      tpu.enqueue_dma source(%arg12 : memref<50x128xf32, #tpu.memory_space<vmem>>) target(%dma_start3A_186 : memref<50x128xf32, #tpu.memory_space<hbm>>) target_semaphore(%arg20 : memref<!tpu.dma_semaphore, #tpu.memory_space<semaphore_mem>>)
      %lt3A = arith.constant 63 : i32
      %lt3A_187 = arith.cmpi slt, %add3A_141, %lt3A : i32
      %convert_element_type3A_188 = arith.extui %lt3A_187 : i1 to i32
      %cond3A_189 = arith.constant 0 : i32
      %cond3A_190 = arith.cmpi ne, %convert_element_type3A_188, %cond3A_189 : i32
      scf.if %cond3A_190 {
        %add3A_353 = arith.constant 4 : i32
        %add3A_354 = arith.addi %add3A_145, %add3A_353 : i32
        %dma_start3A_355 = arith.constant 0 : i32
        %dma_start3A_356 = tpu.memref_slice %arg6[%add3A_354, %dma_start3A_355] : memref<256x100xi32, #tpu.memory_space<vmem>> -> memref<1x100xi32, #tpu.memory_space<vmem>>
        %dma_start3A_357 = tpu.memref_squeeze %dma_start3A_356 : memref<1x100xi32, #tpu.memory_space<vmem>> -> memref<100xi32, #tpu.memory_space<vmem>>
        %dma_start3A_358 = arith.constant 0 : i32
        %dma_start3A_359 = arith.constant 0 : i32
        %dma_start3A_360 = tpu.memref_slice %arg2[%dma_start3A_358, %dma_start3A_359] : memref<1000000x64xf32, #tpu.memory_space<hbm>> -> memref<1000000x64xf32, #tpu.memory_space<hbm>>
        tpu.enqueue_indirect_dma source(%dma_start3A_360 : memref<1000000x64xf32, #tpu.memory_space<hbm>>) target(%arg8 : memref<100x64xf32, #tpu.memory_space<vmem>>) offsets(%dma_start3A_357 : memref<100xi32, #tpu.memory_space<vmem>>) semaphore(%arg16 : memref<!tpu.dma_semaphore, #tpu.memory_space<semaphore_mem>>)
      } else {
      }
      %mul3A_191 = arith.constant 4 : i32
      %mul3A_192 = arith.muli %add3A_141, %mul3A_191 : i32
      %add3A_193 = arith.constant 1 : i32
      %add3A_194 = arith.addi %mul3A_192, %add3A_193 : i32
      %dma_wait3A_195 = arith.constant 0 : i32
      %dma_wait3A_196 = tpu.memref_slice %arg6[%add3A_194, %dma_wait3A_195] : memref<256x100xi32, #tpu.memory_space<vmem>> -> memref<1x100xi32, #tpu.memory_space<vmem>>
      %dma_wait3A_197 = tpu.memref_squeeze %dma_wait3A_196 : memref<1x100xi32, #tpu.memory_space<vmem>> -> memref<100xi32, #tpu.memory_space<vmem>>
      %dma_wait3A_198 = arith.constant 0 : i32
      %dma_wait3A_199 = arith.constant 0 : i32
      %dma_wait3A_200 = tpu.memref_slice %arg2[%dma_wait3A_198, %dma_wait3A_199] : memref<1000000x64xf32, #tpu.memory_space<hbm>> -> memref<1000000x64xf32, #tpu.memory_space<hbm>>
      tpu.wait_indirect_dma semaphore(%arg17 : memref<!tpu.dma_semaphore, #tpu.memory_space<semaphore_mem>>) src(%dma_wait3A_200 : memref<1000000x64xf32, #tpu.memory_space<hbm>>) dst(%arg9 : memref<100x64xf32, #tpu.memory_space<vmem>>)
      %gt3A_201 = arith.constant 0 : i32
      %gt3A_202 = arith.cmpi sgt, %add3A_141, %gt3A_201 : i32
      %convert_element_type3A_203 = arith.extui %gt3A_202 : i1 to i32
      %cond3A_204 = arith.constant 0 : i32
      %cond3A_205 = arith.cmpi ne, %convert_element_type3A_203, %cond3A_204 : i32
      scf.if %cond3A_205 {
        %jit3A_353 = arith.constant 2 : i32
        %div3A_354 = arith.divsi %mul3A_2, %jit3A_353 : i32
        %sign3A_355 = arith.constant 0 : i32
        %sign3A_356 = arith.cmpi sgt, %mul3A_2, %sign3A_355 : i32
        %sign3A_357 = arith.extui %sign3A_356 : i1 to i32
        %sign3A_358 = arith.constant 0 : i32
        %sign3A_359 = arith.cmpi slt, %mul3A_2, %sign3A_358 : i32
        %sign3A_360 = arith.extui %sign3A_359 : i1 to i32
        %sign3A_361 = arith.subi %sign3A_357, %sign3A_360 : i32
        %sign3A_362 = arith.constant 0 : i32
        %sign3A_363 = arith.cmpi sgt, %jit3A_353, %sign3A_362 : i32
        %sign3A_364 = arith.extui %sign3A_363 : i1 to i32
        %sign3A_365 = arith.constant 0 : i32
        %sign3A_366 = arith.cmpi slt, %jit3A_353, %sign3A_365 : i32
        %sign3A_367 = arith.extui %sign3A_366 : i1 to i32
        %sign3A_368 = arith.subi %sign3A_364, %sign3A_367 : i32
        %ne3A_369 = arith.cmpi ne, %sign3A_361, %sign3A_368 : i32
        %rem3A_370 = arith.remsi %mul3A_2, %jit3A_353 : i32
        %ne3A_371 = arith.constant 0 : i32
        %ne3A_372 = arith.cmpi ne, %rem3A_370, %ne3A_371 : i32
        %and3A_373 = arith.andi %ne3A_369, %ne3A_372 : i1
        %sub3A_374 = arith.constant 1 : i32
        %sub3A_375 = arith.subi %div3A_354, %sub3A_374 : i32
        %select_n3A_376 = arith.select %and3A_373, %sub3A_375, %div3A_354 : i32
        %dma_wait3A_377 = arith.constant 0 : i32
        %dma_wait3A_378 = tpu.memref_slice %arg5[%select_n3A_376, %dma_wait3A_377] : memref<409600x128xf32, #tpu.memory_space<hbm>> -> memref<50x128xf32, #tpu.memory_space<hbm>>
        %dma_wait3A_379 = arith.constant 0 : i32
        %dma_wait3A_380 = tpu.memref_slice %arg5[%select_n3A_376, %dma_wait3A_379] : memref<409600x128xf32, #tpu.memory_space<hbm>> -> memref<50x128xf32, #tpu.memory_space<hbm>>
        tpu.wait_dma2 semaphore(%arg21 : memref<!tpu.dma_semaphore, #tpu.memory_space<semaphore_mem>>) src(%arg13 : memref<50x128xf32, #tpu.memory_space<vmem>>) dst(%dma_wait3A_380 : memref<50x128xf32, #tpu.memory_space<hbm>>)
      } else {
      }
      %parallel_loop3A_206 = arith.constant 0 : i32
      %parallel_loop3A_207 = arith.constant 50 : i32
      %parallel_loop3A_208 = arith.constant 1 : i32
      scf.for %parallel_loop3A_353 = %parallel_loop3A_206 to %parallel_loop3A_207 step %parallel_loop3A_208  : i32 {
        %parallel_loop3A_354 = arith.constant 2 : i32
        %parallel_loop3A_355 = arith.muli %parallel_loop3A_354, %parallel_loop3A_353 : i32
        %parallel_loop3A_356 = arith.constant 0 : i32
        %parallel_loop3A_357 = arith.addi %parallel_loop3A_355, %parallel_loop3A_356 : i32
        %parallel_loop3A_358 = arith.index_cast %parallel_loop3A_357 : i32 to index
        %parallel_loop3A_359 = arith.constant 0 : index
        %parallel_loop3A_360 = tpu.vector_load %arg9[%parallel_loop3A_358, %parallel_loop3A_359] {strides = array<i32>} : memref<100x64xf32, #tpu.memory_space<vmem>>, vector<1x16xf32>,
        %parallel_loop3A_361 = vector.shape_cast %parallel_loop3A_360 : vector<1x16xf32> to vector<16xf32>
        %parallel_loop3A_362 = arith.constant 2 : i32
        %parallel_loop3A_363 = arith.muli %parallel_loop3A_362, %parallel_loop3A_353 : i32
        %parallel_loop3A_364 = arith.constant 100 : i32
        %parallel_loop3A_365 = arith.addi %parallel_loop3A_364, %parallel_loop3A_363 : i32
        %parallel_loop3A_366 = arith.constant 0 : i32
        %parallel_loop3A_367 = arith.addi %parallel_loop3A_365, %parallel_loop3A_366 : i32
        %parallel_loop3A_368 = arith.index_cast %parallel_loop3A_367 : i32 to index
        %parallel_loop3A_369 = arith.constant 0 : index
        %parallel_loop3A_370 = tpu.vector_load %arg7[%parallel_loop3A_368, %parallel_loop3A_369] {strides = array<i32>} : memref<200x64xf32, #tpu.memory_space<vmem>>, vector<1x16xf32>,
        %parallel_loop3A_371 = vector.shape_cast %parallel_loop3A_370 : vector<1x16xf32> to vector<16xf32>
        %parallel_loop3A_372 = arith.addf %parallel_loop3A_361, %parallel_loop3A_371 : vector<16xf32>
        %parallel_loop3A_373 = arith.index_cast %parallel_loop3A_353 : i32 to index
        %parallel_loop3A_374 = arith.constant 0 : index
        %parallel_loop3A_375 = tpu.vector_load %arg13[%parallel_loop3A_373, %parallel_loop3A_374] {strides = array<i32>} : memref<50x128xf32, #tpu.memory_space<vmem>>, vector<1x16xf32>,
        %parallel_loop3A_376 = vector.shape_cast %parallel_loop3A_375 : vector<1x16xf32> to vector<16xf32>
        %parallel_loop3A_377 = vector.shape_cast %parallel_loop3A_372 : vector<16xf32> to vector<1x16xf32>
        tpu.vector_store %arg13[%parallel_loop3A_373, %parallel_loop3A_374], %parallel_loop3A_377 {strides = array<i32>} : memref<50x128xf32, #tpu.memory_space<vmem>>, vector<1x16xf32>,
        %parallel_loop3A_378 = arith.constant 2 : i32
        %parallel_loop3A_379 = arith.muli %parallel_loop3A_378, %parallel_loop3A_353 : i32
        %parallel_loop3A_380 = arith.constant 0 : i32
        %parallel_loop3A_381 = arith.addi %parallel_loop3A_379, %parallel_loop3A_380 : i32
        %parallel_loop3A_382 = arith.index_cast %parallel_loop3A_381 : i32 to index
        %parallel_loop3A_383 = arith.constant 16 : index
        %parallel_loop3A_384 = tpu.vector_load %arg9[%parallel_loop3A_382, %parallel_loop3A_383] {strides = array<i32>} : memref<100x64xf32, #tpu.memory_space<vmem>>, vector<1x16xf32>,
        %parallel_loop3A_385 = vector.shape_cast %parallel_loop3A_384 : vector<1x16xf32> to vector<16xf32>
        %parallel_loop3A_386 = arith.constant 2 : i32
        %parallel_loop3A_387 = arith.muli %parallel_loop3A_386, %parallel_loop3A_353 : i32
        %parallel_loop3A_388 = arith.constant 100 : i32
        %parallel_loop3A_389 = arith.addi %parallel_loop3A_388, %parallel_loop3A_387 : i32
        %parallel_loop3A_390 = arith.constant 0 : i32
        %parallel_loop3A_391 = arith.addi %parallel_loop3A_389, %parallel_loop3A_390 : i32
        %parallel_loop3A_392 = arith.index_cast %parallel_loop3A_391 : i32 to index
        %parallel_loop3A_393 = arith.constant 16 : index
        %parallel_loop3A_394 = tpu.vector_load %arg7[%parallel_loop3A_392, %parallel_loop3A_393] {strides = array<i32>} : memref<200x64xf32, #tpu.memory_space<vmem>>, vector<1x16xf32>,
        %parallel_loop3A_395 = vector.shape_cast %parallel_loop3A_394 : vector<1x16xf32> to vector<16xf32>
        %parallel_loop3A_396 = arith.addf %parallel_loop3A_385, %parallel_loop3A_395 : vector<16xf32>
        %parallel_loop3A_397 = arith.index_cast %parallel_loop3A_353 : i32 to index
        %parallel_loop3A_398 = arith.constant 16 : index
        %parallel_loop3A_399 = tpu.vector_load %arg13[%parallel_loop3A_397, %parallel_loop3A_398] {strides = array<i32>} : memref<50x128xf32, #tpu.memory_space<vmem>>, vector<1x16xf32>,
        %parallel_loop3A_400 = vector.shape_cast %parallel_loop3A_399 : vector<1x16xf32> to vector<16xf32>
        %parallel_loop3A_401 = vector.shape_cast %parallel_loop3A_396 : vector<16xf32> to vector<1x16xf32>
        tpu.vector_store %arg13[%parallel_loop3A_397, %parallel_loop3A_398], %parallel_loop3A_401 {strides = array<i32>} : memref<50x128xf32, #tpu.memory_space<vmem>>, vector<1x16xf32>,
        %parallel_loop3A_402 = arith.constant 2 : i32
        %parallel_loop3A_403 = arith.muli %parallel_loop3A_402, %parallel_loop3A_353 : i32
        %parallel_loop3A_404 = arith.constant 0 : i32
        %parallel_loop3A_405 = arith.addi %parallel_loop3A_403, %parallel_loop3A_404 : i32
        %parallel_loop3A_406 = arith.index_cast %parallel_loop3A_405 : i32 to index
        %parallel_loop3A_407 = arith.constant 32 : index
        %parallel_loop3A_408 = tpu.vector_load %arg9[%parallel_loop3A_406, %parallel_loop3A_407] {strides = array<i32>} : memref<100x64xf32, #tpu.memory_space<vmem>>, vector<1x16xf32>,
        %parallel_loop3A_409 = vector.shape_cast %parallel_loop3A_408 : vector<1x16xf32> to vector<16xf32>
        %parallel_loop3A_410 = arith.constant 2 : i32
        %parallel_loop3A_411 = arith.muli %parallel_loop3A_410, %parallel_loop3A_353 : i32
        %parallel_loop3A_412 = arith.constant 100 : i32
        %parallel_loop3A_413 = arith.addi %parallel_loop3A_412, %parallel_loop3A_411 : i32
        %parallel_loop3A_414 = arith.constant 0 : i32
        %parallel_loop3A_415 = arith.addi %parallel_loop3A_413, %parallel_loop3A_414 : i32
        %parallel_loop3A_416 = arith.index_cast %parallel_loop3A_415 : i32 to index
        %parallel_loop3A_417 = arith.constant 32 : index
        %parallel_loop3A_418 = tpu.vector_load %arg7[%parallel_loop3A_416, %parallel_loop3A_417] {strides = array<i32>} : memref<200x64xf32, #tpu.memory_space<vmem>>, vector<1x16xf32>,
        %parallel_loop3A_419 = vector.shape_cast %parallel_loop3A_418 : vector<1x16xf32> to vector<16xf32>
        %parallel_loop3A_420 = arith.addf %parallel_loop3A_409, %parallel_loop3A_419 : vector<16xf32>
        %parallel_loop3A_421 = arith.index_cast %parallel_loop3A_353 : i32 to index
        %parallel_loop3A_422 = arith.constant 32 : index
        %parallel_loop3A_423 = tpu.vector_load %arg13[%parallel_loop3A_421, %parallel_loop3A_422] {strides = array<i32>} : memref<50x128xf32, #tpu.memory_space<vmem>>, vector<1x16xf32>,
        %parallel_loop3A_424 = vector.shape_cast %parallel_loop3A_423 : vector<1x16xf32> to vector<16xf32>
        %parallel_loop3A_425 = vector.shape_cast %parallel_loop3A_420 : vector<16xf32> to vector<1x16xf32>
        tpu.vector_store %arg13[%parallel_loop3A_421, %parallel_loop3A_422], %parallel_loop3A_425 {strides = array<i32>} : memref<50x128xf32, #tpu.memory_space<vmem>>, vector<1x16xf32>,
        %parallel_loop3A_426 = arith.constant 2 : i32
        %parallel_loop3A_427 = arith.muli %parallel_loop3A_426, %parallel_loop3A_353 : i32
        %parallel_loop3A_428 = arith.constant 0 : i32
        %parallel_loop3A_429 = arith.addi %parallel_loop3A_427, %parallel_loop3A_428 : i32
        %parallel_loop3A_430 = arith.index_cast %parallel_loop3A_429 : i32 to index
        %parallel_loop3A_431 = arith.constant 48 : index
        %parallel_loop3A_432 = tpu.vector_load %arg9[%parallel_loop3A_430, %parallel_loop3A_431] {strides = array<i32>} : memref<100x64xf32, #tpu.memory_space<vmem>>, vector<1x16xf32>,
        %parallel_loop3A_433 = vector.shape_cast %parallel_loop3A_432 : vector<1x16xf32> to vector<16xf32>
        %parallel_loop3A_434 = arith.constant 2 : i32
        %parallel_loop3A_435 = arith.muli %parallel_loop3A_434, %parallel_loop3A_353 : i32
        %parallel_loop3A_436 = arith.constant 100 : i32
        %parallel_loop3A_437 = arith.addi %parallel_loop3A_436, %parallel_loop3A_435 : i32
        %parallel_loop3A_438 = arith.constant 0 : i32
        %parallel_loop3A_439 = arith.addi %parallel_loop3A_437, %parallel_loop3A_438 : i32
        %parallel_loop3A_440 = arith.index_cast %parallel_loop3A_439 : i32 to index
        %parallel_loop3A_441 = arith.constant 48 : index
        %parallel_loop3A_442 = tpu.vector_load %arg7[%parallel_loop3A_440, %parallel_loop3A_441] {strides = array<i32>} : memref<200x64xf32, #tpu.memory_space<vmem>>, vector<1x16xf32>,
        %parallel_loop3A_443 = vector.shape_cast %parallel_loop3A_442 : vector<1x16xf32> to vector<16xf32>
        %parallel_loop3A_444 = arith.addf %parallel_loop3A_433, %parallel_loop3A_443 : vector<16xf32>
        %parallel_loop3A_445 = arith.index_cast %parallel_loop3A_353 : i32 to index
        %parallel_loop3A_446 = arith.constant 48 : index
        %parallel_loop3A_447 = tpu.vector_load %arg13[%parallel_loop3A_445, %parallel_loop3A_446] {strides = array<i32>} : memref<50x128xf32, #tpu.memory_space<vmem>>, vector<1x16xf32>,
        %parallel_loop3A_448 = vector.shape_cast %parallel_loop3A_447 : vector<1x16xf32> to vector<16xf32>
        %parallel_loop3A_449 = vector.shape_cast %parallel_loop3A_444 : vector<16xf32> to vector<1x16xf32>
        tpu.vector_store %arg13[%parallel_loop3A_445, %parallel_loop3A_446], %parallel_loop3A_449 {strides = array<i32>} : memref<50x128xf32, #tpu.memory_space<vmem>>, vector<1x16xf32>,
        %parallel_loop3A_450 = arith.constant 2 : i32
        %parallel_loop3A_451 = arith.muli %parallel_loop3A_450, %parallel_loop3A_353 : i32
        %parallel_loop3A_452 = arith.constant 1 : i32
        %parallel_loop3A_453 = arith.addi %parallel_loop3A_451, %parallel_loop3A_452 : i32
        %parallel_loop3A_454 = arith.index_cast %parallel_loop3A_453 : i32 to index
        %parallel_loop3A_455 = arith.constant 0 : index
        %parallel_loop3A_456 = tpu.vector_load %arg9[%parallel_loop3A_454, %parallel_loop3A_455] {strides = array<i32>} : memref<100x64xf32, #tpu.memory_space<vmem>>, vector<1x16xf32>,
        %parallel_loop3A_457 = vector.shape_cast %parallel_loop3A_456 : vector<1x16xf32> to vector<16xf32>
        %parallel_loop3A_458 = arith.constant 2 : i32
        %parallel_loop3A_459 = arith.muli %parallel_loop3A_458, %parallel_loop3A_353 : i32
        %parallel_loop3A_460 = arith.constant 100 : i32
        %parallel_loop3A_461 = arith.addi %parallel_loop3A_460, %parallel_loop3A_459 : i32
        %parallel_loop3A_462 = arith.constant 1 : i32
        %parallel_loop3A_463 = arith.addi %parallel_loop3A_461, %parallel_loop3A_462 : i32
        %parallel_loop3A_464 = arith.index_cast %parallel_loop3A_463 : i32 to index
        %parallel_loop3A_465 = arith.constant 0 : index
        %parallel_loop3A_466 = tpu.vector_load %arg7[%parallel_loop3A_464, %parallel_loop3A_465] {strides = array<i32>} : memref<200x64xf32, #tpu.memory_space<vmem>>, vector<1x16xf32>,
        %parallel_loop3A_467 = vector.shape_cast %parallel_loop3A_466 : vector<1x16xf32> to vector<16xf32>
        %parallel_loop3A_468 = arith.addf %parallel_loop3A_457, %parallel_loop3A_467 : vector<16xf32>
        %parallel_loop3A_469 = arith.index_cast %parallel_loop3A_353 : i32 to index
        %parallel_loop3A_470 = arith.constant 64 : index
        %parallel_loop3A_471 = tpu.vector_load %arg13[%parallel_loop3A_469, %parallel_loop3A_470] {strides = array<i32>} : memref<50x128xf32, #tpu.memory_space<vmem>>, vector<1x16xf32>,
        %parallel_loop3A_472 = vector.shape_cast %parallel_loop3A_471 : vector<1x16xf32> to vector<16xf32>
        %parallel_loop3A_473 = vector.shape_cast %parallel_loop3A_468 : vector<16xf32> to vector<1x16xf32>
        tpu.vector_store %arg13[%parallel_loop3A_469, %parallel_loop3A_470], %parallel_loop3A_473 {strides = array<i32>} : memref<50x128xf32, #tpu.memory_space<vmem>>, vector<1x16xf32>,
        %parallel_loop3A_474 = arith.constant 2 : i32
        %parallel_loop3A_475 = arith.muli %parallel_loop3A_474, %parallel_loop3A_353 : i32
        %parallel_loop3A_476 = arith.constant 1 : i32
        %parallel_loop3A_477 = arith.addi %parallel_loop3A_475, %parallel_loop3A_476 : i32
        %parallel_loop3A_478 = arith.index_cast %parallel_loop3A_477 : i32 to index
        %parallel_loop3A_479 = arith.constant 16 : index
        %parallel_loop3A_480 = tpu.vector_load %arg9[%parallel_loop3A_478, %parallel_loop3A_479] {strides = array<i32>} : memref<100x64xf32, #tpu.memory_space<vmem>>, vector<1x16xf32>,
        %parallel_loop3A_481 = vector.shape_cast %parallel_loop3A_480 : vector<1x16xf32> to vector<16xf32>
        %parallel_loop3A_482 = arith.constant 2 : i32
        %parallel_loop3A_483 = arith.muli %parallel_loop3A_482, %parallel_loop3A_353 : i32
        %parallel_loop3A_484 = arith.constant 100 : i32
        %parallel_loop3A_485 = arith.addi %parallel_loop3A_484, %parallel_loop3A_483 : i32
        %parallel_loop3A_486 = arith.constant 1 : i32
        %parallel_loop3A_487 = arith.addi %parallel_loop3A_485, %parallel_loop3A_486 : i32
        %parallel_loop3A_488 = arith.index_cast %parallel_loop3A_487 : i32 to index
        %parallel_loop3A_489 = arith.constant 16 : index
        %parallel_loop3A_490 = tpu.vector_load %arg7[%parallel_loop3A_488, %parallel_loop3A_489] {strides = array<i32>} : memref<200x64xf32, #tpu.memory_space<vmem>>, vector<1x16xf32>,
        %parallel_loop3A_491 = vector.shape_cast %parallel_loop3A_490 : vector<1x16xf32> to vector<16xf32>
        %parallel_loop3A_492 = arith.addf %parallel_loop3A_481, %parallel_loop3A_491 : vector<16xf32>
        %parallel_loop3A_493 = arith.index_cast %parallel_loop3A_353 : i32 to index
        %parallel_loop3A_494 = arith.constant 80 : index
        %parallel_loop3A_495 = tpu.vector_load %arg13[%parallel_loop3A_493, %parallel_loop3A_494] {strides = array<i32>} : memref<50x128xf32, #tpu.memory_space<vmem>>, vector<1x16xf32>,
        %parallel_loop3A_496 = vector.shape_cast %parallel_loop3A_495 : vector<1x16xf32> to vector<16xf32>
        %parallel_loop3A_497 = vector.shape_cast %parallel_loop3A_492 : vector<16xf32> to vector<1x16xf32>
        tpu.vector_store %arg13[%parallel_loop3A_493, %parallel_loop3A_494], %parallel_loop3A_497 {strides = array<i32>} : memref<50x128xf32, #tpu.memory_space<vmem>>, vector<1x16xf32>,
        %parallel_loop3A_498 = arith.constant 2 : i32
        %parallel_loop3A_499 = arith.muli %parallel_loop3A_498, %parallel_loop3A_353 : i32
        %parallel_loop3A_500 = arith.constant 1 : i32
        %parallel_loop3A_501 = arith.addi %parallel_loop3A_499, %parallel_loop3A_500 : i32
        %parallel_loop3A_502 = arith.index_cast %parallel_loop3A_501 : i32 to index
        %parallel_loop3A_503 = arith.constant 32 : index
        %parallel_loop3A_504 = tpu.vector_load %arg9[%parallel_loop3A_502, %parallel_loop3A_503] {strides = array<i32>} : memref<100x64xf32, #tpu.memory_space<vmem>>, vector<1x16xf32>,
        %parallel_loop3A_505 = vector.shape_cast %parallel_loop3A_504 : vector<1x16xf32> to vector<16xf32>
        %parallel_loop3A_506 = arith.constant 2 : i32
        %parallel_loop3A_507 = arith.muli %parallel_loop3A_506, %parallel_loop3A_353 : i32
        %parallel_loop3A_508 = arith.constant 100 : i32
        %parallel_loop3A_509 = arith.addi %parallel_loop3A_508, %parallel_loop3A_507 : i32
        %parallel_loop3A_510 = arith.constant 1 : i32
        %parallel_loop3A_511 = arith.addi %parallel_loop3A_509, %parallel_loop3A_510 : i32
        %parallel_loop3A_512 = arith.index_cast %parallel_loop3A_511 : i32 to index
        %parallel_loop3A_513 = arith.constant 32 : index
        %parallel_loop3A_514 = tpu.vector_load %arg7[%parallel_loop3A_512, %parallel_loop3A_513] {strides = array<i32>} : memref<200x64xf32, #tpu.memory_space<vmem>>, vector<1x16xf32>,
        %parallel_loop3A_515 = vector.shape_cast %parallel_loop3A_514 : vector<1x16xf32> to vector<16xf32>
        %parallel_loop3A_516 = arith.addf %parallel_loop3A_505, %parallel_loop3A_515 : vector<16xf32>
        %parallel_loop3A_517 = arith.index_cast %parallel_loop3A_353 : i32 to index
        %parallel_loop3A_518 = arith.constant 96 : index
        %parallel_loop3A_519 = tpu.vector_load %arg13[%parallel_loop3A_517, %parallel_loop3A_518] {strides = array<i32>} : memref<50x128xf32, #tpu.memory_space<vmem>>, vector<1x16xf32>,
        %parallel_loop3A_520 = vector.shape_cast %parallel_loop3A_519 : vector<1x16xf32> to vector<16xf32>
        %parallel_loop3A_521 = vector.shape_cast %parallel_loop3A_516 : vector<16xf32> to vector<1x16xf32>
        tpu.vector_store %arg13[%parallel_loop3A_517, %parallel_loop3A_518], %parallel_loop3A_521 {strides = array<i32>} : memref<50x128xf32, #tpu.memory_space<vmem>>, vector<1x16xf32>,
        %parallel_loop3A_522 = arith.constant 2 : i32
        %parallel_loop3A_523 = arith.muli %parallel_loop3A_522, %parallel_loop3A_353 : i32
        %parallel_loop3A_524 = arith.constant 1 : i32
        %parallel_loop3A_525 = arith.addi %parallel_loop3A_523, %parallel_loop3A_524 : i32
        %parallel_loop3A_526 = arith.index_cast %parallel_loop3A_525 : i32 to index
        %parallel_loop3A_527 = arith.constant 48 : index
        %parallel_loop3A_528 = tpu.vector_load %arg9[%parallel_loop3A_526, %parallel_loop3A_527] {strides = array<i32>} : memref<100x64xf32, #tpu.memory_space<vmem>>, vector<1x16xf32>,
        %parallel_loop3A_529 = vector.shape_cast %parallel_loop3A_528 : vector<1x16xf32> to vector<16xf32>
        %parallel_loop3A_530 = arith.constant 2 : i32
        %parallel_loop3A_531 = arith.muli %parallel_loop3A_530, %parallel_loop3A_353 : i32
        %parallel_loop3A_532 = arith.constant 100 : i32
        %parallel_loop3A_533 = arith.addi %parallel_loop3A_532, %parallel_loop3A_531 : i32
        %parallel_loop3A_534 = arith.constant 1 : i32
        %parallel_loop3A_535 = arith.addi %parallel_loop3A_533, %parallel_loop3A_534 : i32
        %parallel_loop3A_536 = arith.index_cast %parallel_loop3A_535 : i32 to index
        %parallel_loop3A_537 = arith.constant 48 : index
        %parallel_loop3A_538 = tpu.vector_load %arg7[%parallel_loop3A_536, %parallel_loop3A_537] {strides = array<i32>} : memref<200x64xf32, #tpu.memory_space<vmem>>, vector<1x16xf32>,
        %parallel_loop3A_539 = vector.shape_cast %parallel_loop3A_538 : vector<1x16xf32> to vector<16xf32>
        %parallel_loop3A_540 = arith.addf %parallel_loop3A_529, %parallel_loop3A_539 : vector<16xf32>
        %parallel_loop3A_541 = arith.index_cast %parallel_loop3A_353 : i32 to index
        %parallel_loop3A_542 = arith.constant 112 : index
        %parallel_loop3A_543 = tpu.vector_load %arg13[%parallel_loop3A_541, %parallel_loop3A_542] {strides = array<i32>} : memref<50x128xf32, #tpu.memory_space<vmem>>, vector<1x16xf32>,
        %parallel_loop3A_544 = vector.shape_cast %parallel_loop3A_543 : vector<1x16xf32> to vector<16xf32>
        %parallel_loop3A_545 = vector.shape_cast %parallel_loop3A_540 : vector<16xf32> to vector<1x16xf32>
        tpu.vector_store %arg13[%parallel_loop3A_541, %parallel_loop3A_542], %parallel_loop3A_545 {strides = array<i32>} : memref<50x128xf32, #tpu.memory_space<vmem>>, vector<1x16xf32>,
      } {sc.loop_unroll_factor = 10 : i64, sc.parallel_access}
      %mul3A_209 = arith.constant 100 : i32
      %mul3A_210 = arith.muli %add3A_194, %mul3A_209 : i32
      %add3A_211 = arith.addi %mul3A_2, %mul3A_210 : i32
      %jit3A_212 = arith.constant 2 : i32
      %div3A_213 = arith.divsi %add3A_211, %jit3A_212 : i32
      %sign3A_214 = arith.constant 0 : i32
      %sign3A_215 = arith.cmpi sgt, %add3A_211, %sign3A_214 : i32
      %sign3A_216 = arith.extui %sign3A_215 : i1 to i32
      %sign3A_217 = arith.constant 0 : i32
      %sign3A_218 = arith.cmpi slt, %add3A_211, %sign3A_217 : i32
      %sign3A_219 = arith.extui %sign3A_218 : i1 to i32
      %sign3A_220 = arith.subi %sign3A_216, %sign3A_219 : i32
      %sign3A_221 = arith.constant 0 : i32
      %sign3A_222 = arith.cmpi sgt, %jit3A_212, %sign3A_221 : i32
      %sign3A_223 = arith.extui %sign3A_222 : i1 to i32
      %sign3A_224 = arith.constant 0 : i32
      %sign3A_225 = arith.cmpi slt, %jit3A_212, %sign3A_224 : i32
      %sign3A_226 = arith.extui %sign3A_225 : i1 to i32
      %sign3A_227 = arith.subi %sign3A_223, %sign3A_226 : i32
      %ne3A_228 = arith.cmpi ne, %sign3A_220, %sign3A_227 : i32
      %rem3A_229 = arith.remsi %add3A_211, %jit3A_212 : i32
      %ne3A_230 = arith.constant 0 : i32
      %ne3A_231 = arith.cmpi ne, %rem3A_229, %ne3A_230 : i32
      %and3A_232 = arith.andi %ne3A_228, %ne3A_231 : i1
      %sub3A_233 = arith.constant 1 : i32
      %sub3A_234 = arith.subi %div3A_213, %sub3A_233 : i32
      %select_n3A_235 = arith.select %and3A_232, %sub3A_234, %div3A_213 : i32
      %dma_start3A_236 = arith.constant 0 : i32
      %dma_start3A_237 = tpu.memref_slice %arg5[%select_n3A_235, %dma_start3A_236] : memref<409600x128xf32, #tpu.memory_space<hbm>> -> memref<50x128xf32, #tpu.memory_space<hbm>>
      %dma_start3A_238 = arith.constant 0 : i32
      %dma_start3A_239 = tpu.memref_slice %arg5[%select_n3A_235, %dma_start3A_238] : memref<409600x128xf32, #tpu.memory_space<hbm>> -> memref<50x128xf32, #tpu.memory_space<hbm>>
      tpu.enqueue_dma source(%arg13 : memref<50x128xf32, #tpu.memory_space<vmem>>) target(%dma_start3A_239 : memref<50x128xf32, #tpu.memory_space<hbm>>) target_semaphore(%arg21 : memref<!tpu.dma_semaphore, #tpu.memory_space<semaphore_mem>>)
      %lt3A_240 = arith.constant 63 : i32
      %lt3A_241 = arith.cmpi slt, %add3A_141, %lt3A_240 : i32
      %convert_element_type3A_242 = arith.extui %lt3A_241 : i1 to i32
      %cond3A_243 = arith.constant 0 : i32
      %cond3A_244 = arith.cmpi ne, %convert_element_type3A_242, %cond3A_243 : i32
      scf.if %cond3A_244 {
        %add3A_353 = arith.constant 4 : i32
        %add3A_354 = arith.addi %add3A_194, %add3A_353 : i32
        %dma_start3A_355 = arith.constant 0 : i32
        %dma_start3A_356 = tpu.memref_slice %arg6[%add3A_354, %dma_start3A_355] : memref<256x100xi32, #tpu.memory_space<vmem>> -> memref<1x100xi32, #tpu.memory_space<vmem>>
        %dma_start3A_357 = tpu.memref_squeeze %dma_start3A_356 : memref<1x100xi32, #tpu.memory_space<vmem>> -> memref<100xi32, #tpu.memory_space<vmem>>
        %dma_start3A_358 = arith.constant 0 : i32
        %dma_start3A_359 = arith.constant 0 : i32
        %dma_start3A_360 = tpu.memref_slice %arg2[%dma_start3A_358, %dma_start3A_359] : memref<1000000x64xf32, #tpu.memory_space<hbm>> -> memref<1000000x64xf32, #tpu.memory_space<hbm>>
        tpu.enqueue_indirect_dma source(%dma_start3A_360 : memref<1000000x64xf32, #tpu.memory_space<hbm>>) target(%arg9 : memref<100x64xf32, #tpu.memory_space<vmem>>) offsets(%dma_start3A_357 : memref<100xi32, #tpu.memory_space<vmem>>) semaphore(%arg17 : memref<!tpu.dma_semaphore, #tpu.memory_space<semaphore_mem>>)
      } else {
      }
      %mul3A_245 = arith.constant 4 : i32
      %mul3A_246 = arith.muli %add3A_141, %mul3A_245 : i32
      %add3A_247 = arith.constant 2 : i32
      %add3A_248 = arith.addi %mul3A_246, %add3A_247 : i32
      %dma_wait3A_249 = arith.constant 0 : i32
      %dma_wait3A_250 = tpu.memref_slice %arg6[%add3A_248, %dma_wait3A_249] : memref<256x100xi32, #tpu.memory_space<vmem>> -> memref<1x100xi32, #tpu.memory_space<vmem>>
      %dma_wait3A_251 = tpu.memref_squeeze %dma_wait3A_250 : memref<1x100xi32, #tpu.memory_space<vmem>> -> memref<100xi32, #tpu.memory_space<vmem>>
      %dma_wait3A_252 = arith.constant 0 : i32
      %dma_wait3A_253 = arith.constant 0 : i32
      %dma_wait3A_254 = tpu.memref_slice %arg2[%dma_wait3A_252, %dma_wait3A_253] : memref<1000000x64xf32, #tpu.memory_space<hbm>> -> memref<1000000x64xf32, #tpu.memory_space<hbm>>
      tpu.wait_indirect_dma semaphore(%arg18 : memref<!tpu.dma_semaphore, #tpu.memory_space<semaphore_mem>>) src(%dma_wait3A_254 : memref<1000000x64xf32, #tpu.memory_space<hbm>>) dst(%arg10 : memref<100x64xf32, #tpu.memory_space<vmem>>)
      %gt3A_255 = arith.constant 0 : i32
      %gt3A_256 = arith.cmpi sgt, %add3A_141, %gt3A_255 : i32
      %convert_element_type3A_257 = arith.extui %gt3A_256 : i1 to i32
      %cond3A_258 = arith.constant 0 : i32
      %cond3A_259 = arith.cmpi ne, %convert_element_type3A_257, %cond3A_258 : i32
      scf.if %cond3A_259 {
        %jit3A_353 = arith.constant 2 : i32
        %div3A_354 = arith.divsi %mul3A_2, %jit3A_353 : i32
        %sign3A_355 = arith.constant 0 : i32
        %sign3A_356 = arith.cmpi sgt, %mul3A_2, %sign3A_355 : i32
        %sign3A_357 = arith.extui %sign3A_356 : i1 to i32
        %sign3A_358 = arith.constant 0 : i32
        %sign3A_359 = arith.cmpi slt, %mul3A_2, %sign3A_358 : i32
        %sign3A_360 = arith.extui %sign3A_359 : i1 to i32
        %sign3A_361 = arith.subi %sign3A_357, %sign3A_360 : i32
        %sign3A_362 = arith.constant 0 : i32
        %sign3A_363 = arith.cmpi sgt, %jit3A_353, %sign3A_362 : i32
        %sign3A_364 = arith.extui %sign3A_363 : i1 to i32
        %sign3A_365 = arith.constant 0 : i32
        %sign3A_366 = arith.cmpi slt, %jit3A_353, %sign3A_365 : i32
        %sign3A_367 = arith.extui %sign3A_366 : i1 to i32
        %sign3A_368 = arith.subi %sign3A_364, %sign3A_367 : i32
        %ne3A_369 = arith.cmpi ne, %sign3A_361, %sign3A_368 : i32
        %rem3A_370 = arith.remsi %mul3A_2, %jit3A_353 : i32
        %ne3A_371 = arith.constant 0 : i32
        %ne3A_372 = arith.cmpi ne, %rem3A_370, %ne3A_371 : i32
        %and3A_373 = arith.andi %ne3A_369, %ne3A_372 : i1
        %sub3A_374 = arith.constant 1 : i32
        %sub3A_375 = arith.subi %div3A_354, %sub3A_374 : i32
        %select_n3A_376 = arith.select %and3A_373, %sub3A_375, %div3A_354 : i32
        %dma_wait3A_377 = arith.constant 0 : i32
        %dma_wait3A_378 = tpu.memref_slice %arg5[%select_n3A_376, %dma_wait3A_377] : memref<409600x128xf32, #tpu.memory_space<hbm>> -> memref<50x128xf32, #tpu.memory_space<hbm>>
        %dma_wait3A_379 = arith.constant 0 : i32
        %dma_wait3A_380 = tpu.memref_slice %arg5[%select_n3A_376, %dma_wait3A_379] : memref<409600x128xf32, #tpu.memory_space<hbm>> -> memref<50x128xf32, #tpu.memory_space<hbm>>
        tpu.wait_dma2 semaphore(%arg22 : memref<!tpu.dma_semaphore, #tpu.memory_space<semaphore_mem>>) src(%arg14 : memref<50x128xf32, #tpu.memory_space<vmem>>) dst(%dma_wait3A_380 : memref<50x128xf32, #tpu.memory_space<hbm>>)
      } else {
      }
      %parallel_loop3A_260 = arith.constant 0 : i32
      %parallel_loop3A_261 = arith.constant 50 : i32
      %parallel_loop3A_262 = arith.constant 1 : i32
      scf.for %parallel_loop3A_353 = %parallel_loop3A_260 to %parallel_loop3A_261 step %parallel_loop3A_262  : i32 {
        %parallel_loop3A_354 = arith.constant 2 : i32
        %parallel_loop3A_355 = arith.muli %parallel_loop3A_354, %parallel_loop3A_353 : i32
        %parallel_loop3A_356 = arith.constant 0 : i32
        %parallel_loop3A_357 = arith.addi %parallel_loop3A_355, %parallel_loop3A_356 : i32
        %parallel_loop3A_358 = arith.index_cast %parallel_loop3A_357 : i32 to index
        %parallel_loop3A_359 = arith.constant 0 : index
        %parallel_loop3A_360 = tpu.vector_load %arg10[%parallel_loop3A_358, %parallel_loop3A_359] {strides = array<i32>} : memref<100x64xf32, #tpu.memory_space<vmem>>, vector<1x16xf32>,
        %parallel_loop3A_361 = vector.shape_cast %parallel_loop3A_360 : vector<1x16xf32> to vector<16xf32>
        %parallel_loop3A_362 = arith.constant 2 : i32
        %parallel_loop3A_363 = arith.muli %parallel_loop3A_362, %parallel_loop3A_353 : i32
        %parallel_loop3A_364 = arith.constant 0 : i32
        %parallel_loop3A_365 = arith.addi %parallel_loop3A_364, %parallel_loop3A_363 : i32
        %parallel_loop3A_366 = arith.constant 0 : i32
        %parallel_loop3A_367 = arith.addi %parallel_loop3A_365, %parallel_loop3A_366 : i32
        %parallel_loop3A_368 = arith.index_cast %parallel_loop3A_367 : i32 to index
        %parallel_loop3A_369 = arith.constant 0 : index
        %parallel_loop3A_370 = tpu.vector_load %arg7[%parallel_loop3A_368, %parallel_loop3A_369] {strides = array<i32>} : memref<200x64xf32, #tpu.memory_space<vmem>>, vector<1x16xf32>,
        %parallel_loop3A_371 = vector.shape_cast %parallel_loop3A_370 : vector<1x16xf32> to vector<16xf32>
        %parallel_loop3A_372 = arith.addf %parallel_loop3A_361, %parallel_loop3A_371 : vector<16xf32>
        %parallel_loop3A_373 = arith.index_cast %parallel_loop3A_353 : i32 to index
        %parallel_loop3A_374 = arith.constant 0 : index
        %parallel_loop3A_375 = tpu.vector_load %arg14[%parallel_loop3A_373, %parallel_loop3A_374] {strides = array<i32>} : memref<50x128xf32, #tpu.memory_space<vmem>>, vector<1x16xf32>,
        %parallel_loop3A_376 = vector.shape_cast %parallel_loop3A_375 : vector<1x16xf32> to vector<16xf32>
        %parallel_loop3A_377 = vector.shape_cast %parallel_loop3A_372 : vector<16xf32> to vector<1x16xf32>
        tpu.vector_store %arg14[%parallel_loop3A_373, %parallel_loop3A_374], %parallel_loop3A_377 {strides = array<i32>} : memref<50x128xf32, #tpu.memory_space<vmem>>, vector<1x16xf32>,
        %parallel_loop3A_378 = arith.constant 2 : i32
        %parallel_loop3A_379 = arith.muli %parallel_loop3A_378, %parallel_loop3A_353 : i32
        %parallel_loop3A_380 = arith.constant 0 : i32
        %parallel_loop3A_381 = arith.addi %parallel_loop3A_379, %parallel_loop3A_380 : i32
        %parallel_loop3A_382 = arith.index_cast %parallel_loop3A_381 : i32 to index
        %parallel_loop3A_383 = arith.constant 16 : index
        %parallel_loop3A_384 = tpu.vector_load %arg10[%parallel_loop3A_382, %parallel_loop3A_383] {strides = array<i32>} : memref<100x64xf32, #tpu.memory_space<vmem>>, vector<1x16xf32>,
        %parallel_loop3A_385 = vector.shape_cast %parallel_loop3A_384 : vector<1x16xf32> to vector<16xf32>
        %parallel_loop3A_386 = arith.constant 2 : i32
        %parallel_loop3A_387 = arith.muli %parallel_loop3A_386, %parallel_loop3A_353 : i32
        %parallel_loop3A_388 = arith.constant 0 : i32
        %parallel_loop3A_389 = arith.addi %parallel_loop3A_388, %parallel_loop3A_387 : i32
        %parallel_loop3A_390 = arith.constant 0 : i32
        %parallel_loop3A_391 = arith.addi %parallel_loop3A_389, %parallel_loop3A_390 : i32
        %parallel_loop3A_392 = arith.index_cast %parallel_loop3A_391 : i32 to index
        %parallel_loop3A_393 = arith.constant 16 : index
        %parallel_loop3A_394 = tpu.vector_load %arg7[%parallel_loop3A_392, %parallel_loop3A_393] {strides = array<i32>} : memref<200x64xf32, #tpu.memory_space<vmem>>, vector<1x16xf32>,
        %parallel_loop3A_395 = vector.shape_cast %parallel_loop3A_394 : vector<1x16xf32> to vector<16xf32>
        %parallel_loop3A_396 = arith.addf %parallel_loop3A_385, %parallel_loop3A_395 : vector<16xf32>
        %parallel_loop3A_397 = arith.index_cast %parallel_loop3A_353 : i32 to index
        %parallel_loop3A_398 = arith.constant 16 : index
        %parallel_loop3A_399 = tpu.vector_load %arg14[%parallel_loop3A_397, %parallel_loop3A_398] {strides = array<i32>} : memref<50x128xf32, #tpu.memory_space<vmem>>, vector<1x16xf32>,
        %parallel_loop3A_400 = vector.shape_cast %parallel_loop3A_399 : vector<1x16xf32> to vector<16xf32>
        %parallel_loop3A_401 = vector.shape_cast %parallel_loop3A_396 : vector<16xf32> to vector<1x16xf32>
        tpu.vector_store %arg14[%parallel_loop3A_397, %parallel_loop3A_398], %parallel_loop3A_401 {strides = array<i32>} : memref<50x128xf32, #tpu.memory_space<vmem>>, vector<1x16xf32>,
        %parallel_loop3A_402 = arith.constant 2 : i32
        %parallel_loop3A_403 = arith.muli %parallel_loop3A_402, %parallel_loop3A_353 : i32
        %parallel_loop3A_404 = arith.constant 0 : i32
        %parallel_loop3A_405 = arith.addi %parallel_loop3A_403, %parallel_loop3A_404 : i32
        %parallel_loop3A_406 = arith.index_cast %parallel_loop3A_405 : i32 to index
        %parallel_loop3A_407 = arith.constant 32 : index
        %parallel_loop3A_408 = tpu.vector_load %arg10[%parallel_loop3A_406, %parallel_loop3A_407] {strides = array<i32>} : memref<100x64xf32, #tpu.memory_space<vmem>>, vector<1x16xf32>,
        %parallel_loop3A_409 = vector.shape_cast %parallel_loop3A_408 : vector<1x16xf32> to vector<16xf32>
        %parallel_loop3A_410 = arith.constant 2 : i32
        %parallel_loop3A_411 = arith.muli %parallel_loop3A_410, %parallel_loop3A_353 : i32
        %parallel_loop3A_412 = arith.constant 0 : i32
        %parallel_loop3A_413 = arith.addi %parallel_loop3A_412, %parallel_loop3A_411 : i32
        %parallel_loop3A_414 = arith.constant 0 : i32
        %parallel_loop3A_415 = arith.addi %parallel_loop3A_413, %parallel_loop3A_414 : i32
        %parallel_loop3A_416 = arith.index_cast %parallel_loop3A_415 : i32 to index
        %parallel_loop3A_417 = arith.constant 32 : index
        %parallel_loop3A_418 = tpu.vector_load %arg7[%parallel_loop3A_416, %parallel_loop3A_417] {strides = array<i32>} : memref<200x64xf32, #tpu.memory_space<vmem>>, vector<1x16xf32>,
        %parallel_loop3A_419 = vector.shape_cast %parallel_loop3A_418 : vector<1x16xf32> to vector<16xf32>
        %parallel_loop3A_420 = arith.addf %parallel_loop3A_409, %parallel_loop3A_419 : vector<16xf32>
        %parallel_loop3A_421 = arith.index_cast %parallel_loop3A_353 : i32 to index
        %parallel_loop3A_422 = arith.constant 32 : index
        %parallel_loop3A_423 = tpu.vector_load %arg14[%parallel_loop3A_421, %parallel_loop3A_422] {strides = array<i32>} : memref<50x128xf32, #tpu.memory_space<vmem>>, vector<1x16xf32>,
        %parallel_loop3A_424 = vector.shape_cast %parallel_loop3A_423 : vector<1x16xf32> to vector<16xf32>
        %parallel_loop3A_425 = vector.shape_cast %parallel_loop3A_420 : vector<16xf32> to vector<1x16xf32>
        tpu.vector_store %arg14[%parallel_loop3A_421, %parallel_loop3A_422], %parallel_loop3A_425 {strides = array<i32>} : memref<50x128xf32, #tpu.memory_space<vmem>>, vector<1x16xf32>,
        %parallel_loop3A_426 = arith.constant 2 : i32
        %parallel_loop3A_427 = arith.muli %parallel_loop3A_426, %parallel_loop3A_353 : i32
        %parallel_loop3A_428 = arith.constant 0 : i32
        %parallel_loop3A_429 = arith.addi %parallel_loop3A_427, %parallel_loop3A_428 : i32
        %parallel_loop3A_430 = arith.index_cast %parallel_loop3A_429 : i32 to index
        %parallel_loop3A_431 = arith.constant 48 : index
        %parallel_loop3A_432 = tpu.vector_load %arg10[%parallel_loop3A_430, %parallel_loop3A_431] {strides = array<i32>} : memref<100x64xf32, #tpu.memory_space<vmem>>, vector<1x16xf32>,
        %parallel_loop3A_433 = vector.shape_cast %parallel_loop3A_432 : vector<1x16xf32> to vector<16xf32>
        %parallel_loop3A_434 = arith.constant 2 : i32
        %parallel_loop3A_435 = arith.muli %parallel_loop3A_434, %parallel_loop3A_353 : i32
        %parallel_loop3A_436 = arith.constant 0 : i32
        %parallel_loop3A_437 = arith.addi %parallel_loop3A_436, %parallel_loop3A_435 : i32
        %parallel_loop3A_438 = arith.constant 0 : i32
        %parallel_loop3A_439 = arith.addi %parallel_loop3A_437, %parallel_loop3A_438 : i32
        %parallel_loop3A_440 = arith.index_cast %parallel_loop3A_439 : i32 to index
        %parallel_loop3A_441 = arith.constant 48 : index
        %parallel_loop3A_442 = tpu.vector_load %arg7[%parallel_loop3A_440, %parallel_loop3A_441] {strides = array<i32>} : memref<200x64xf32, #tpu.memory_space<vmem>>, vector<1x16xf32>,
        %parallel_loop3A_443 = vector.shape_cast %parallel_loop3A_442 : vector<1x16xf32> to vector<16xf32>
        %parallel_loop3A_444 = arith.addf %parallel_loop3A_433, %parallel_loop3A_443 : vector<16xf32>
        %parallel_loop3A_445 = arith.index_cast %parallel_loop3A_353 : i32 to index
        %parallel_loop3A_446 = arith.constant 48 : index
        %parallel_loop3A_447 = tpu.vector_load %arg14[%parallel_loop3A_445, %parallel_loop3A_446] {strides = array<i32>} : memref<50x128xf32, #tpu.memory_space<vmem>>, vector<1x16xf32>,
        %parallel_loop3A_448 = vector.shape_cast %parallel_loop3A_447 : vector<1x16xf32> to vector<16xf32>
        %parallel_loop3A_449 = vector.shape_cast %parallel_loop3A_444 : vector<16xf32> to vector<1x16xf32>
        tpu.vector_store %arg14[%parallel_loop3A_445, %parallel_loop3A_446], %parallel_loop3A_449 {strides = array<i32>} : memref<50x128xf32, #tpu.memory_space<vmem>>, vector<1x16xf32>,
        %parallel_loop3A_450 = arith.constant 2 : i32
        %parallel_loop3A_451 = arith.muli %parallel_loop3A_450, %parallel_loop3A_353 : i32
        %parallel_loop3A_452 = arith.constant 1 : i32
        %parallel_loop3A_453 = arith.addi %parallel_loop3A_451, %parallel_loop3A_452 : i32
        %parallel_loop3A_454 = arith.index_cast %parallel_loop3A_453 : i32 to index
        %parallel_loop3A_455 = arith.constant 0 : index
        %parallel_loop3A_456 = tpu.vector_load %arg10[%parallel_loop3A_454, %parallel_loop3A_455] {strides = array<i32>} : memref<100x64xf32, #tpu.memory_space<vmem>>, vector<1x16xf32>,
        %parallel_loop3A_457 = vector.shape_cast %parallel_loop3A_456 : vector<1x16xf32> to vector<16xf32>
        %parallel_loop3A_458 = arith.constant 2 : i32
        %parallel_loop3A_459 = arith.muli %parallel_loop3A_458, %parallel_loop3A_353 : i32
        %parallel_loop3A_460 = arith.constant 0 : i32
        %parallel_loop3A_461 = arith.addi %parallel_loop3A_460, %parallel_loop3A_459 : i32
        %parallel_loop3A_462 = arith.constant 1 : i32
        %parallel_loop3A_463 = arith.addi %parallel_loop3A_461, %parallel_loop3A_462 : i32
        %parallel_loop3A_464 = arith.index_cast %parallel_loop3A_463 : i32 to index
        %parallel_loop3A_465 = arith.constant 0 : index
        %parallel_loop3A_466 = tpu.vector_load %arg7[%parallel_loop3A_464, %parallel_loop3A_465] {strides = array<i32>} : memref<200x64xf32, #tpu.memory_space<vmem>>, vector<1x16xf32>,
        %parallel_loop3A_467 = vector.shape_cast %parallel_loop3A_466 : vector<1x16xf32> to vector<16xf32>
        %parallel_loop3A_468 = arith.addf %parallel_loop3A_457, %parallel_loop3A_467 : vector<16xf32>
        %parallel_loop3A_469 = arith.index_cast %parallel_loop3A_353 : i32 to index
        %parallel_loop3A_470 = arith.constant 64 : index
        %parallel_loop3A_471 = tpu.vector_load %arg14[%parallel_loop3A_469, %parallel_loop3A_470] {strides = array<i32>} : memref<50x128xf32, #tpu.memory_space<vmem>>, vector<1x16xf32>,
        %parallel_loop3A_472 = vector.shape_cast %parallel_loop3A_471 : vector<1x16xf32> to vector<16xf32>
        %parallel_loop3A_473 = vector.shape_cast %parallel_loop3A_468 : vector<16xf32> to vector<1x16xf32>
        tpu.vector_store %arg14[%parallel_loop3A_469, %parallel_loop3A_470], %parallel_loop3A_473 {strides = array<i32>} : memref<50x128xf32, #tpu.memory_space<vmem>>, vector<1x16xf32>,
        %parallel_loop3A_474 = arith.constant 2 : i32
        %parallel_loop3A_475 = arith.muli %parallel_loop3A_474, %parallel_loop3A_353 : i32
        %parallel_loop3A_476 = arith.constant 1 : i32
        %parallel_loop3A_477 = arith.addi %parallel_loop3A_475, %parallel_loop3A_476 : i32
        %parallel_loop3A_478 = arith.index_cast %parallel_loop3A_477 : i32 to index
        %parallel_loop3A_479 = arith.constant 16 : index
        %parallel_loop3A_480 = tpu.vector_load %arg10[%parallel_loop3A_478, %parallel_loop3A_479] {strides = array<i32>} : memref<100x64xf32, #tpu.memory_space<vmem>>, vector<1x16xf32>,
        %parallel_loop3A_481 = vector.shape_cast %parallel_loop3A_480 : vector<1x16xf32> to vector<16xf32>
        %parallel_loop3A_482 = arith.constant 2 : i32
        %parallel_loop3A_483 = arith.muli %parallel_loop3A_482, %parallel_loop3A_353 : i32
        %parallel_loop3A_484 = arith.constant 0 : i32
        %parallel_loop3A_485 = arith.addi %parallel_loop3A_484, %parallel_loop3A_483 : i32
        %parallel_loop3A_486 = arith.constant 1 : i32
        %parallel_loop3A_487 = arith.addi %parallel_loop3A_485, %parallel_loop3A_486 : i32
        %parallel_loop3A_488 = arith.index_cast %parallel_loop3A_487 : i32 to index
        %parallel_loop3A_489 = arith.constant 16 : index
        %parallel_loop3A_490 = tpu.vector_load %arg7[%parallel_loop3A_488, %parallel_loop3A_489] {strides = array<i32>} : memref<200x64xf32, #tpu.memory_space<vmem>>, vector<1x16xf32>,
        %parallel_loop3A_491 = vector.shape_cast %parallel_loop3A_490 : vector<1x16xf32> to vector<16xf32>
        %parallel_loop3A_492 = arith.addf %parallel_loop3A_481, %parallel_loop3A_491 : vector<16xf32>
        %parallel_loop3A_493 = arith.index_cast %parallel_loop3A_353 : i32 to index
        %parallel_loop3A_494 = arith.constant 80 : index
        %parallel_loop3A_495 = tpu.vector_load %arg14[%parallel_loop3A_493, %parallel_loop3A_494] {strides = array<i32>} : memref<50x128xf32, #tpu.memory_space<vmem>>, vector<1x16xf32>,
        %parallel_loop3A_496 = vector.shape_cast %parallel_loop3A_495 : vector<1x16xf32> to vector<16xf32>
        %parallel_loop3A_497 = vector.shape_cast %parallel_loop3A_492 : vector<16xf32> to vector<1x16xf32>
        tpu.vector_store %arg14[%parallel_loop3A_493, %parallel_loop3A_494], %parallel_loop3A_497 {strides = array<i32>} : memref<50x128xf32, #tpu.memory_space<vmem>>, vector<1x16xf32>,
        %parallel_loop3A_498 = arith.constant 2 : i32
        %parallel_loop3A_499 = arith.muli %parallel_loop3A_498, %parallel_loop3A_353 : i32
        %parallel_loop3A_500 = arith.constant 1 : i32
        %parallel_loop3A_501 = arith.addi %parallel_loop3A_499, %parallel_loop3A_500 : i32
        %parallel_loop3A_502 = arith.index_cast %parallel_loop3A_501 : i32 to index
        %parallel_loop3A_503 = arith.constant 32 : index
        %parallel_loop3A_504 = tpu.vector_load %arg10[%parallel_loop3A_502, %parallel_loop3A_503] {strides = array<i32>} : memref<100x64xf32, #tpu.memory_space<vmem>>, vector<1x16xf32>,
        %parallel_loop3A_505 = vector.shape_cast %parallel_loop3A_504 : vector<1x16xf32> to vector<16xf32>
        %parallel_loop3A_506 = arith.constant 2 : i32
        %parallel_loop3A_507 = arith.muli %parallel_loop3A_506, %parallel_loop3A_353 : i32
        %parallel_loop3A_508 = arith.constant 0 : i32
        %parallel_loop3A_509 = arith.addi %parallel_loop3A_508, %parallel_loop3A_507 : i32
        %parallel_loop3A_510 = arith.constant 1 : i32
        %parallel_loop3A_511 = arith.addi %parallel_loop3A_509, %parallel_loop3A_510 : i32
        %parallel_loop3A_512 = arith.index_cast %parallel_loop3A_511 : i32 to index
        %parallel_loop3A_513 = arith.constant 32 : index
        %parallel_loop3A_514 = tpu.vector_load %arg7[%parallel_loop3A_512, %parallel_loop3A_513] {strides = array<i32>} : memref<200x64xf32, #tpu.memory_space<vmem>>, vector<1x16xf32>,
        %parallel_loop3A_515 = vector.shape_cast %parallel_loop3A_514 : vector<1x16xf32> to vector<16xf32>
        %parallel_loop3A_516 = arith.addf %parallel_loop3A_505, %parallel_loop3A_515 : vector<16xf32>
        %parallel_loop3A_517 = arith.index_cast %parallel_loop3A_353 : i32 to index
        %parallel_loop3A_518 = arith.constant 96 : index
        %parallel_loop3A_519 = tpu.vector_load %arg14[%parallel_loop3A_517, %parallel_loop3A_518] {strides = array<i32>} : memref<50x128xf32, #tpu.memory_space<vmem>>, vector<1x16xf32>,
        %parallel_loop3A_520 = vector.shape_cast %parallel_loop3A_519 : vector<1x16xf32> to vector<16xf32>
        %parallel_loop3A_521 = vector.shape_cast %parallel_loop3A_516 : vector<16xf32> to vector<1x16xf32>
        tpu.vector_store %arg14[%parallel_loop3A_517, %parallel_loop3A_518], %parallel_loop3A_521 {strides = array<i32>} : memref<50x128xf32, #tpu.memory_space<vmem>>, vector<1x16xf32>,
        %parallel_loop3A_522 = arith.constant 2 : i32
        %parallel_loop3A_523 = arith.muli %parallel_loop3A_522, %parallel_loop3A_353 : i32
        %parallel_loop3A_524 = arith.constant 1 : i32
        %parallel_loop3A_525 = arith.addi %parallel_loop3A_523, %parallel_loop3A_524 : i32
        %parallel_loop3A_526 = arith.index_cast %parallel_loop3A_525 : i32 to index
        %parallel_loop3A_527 = arith.constant 48 : index
        %parallel_loop3A_528 = tpu.vector_load %arg10[%parallel_loop3A_526, %parallel_loop3A_527] {strides = array<i32>} : memref<100x64xf32, #tpu.memory_space<vmem>>, vector<1x16xf32>,
        %parallel_loop3A_529 = vector.shape_cast %parallel_loop3A_528 : vector<1x16xf32> to vector<16xf32>
        %parallel_loop3A_530 = arith.constant 2 : i32
        %parallel_loop3A_531 = arith.muli %parallel_loop3A_530, %parallel_loop3A_353 : i32
        %parallel_loop3A_532 = arith.constant 0 : i32
        %parallel_loop3A_533 = arith.addi %parallel_loop3A_532, %parallel_loop3A_531 : i32
        %parallel_loop3A_534 = arith.constant 1 : i32
        %parallel_loop3A_535 = arith.addi %parallel_loop3A_533, %parallel_loop3A_534 : i32
        %parallel_loop3A_536 = arith.index_cast %parallel_loop3A_535 : i32 to index
        %parallel_loop3A_537 = arith.constant 48 : index
        %parallel_loop3A_538 = tpu.vector_load %arg7[%parallel_loop3A_536, %parallel_loop3A_537] {strides = array<i32>} : memref<200x64xf32, #tpu.memory_space<vmem>>, vector<1x16xf32>,
        %parallel_loop3A_539 = vector.shape_cast %parallel_loop3A_538 : vector<1x16xf32> to vector<16xf32>
        %parallel_loop3A_540 = arith.addf %parallel_loop3A_529, %parallel_loop3A_539 : vector<16xf32>
        %parallel_loop3A_541 = arith.index_cast %parallel_loop3A_353 : i32 to index
        %parallel_loop3A_542 = arith.constant 112 : index
        %parallel_loop3A_543 = tpu.vector_load %arg14[%parallel_loop3A_541, %parallel_loop3A_542] {strides = array<i32>} : memref<50x128xf32, #tpu.memory_space<vmem>>, vector<1x16xf32>,
        %parallel_loop3A_544 = vector.shape_cast %parallel_loop3A_543 : vector<1x16xf32> to vector<16xf32>
        %parallel_loop3A_545 = vector.shape_cast %parallel_loop3A_540 : vector<16xf32> to vector<1x16xf32>
        tpu.vector_store %arg14[%parallel_loop3A_541, %parallel_loop3A_542], %parallel_loop3A_545 {strides = array<i32>} : memref<50x128xf32, #tpu.memory_space<vmem>>, vector<1x16xf32>,
      } {sc.loop_unroll_factor = 10 : i64, sc.parallel_access}
      %mul3A_263 = arith.constant 100 : i32
      %mul3A_264 = arith.muli %add3A_248, %mul3A_263 : i32
      %add3A_265 = arith.addi %mul3A_2, %mul3A_264 : i32
      %jit3A_266 = arith.constant 2 : i32
      %div3A_267 = arith.divsi %add3A_265, %jit3A_266 : i32
      %sign3A_268 = arith.constant 0 : i32
      %sign3A_269 = arith.cmpi sgt, %add3A_265, %sign3A_268 : i32
      %sign3A_270 = arith.extui %sign3A_269 : i1 to i32
      %sign3A_271 = arith.constant 0 : i32
      %sign3A_272 = arith.cmpi slt, %add3A_265, %sign3A_271 : i32
      %sign3A_273 = arith.extui %sign3A_272 : i1 to i32
      %sign3A_274 = arith.subi %sign3A_270, %sign3A_273 : i32
      %sign3A_275 = arith.constant 0 : i32
      %sign3A_276 = arith.cmpi sgt, %jit3A_266, %sign3A_275 : i32
      %sign3A_277 = arith.extui %sign3A_276 : i1 to i32
      %sign3A_278 = arith.constant 0 : i32
      %sign3A_279 = arith.cmpi slt, %jit3A_266, %sign3A_278 : i32
      %sign3A_280 = arith.extui %sign3A_279 : i1 to i32
      %sign3A_281 = arith.subi %sign3A_277, %sign3A_280 : i32
      %ne3A_282 = arith.cmpi ne, %sign3A_274, %sign3A_281 : i32
      %rem3A_283 = arith.remsi %add3A_265, %jit3A_266 : i32
      %ne3A_284 = arith.constant 0 : i32
      %ne3A_285 = arith.cmpi ne, %rem3A_283, %ne3A_284 : i32
      %and3A_286 = arith.andi %ne3A_282, %ne3A_285 : i1
      %sub3A_287 = arith.constant 1 : i32
      %sub3A_288 = arith.subi %div3A_267, %sub3A_287 : i32
      %select_n3A_289 = arith.select %and3A_286, %sub3A_288, %div3A_267 : i32
      %dma_start3A_290 = arith.constant 0 : i32
      %dma_start3A_291 = tpu.memref_slice %arg5[%select_n3A_289, %dma_start3A_290] : memref<409600x128xf32, #tpu.memory_space<hbm>> -> memref<50x128xf32, #tpu.memory_space<hbm>>
      %dma_start3A_292 = arith.constant 0 : i32
      %dma_start3A_293 = tpu.memref_slice %arg5[%select_n3A_289, %dma_start3A_292] : memref<409600x128xf32, #tpu.memory_space<hbm>> -> memref<50x128xf32, #tpu.memory_space<hbm>>
      tpu.enqueue_dma source(%arg14 : memref<50x128xf32, #tpu.memory_space<vmem>>) target(%dma_start3A_293 : memref<50x128xf32, #tpu.memory_space<hbm>>) target_semaphore(%arg22 : memref<!tpu.dma_semaphore, #tpu.memory_space<semaphore_mem>>)
      %lt3A_294 = arith.constant 63 : i32
      %lt3A_295 = arith.cmpi slt, %add3A_141, %lt3A_294 : i32
      %convert_element_type3A_296 = arith.extui %lt3A_295 : i1 to i32
      %cond3A_297 = arith.constant 0 : i32
      %cond3A_298 = arith.cmpi ne, %convert_element_type3A_296, %cond3A_297 : i32
      scf.if %cond3A_298 {
        %add3A_353 = arith.constant 4 : i32
        %add3A_354 = arith.addi %add3A_248, %add3A_353 : i32
        %dma_start3A_355 = arith.constant 0 : i32
        %dma_start3A_356 = tpu.memref_slice %arg6[%add3A_354, %dma_start3A_355] : memref<256x100xi32, #tpu.memory_space<vmem>> -> memref<1x100xi32, #tpu.memory_space<vmem>>
        %dma_start3A_357 = tpu.memref_squeeze %dma_start3A_356 : memref<1x100xi32, #tpu.memory_space<vmem>> -> memref<100xi32, #tpu.memory_space<vmem>>
        %dma_start3A_358 = arith.constant 0 : i32
        %dma_start3A_359 = arith.constant 0 : i32
        %dma_start3A_360 = tpu.memref_slice %arg2[%dma_start3A_358, %dma_start3A_359] : memref<1000000x64xf32, #tpu.memory_space<hbm>> -> memref<1000000x64xf32, #tpu.memory_space<hbm>>
        tpu.enqueue_indirect_dma source(%dma_start3A_360 : memref<1000000x64xf32, #tpu.memory_space<hbm>>) target(%arg10 : memref<100x64xf32, #tpu.memory_space<vmem>>) offsets(%dma_start3A_357 : memref<100xi32, #tpu.memory_space<vmem>>) semaphore(%arg18 : memref<!tpu.dma_semaphore, #tpu.memory_space<semaphore_mem>>)
      } else {
      }
      %mul3A_299 = arith.constant 4 : i32
      %mul3A_300 = arith.muli %add3A_141, %mul3A_299 : i32
      %add3A_301 = arith.constant 3 : i32
      %add3A_302 = arith.addi %mul3A_300, %add3A_301 : i32
      %dma_wait3A_303 = arith.constant 0 : i32
      %dma_wait3A_304 = tpu.memref_slice %arg6[%add3A_302, %dma_wait3A_303] : memref<256x100xi32, #tpu.memory_space<vmem>> -> memref<1x100xi32, #tpu.memory_space<vmem>>
      %dma_wait3A_305 = tpu.memref_squeeze %dma_wait3A_304 : memref<1x100xi32, #tpu.memory_space<vmem>> -> memref<100xi32, #tpu.memory_space<vmem>>
      %dma_wait3A_306 = arith.constant 0 : i32
      %dma_wait3A_307 = arith.constant 0 : i32
      %dma_wait3A_308 = tpu.memref_slice %arg2[%dma_wait3A_306, %dma_wait3A_307] : memref<1000000x64xf32, #tpu.memory_space<hbm>> -> memref<1000000x64xf32, #tpu.memory_space<hbm>>
      tpu.wait_indirect_dma semaphore(%arg19 : memref<!tpu.dma_semaphore, #tpu.memory_space<semaphore_mem>>) src(%dma_wait3A_308 : memref<1000000x64xf32, #tpu.memory_space<hbm>>) dst(%arg11 : memref<100x64xf32, #tpu.memory_space<vmem>>)
      %gt3A_309 = arith.constant 0 : i32
      %gt3A_310 = arith.cmpi sgt, %add3A_141, %gt3A_309 : i32
      %convert_element_type3A_311 = arith.extui %gt3A_310 : i1 to i32
      %cond3A_312 = arith.constant 0 : i32
      %cond3A_313 = arith.cmpi ne, %convert_element_type3A_311, %cond3A_312 : i32
      scf.if %cond3A_313 {
        %jit3A_353 = arith.constant 2 : i32
        %div3A_354 = arith.divsi %mul3A_2, %jit3A_353 : i32
        %sign3A_355 = arith.constant 0 : i32
        %sign3A_356 = arith.cmpi sgt, %mul3A_2, %sign3A_355 : i32
        %sign3A_357 = arith.extui %sign3A_356 : i1 to i32
        %sign3A_358 = arith.constant 0 : i32
        %sign3A_359 = arith.cmpi slt, %mul3A_2, %sign3A_358 : i32
        %sign3A_360 = arith.extui %sign3A_359 : i1 to i32
        %sign3A_361 = arith.subi %sign3A_357, %sign3A_360 : i32
        %sign3A_362 = arith.constant 0 : i32
        %sign3A_363 = arith.cmpi sgt, %jit3A_353, %sign3A_362 : i32
        %sign3A_364 = arith.extui %sign3A_363 : i1 to i32
        %sign3A_365 = arith.constant 0 : i32
        %sign3A_366 = arith.cmpi slt, %jit3A_353, %sign3A_365 : i32
        %sign3A_367 = arith.extui %sign3A_366 : i1 to i32
        %sign3A_368 = arith.subi %sign3A_364, %sign3A_367 : i32
        %ne3A_369 = arith.cmpi ne, %sign3A_361, %sign3A_368 : i32
        %rem3A_370 = arith.remsi %mul3A_2, %jit3A_353 : i32
        %ne3A_371 = arith.constant 0 : i32
        %ne3A_372 = arith.cmpi ne, %rem3A_370, %ne3A_371 : i32
        %and3A_373 = arith.andi %ne3A_369, %ne3A_372 : i1
        %sub3A_374 = arith.constant 1 : i32
        %sub3A_375 = arith.subi %div3A_354, %sub3A_374 : i32
        %select_n3A_376 = arith.select %and3A_373, %sub3A_375, %div3A_354 : i32
        %dma_wait3A_377 = arith.constant 0 : i32
        %dma_wait3A_378 = tpu.memref_slice %arg5[%select_n3A_376, %dma_wait3A_377] : memref<409600x128xf32, #tpu.memory_space<hbm>> -> memref<50x128xf32, #tpu.memory_space<hbm>>
        %dma_wait3A_379 = arith.constant 0 : i32
        %dma_wait3A_380 = tpu.memref_slice %arg5[%select_n3A_376, %dma_wait3A_379] : memref<409600x128xf32, #tpu.memory_space<hbm>> -> memref<50x128xf32, #tpu.memory_space<hbm>>
        tpu.wait_dma2 semaphore(%arg23 : memref<!tpu.dma_semaphore, #tpu.memory_space<semaphore_mem>>) src(%arg15 : memref<50x128xf32, #tpu.memory_space<vmem>>) dst(%dma_wait3A_380 : memref<50x128xf32, #tpu.memory_space<hbm>>)
      } else {
      }
      %parallel_loop3A_314 = arith.constant 0 : i32
      %parallel_loop3A_315 = arith.constant 50 : i32
      %parallel_loop3A_316 = arith.constant 1 : i32
      scf.for %parallel_loop3A_353 = %parallel_loop3A_314 to %parallel_loop3A_315 step %parallel_loop3A_316  : i32 {
        %parallel_loop3A_354 = arith.constant 2 : i32
        %parallel_loop3A_355 = arith.muli %parallel_loop3A_354, %parallel_loop3A_353 : i32
        %parallel_loop3A_356 = arith.constant 0 : i32
        %parallel_loop3A_357 = arith.addi %parallel_loop3A_355, %parallel_loop3A_356 : i32
        %parallel_loop3A_358 = arith.index_cast %parallel_loop3A_357 : i32 to index
        %parallel_loop3A_359 = arith.constant 0 : index
        %parallel_loop3A_360 = tpu.vector_load %arg11[%parallel_loop3A_358, %parallel_loop3A_359] {strides = array<i32>} : memref<100x64xf32, #tpu.memory_space<vmem>>, vector<1x16xf32>,
        %parallel_loop3A_361 = vector.shape_cast %parallel_loop3A_360 : vector<1x16xf32> to vector<16xf32>
        %parallel_loop3A_362 = arith.constant 2 : i32
        %parallel_loop3A_363 = arith.muli %parallel_loop3A_362, %parallel_loop3A_353 : i32
        %parallel_loop3A_364 = arith.constant 100 : i32
        %parallel_loop3A_365 = arith.addi %parallel_loop3A_364, %parallel_loop3A_363 : i32
        %parallel_loop3A_366 = arith.constant 0 : i32
        %parallel_loop3A_367 = arith.addi %parallel_loop3A_365, %parallel_loop3A_366 : i32
        %parallel_loop3A_368 = arith.index_cast %parallel_loop3A_367 : i32 to index
        %parallel_loop3A_369 = arith.constant 0 : index
        %parallel_loop3A_370 = tpu.vector_load %arg7[%parallel_loop3A_368, %parallel_loop3A_369] {strides = array<i32>} : memref<200x64xf32, #tpu.memory_space<vmem>>, vector<1x16xf32>,
        %parallel_loop3A_371 = vector.shape_cast %parallel_loop3A_370 : vector<1x16xf32> to vector<16xf32>
        %parallel_loop3A_372 = arith.addf %parallel_loop3A_361, %parallel_loop3A_371 : vector<16xf32>
        %parallel_loop3A_373 = arith.index_cast %parallel_loop3A_353 : i32 to index
        %parallel_loop3A_374 = arith.constant 0 : index
        %parallel_loop3A_375 = tpu.vector_load %arg15[%parallel_loop3A_373, %parallel_loop3A_374] {strides = array<i32>} : memref<50x128xf32, #tpu.memory_space<vmem>>, vector<1x16xf32>,
        %parallel_loop3A_376 = vector.shape_cast %parallel_loop3A_375 : vector<1x16xf32> to vector<16xf32>
        %parallel_loop3A_377 = vector.shape_cast %parallel_loop3A_372 : vector<16xf32> to vector<1x16xf32>
        tpu.vector_store %arg15[%parallel_loop3A_373, %parallel_loop3A_374], %parallel_loop3A_377 {strides = array<i32>} : memref<50x128xf32, #tpu.memory_space<vmem>>, vector<1x16xf32>,
        %parallel_loop3A_378 = arith.constant 2 : i32
        %parallel_loop3A_379 = arith.muli %parallel_loop3A_378, %parallel_loop3A_353 : i32
        %parallel_loop3A_380 = arith.constant 0 : i32
        %parallel_loop3A_381 = arith.addi %parallel_loop3A_379, %parallel_loop3A_380 : i32
        %parallel_loop3A_382 = arith.index_cast %parallel_loop3A_381 : i32 to index
        %parallel_loop3A_383 = arith.constant 16 : index
        %parallel_loop3A_384 = tpu.vector_load %arg11[%parallel_loop3A_382, %parallel_loop3A_383] {strides = array<i32>} : memref<100x64xf32, #tpu.memory_space<vmem>>, vector<1x16xf32>,
        %parallel_loop3A_385 = vector.shape_cast %parallel_loop3A_384 : vector<1x16xf32> to vector<16xf32>
        %parallel_loop3A_386 = arith.constant 2 : i32
        %parallel_loop3A_387 = arith.muli %parallel_loop3A_386, %parallel_loop3A_353 : i32
        %parallel_loop3A_388 = arith.constant 100 : i32
        %parallel_loop3A_389 = arith.addi %parallel_loop3A_388, %parallel_loop3A_387 : i32
        %parallel_loop3A_390 = arith.constant 0 : i32
        %parallel_loop3A_391 = arith.addi %parallel_loop3A_389, %parallel_loop3A_390 : i32
        %parallel_loop3A_392 = arith.index_cast %parallel_loop3A_391 : i32 to index
        %parallel_loop3A_393 = arith.constant 16 : index
        %parallel_loop3A_394 = tpu.vector_load %arg7[%parallel_loop3A_392, %parallel_loop3A_393] {strides = array<i32>} : memref<200x64xf32, #tpu.memory_space<vmem>>, vector<1x16xf32>,
        %parallel_loop3A_395 = vector.shape_cast %parallel_loop3A_394 : vector<1x16xf32> to vector<16xf32>
        %parallel_loop3A_396 = arith.addf %parallel_loop3A_385, %parallel_loop3A_395 : vector<16xf32>
        %parallel_loop3A_397 = arith.index_cast %parallel_loop3A_353 : i32 to index
        %parallel_loop3A_398 = arith.constant 16 : index
        %parallel_loop3A_399 = tpu.vector_load %arg15[%parallel_loop3A_397, %parallel_loop3A_398] {strides = array<i32>} : memref<50x128xf32, #tpu.memory_space<vmem>>, vector<1x16xf32>,
        %parallel_loop3A_400 = vector.shape_cast %parallel_loop3A_399 : vector<1x16xf32> to vector<16xf32>
        %parallel_loop3A_401 = vector.shape_cast %parallel_loop3A_396 : vector<16xf32> to vector<1x16xf32>
        tpu.vector_store %arg15[%parallel_loop3A_397, %parallel_loop3A_398], %parallel_loop3A_401 {strides = array<i32>} : memref<50x128xf32, #tpu.memory_space<vmem>>, vector<1x16xf32>,
        %parallel_loop3A_402 = arith.constant 2 : i32
        %parallel_loop3A_403 = arith.muli %parallel_loop3A_402, %parallel_loop3A_353 : i32
        %parallel_loop3A_404 = arith.constant 0 : i32
        %parallel_loop3A_405 = arith.addi %parallel_loop3A_403, %parallel_loop3A_404 : i32
        %parallel_loop3A_406 = arith.index_cast %parallel_loop3A_405 : i32 to index
        %parallel_loop3A_407 = arith.constant 32 : index
        %parallel_loop3A_408 = tpu.vector_load %arg11[%parallel_loop3A_406, %parallel_loop3A_407] {strides = array<i32>} : memref<100x64xf32, #tpu.memory_space<vmem>>, vector<1x16xf32>,
        %parallel_loop3A_409 = vector.shape_cast %parallel_loop3A_408 : vector<1x16xf32> to vector<16xf32>
        %parallel_loop3A_410 = arith.constant 2 : i32
        %parallel_loop3A_411 = arith.muli %parallel_loop3A_410, %parallel_loop3A_353 : i32
        %parallel_loop3A_412 = arith.constant 100 : i32
        %parallel_loop3A_413 = arith.addi %parallel_loop3A_412, %parallel_loop3A_411 : i32
        %parallel_loop3A_414 = arith.constant 0 : i32
        %parallel_loop3A_415 = arith.addi %parallel_loop3A_413, %parallel_loop3A_414 : i32
        %parallel_loop3A_416 = arith.index_cast %parallel_loop3A_415 : i32 to index
        %parallel_loop3A_417 = arith.constant 32 : index
        %parallel_loop3A_418 = tpu.vector_load %arg7[%parallel_loop3A_416, %parallel_loop3A_417] {strides = array<i32>} : memref<200x64xf32, #tpu.memory_space<vmem>>, vector<1x16xf32>,
        %parallel_loop3A_419 = vector.shape_cast %parallel_loop3A_418 : vector<1x16xf32> to vector<16xf32>
        %parallel_loop3A_420 = arith.addf %parallel_loop3A_409, %parallel_loop3A_419 : vector<16xf32>
        %parallel_loop3A_421 = arith.index_cast %parallel_loop3A_353 : i32 to index
        %parallel_loop3A_422 = arith.constant 32 : index
        %parallel_loop3A_423 = tpu.vector_load %arg15[%parallel_loop3A_421, %parallel_loop3A_422] {strides = array<i32>} : memref<50x128xf32, #tpu.memory_space<vmem>>, vector<1x16xf32>,
        %parallel_loop3A_424 = vector.shape_cast %parallel_loop3A_423 : vector<1x16xf32> to vector<16xf32>
        %parallel_loop3A_425 = vector.shape_cast %parallel_loop3A_420 : vector<16xf32> to vector<1x16xf32>
        tpu.vector_store %arg15[%parallel_loop3A_421, %parallel_loop3A_422], %parallel_loop3A_425 {strides = array<i32>} : memref<50x128xf32, #tpu.memory_space<vmem>>, vector<1x16xf32>,
        %parallel_loop3A_426 = arith.constant 2 : i32
        %parallel_loop3A_427 = arith.muli %parallel_loop3A_426, %parallel_loop3A_353 : i32
        %parallel_loop3A_428 = arith.constant 0 : i32
        %parallel_loop3A_429 = arith.addi %parallel_loop3A_427, %parallel_loop3A_428 : i32
        %parallel_loop3A_430 = arith.index_cast %parallel_loop3A_429 : i32 to index
        %parallel_loop3A_431 = arith.constant 48 : index
        %parallel_loop3A_432 = tpu.vector_load %arg11[%parallel_loop3A_430, %parallel_loop3A_431] {strides = array<i32>} : memref<100x64xf32, #tpu.memory_space<vmem>>, vector<1x16xf32>,
        %parallel_loop3A_433 = vector.shape_cast %parallel_loop3A_432 : vector<1x16xf32> to vector<16xf32>
        %parallel_loop3A_434 = arith.constant 2 : i32
        %parallel_loop3A_435 = arith.muli %parallel_loop3A_434, %parallel_loop3A_353 : i32
        %parallel_loop3A_436 = arith.constant 100 : i32
        %parallel_loop3A_437 = arith.addi %parallel_loop3A_436, %parallel_loop3A_435 : i32
        %parallel_loop3A_438 = arith.constant 0 : i32
        %parallel_loop3A_439 = arith.addi %parallel_loop3A_437, %parallel_loop3A_438 : i32
        %parallel_loop3A_440 = arith.index_cast %parallel_loop3A_439 : i32 to index
        %parallel_loop3A_441 = arith.constant 48 : index
        %parallel_loop3A_442 = tpu.vector_load %arg7[%parallel_loop3A_440, %parallel_loop3A_441] {strides = array<i32>} : memref<200x64xf32, #tpu.memory_space<vmem>>, vector<1x16xf32>,
        %parallel_loop3A_443 = vector.shape_cast %parallel_loop3A_442 : vector<1x16xf32> to vector<16xf32>
        %parallel_loop3A_444 = arith.addf %parallel_loop3A_433, %parallel_loop3A_443 : vector<16xf32>
        %parallel_loop3A_445 = arith.index_cast %parallel_loop3A_353 : i32 to index
        %parallel_loop3A_446 = arith.constant 48 : index
        %parallel_loop3A_447 = tpu.vector_load %arg15[%parallel_loop3A_445, %parallel_loop3A_446] {strides = array<i32>} : memref<50x128xf32, #tpu.memory_space<vmem>>, vector<1x16xf32>,
        %parallel_loop3A_448 = vector.shape_cast %parallel_loop3A_447 : vector<1x16xf32> to vector<16xf32>
        %parallel_loop3A_449 = vector.shape_cast %parallel_loop3A_444 : vector<16xf32> to vector<1x16xf32>
        tpu.vector_store %arg15[%parallel_loop3A_445, %parallel_loop3A_446], %parallel_loop3A_449 {strides = array<i32>} : memref<50x128xf32, #tpu.memory_space<vmem>>, vector<1x16xf32>,
        %parallel_loop3A_450 = arith.constant 2 : i32
        %parallel_loop3A_451 = arith.muli %parallel_loop3A_450, %parallel_loop3A_353 : i32
        %parallel_loop3A_452 = arith.constant 1 : i32
        %parallel_loop3A_453 = arith.addi %parallel_loop3A_451, %parallel_loop3A_452 : i32
        %parallel_loop3A_454 = arith.index_cast %parallel_loop3A_453 : i32 to index
        %parallel_loop3A_455 = arith.constant 0 : index
        %parallel_loop3A_456 = tpu.vector_load %arg11[%parallel_loop3A_454, %parallel_loop3A_455] {strides = array<i32>} : memref<100x64xf32, #tpu.memory_space<vmem>>, vector<1x16xf32>,
        %parallel_loop3A_457 = vector.shape_cast %parallel_loop3A_456 : vector<1x16xf32> to vector<16xf32>
        %parallel_loop3A_458 = arith.constant 2 : i32
        %parallel_loop3A_459 = arith.muli %parallel_loop3A_458, %parallel_loop3A_353 : i32
        %parallel_loop3A_460 = arith.constant 100 : i32
        %parallel_loop3A_461 = arith.addi %parallel_loop3A_460, %parallel_loop3A_459 : i32
        %parallel_loop3A_462 = arith.constant 1 : i32
        %parallel_loop3A_463 = arith.addi %parallel_loop3A_461, %parallel_loop3A_462 : i32
        %parallel_loop3A_464 = arith.index_cast %parallel_loop3A_463 : i32 to index
        %parallel_loop3A_465 = arith.constant 0 : index
        %parallel_loop3A_466 = tpu.vector_load %arg7[%parallel_loop3A_464, %parallel_loop3A_465] {strides = array<i32>} : memref<200x64xf32, #tpu.memory_space<vmem>>, vector<1x16xf32>,
        %parallel_loop3A_467 = vector.shape_cast %parallel_loop3A_466 : vector<1x16xf32> to vector<16xf32>
        %parallel_loop3A_468 = arith.addf %parallel_loop3A_457, %parallel_loop3A_467 : vector<16xf32>
        %parallel_loop3A_469 = arith.index_cast %parallel_loop3A_353 : i32 to index
        %parallel_loop3A_470 = arith.constant 64 : index
        %parallel_loop3A_471 = tpu.vector_load %arg15[%parallel_loop3A_469, %parallel_loop3A_470] {strides = array<i32>} : memref<50x128xf32, #tpu.memory_space<vmem>>, vector<1x16xf32>,
        %parallel_loop3A_472 = vector.shape_cast %parallel_loop3A_471 : vector<1x16xf32> to vector<16xf32>
        %parallel_loop3A_473 = vector.shape_cast %parallel_loop3A_468 : vector<16xf32> to vector<1x16xf32>
        tpu.vector_store %arg15[%parallel_loop3A_469, %parallel_loop3A_470], %parallel_loop3A_473 {strides = array<i32>} : memref<50x128xf32, #tpu.memory_space<vmem>>, vector<1x16xf32>,
        %parallel_loop3A_474 = arith.constant 2 : i32
        %parallel_loop3A_475 = arith.muli %parallel_loop3A_474, %parallel_loop3A_353 : i32
        %parallel_loop3A_476 = arith.constant 1 : i32
        %parallel_loop3A_477 = arith.addi %parallel_loop3A_475, %parallel_loop3A_476 : i32
        %parallel_loop3A_478 = arith.index_cast %parallel_loop3A_477 : i32 to index
        %parallel_loop3A_479 = arith.constant 16 : index
        %parallel_loop3A_480 = tpu.vector_load %arg11[%parallel_loop3A_478, %parallel_loop3A_479] {strides = array<i32>} : memref<100x64xf32, #tpu.memory_space<vmem>>, vector<1x16xf32>,
        %parallel_loop3A_481 = vector.shape_cast %parallel_loop3A_480 : vector<1x16xf32> to vector<16xf32>
        %parallel_loop3A_482 = arith.constant 2 : i32
        %parallel_loop3A_483 = arith.muli %parallel_loop3A_482, %parallel_loop3A_353 : i32
        %parallel_loop3A_484 = arith.constant 100 : i32
        %parallel_loop3A_485 = arith.addi %parallel_loop3A_484, %parallel_loop3A_483 : i32
        %parallel_loop3A_486 = arith.constant 1 : i32
        %parallel_loop3A_487 = arith.addi %parallel_loop3A_485, %parallel_loop3A_486 : i32
        %parallel_loop3A_488 = arith.index_cast %parallel_loop3A_487 : i32 to index
        %parallel_loop3A_489 = arith.constant 16 : index
        %parallel_loop3A_490 = tpu.vector_load %arg7[%parallel_loop3A_488, %parallel_loop3A_489] {strides = array<i32>} : memref<200x64xf32, #tpu.memory_space<vmem>>, vector<1x16xf32>,
        %parallel_loop3A_491 = vector.shape_cast %parallel_loop3A_490 : vector<1x16xf32> to vector<16xf32>
        %parallel_loop3A_492 = arith.addf %parallel_loop3A_481, %parallel_loop3A_491 : vector<16xf32>
        %parallel_loop3A_493 = arith.index_cast %parallel_loop3A_353 : i32 to index
        %parallel_loop3A_494 = arith.constant 80 : index
        %parallel_loop3A_495 = tpu.vector_load %arg15[%parallel_loop3A_493, %parallel_loop3A_494] {strides = array<i32>} : memref<50x128xf32, #tpu.memory_space<vmem>>, vector<1x16xf32>,
        %parallel_loop3A_496 = vector.shape_cast %parallel_loop3A_495 : vector<1x16xf32> to vector<16xf32>
        %parallel_loop3A_497 = vector.shape_cast %parallel_loop3A_492 : vector<16xf32> to vector<1x16xf32>
        tpu.vector_store %arg15[%parallel_loop3A_493, %parallel_loop3A_494], %parallel_loop3A_497 {strides = array<i32>} : memref<50x128xf32, #tpu.memory_space<vmem>>, vector<1x16xf32>,
        %parallel_loop3A_498 = arith.constant 2 : i32
        %parallel_loop3A_499 = arith.muli %parallel_loop3A_498, %parallel_loop3A_353 : i32
        %parallel_loop3A_500 = arith.constant 1 : i32
        %parallel_loop3A_501 = arith.addi %parallel_loop3A_499, %parallel_loop3A_500 : i32
        %parallel_loop3A_502 = arith.index_cast %parallel_loop3A_501 : i32 to index
        %parallel_loop3A_503 = arith.constant 32 : index
        %parallel_loop3A_504 = tpu.vector_load %arg11[%parallel_loop3A_502, %parallel_loop3A_503] {strides = array<i32>} : memref<100x64xf32, #tpu.memory_space<vmem>>, vector<1x16xf32>,
        %parallel_loop3A_505 = vector.shape_cast %parallel_loop3A_504 : vector<1x16xf32> to vector<16xf32>
        %parallel_loop3A_506 = arith.constant 2 : i32
        %parallel_loop3A_507 = arith.muli %parallel_loop3A_506, %parallel_loop3A_353 : i32
        %parallel_loop3A_508 = arith.constant 100 : i32
        %parallel_loop3A_509 = arith.addi %parallel_loop3A_508, %parallel_loop3A_507 : i32
        %parallel_loop3A_510 = arith.constant 1 : i32
        %parallel_loop3A_511 = arith.addi %parallel_loop3A_509, %parallel_loop3A_510 : i32
        %parallel_loop3A_512 = arith.index_cast %parallel_loop3A_511 : i32 to index
        %parallel_loop3A_513 = arith.constant 32 : index
        %parallel_loop3A_514 = tpu.vector_load %arg7[%parallel_loop3A_512, %parallel_loop3A_513] {strides = array<i32>} : memref<200x64xf32, #tpu.memory_space<vmem>>, vector<1x16xf32>,
        %parallel_loop3A_515 = vector.shape_cast %parallel_loop3A_514 : vector<1x16xf32> to vector<16xf32>
        %parallel_loop3A_516 = arith.addf %parallel_loop3A_505, %parallel_loop3A_515 : vector<16xf32>
        %parallel_loop3A_517 = arith.index_cast %parallel_loop3A_353 : i32 to index
        %parallel_loop3A_518 = arith.constant 96 : index
        %parallel_loop3A_519 = tpu.vector_load %arg15[%parallel_loop3A_517, %parallel_loop3A_518] {strides = array<i32>} : memref<50x128xf32, #tpu.memory_space<vmem>>, vector<1x16xf32>,
        %parallel_loop3A_520 = vector.shape_cast %parallel_loop3A_519 : vector<1x16xf32> to vector<16xf32>
        %parallel_loop3A_521 = vector.shape_cast %parallel_loop3A_516 : vector<16xf32> to vector<1x16xf32>
        tpu.vector_store %arg15[%parallel_loop3A_517, %parallel_loop3A_518], %parallel_loop3A_521 {strides = array<i32>} : memref<50x128xf32, #tpu.memory_space<vmem>>, vector<1x16xf32>,
        %parallel_loop3A_522 = arith.constant 2 : i32
        %parallel_loop3A_523 = arith.muli %parallel_loop3A_522, %parallel_loop3A_353 : i32
        %parallel_loop3A_524 = arith.constant 1 : i32
        %parallel_loop3A_525 = arith.addi %parallel_loop3A_523, %parallel_loop3A_524 : i32
        %parallel_loop3A_526 = arith.index_cast %parallel_loop3A_525 : i32 to index
        %parallel_loop3A_527 = arith.constant 48 : index
        %parallel_loop3A_528 = tpu.vector_load %arg11[%parallel_loop3A_526, %parallel_loop3A_527] {strides = array<i32>} : memref<100x64xf32, #tpu.memory_space<vmem>>, vector<1x16xf32>,
        %parallel_loop3A_529 = vector.shape_cast %parallel_loop3A_528 : vector<1x16xf32> to vector<16xf32>
        %parallel_loop3A_530 = arith.constant 2 : i32
        %parallel_loop3A_531 = arith.muli %parallel_loop3A_530, %parallel_loop3A_353 : i32
        %parallel_loop3A_532 = arith.constant 100 : i32
        %parallel_loop3A_533 = arith.addi %parallel_loop3A_532, %parallel_loop3A_531 : i32
        %parallel_loop3A_534 = arith.constant 1 : i32
        %parallel_loop3A_535 = arith.addi %parallel_loop3A_533, %parallel_loop3A_534 : i32
        %parallel_loop3A_536 = arith.index_cast %parallel_loop3A_535 : i32 to index
        %parallel_loop3A_537 = arith.constant 48 : index
        %parallel_loop3A_538 = tpu.vector_load %arg7[%parallel_loop3A_536, %parallel_loop3A_537] {strides = array<i32>} : memref<200x64xf32, #tpu.memory_space<vmem>>, vector<1x16xf32>,
        %parallel_loop3A_539 = vector.shape_cast %parallel_loop3A_538 : vector<1x16xf32> to vector<16xf32>
        %parallel_loop3A_540 = arith.addf %parallel_loop3A_529, %parallel_loop3A_539 : vector<16xf32>
        %parallel_loop3A_541 = arith.index_cast %parallel_loop3A_353 : i32 to index
        %parallel_loop3A_542 = arith.constant 112 : index
        %parallel_loop3A_543 = tpu.vector_load %arg15[%parallel_loop3A_541, %parallel_loop3A_542] {strides = array<i32>} : memref<50x128xf32, #tpu.memory_space<vmem>>, vector<1x16xf32>,
        %parallel_loop3A_544 = vector.shape_cast %parallel_loop3A_543 : vector<1x16xf32> to vector<16xf32>
        %parallel_loop3A_545 = vector.shape_cast %parallel_loop3A_540 : vector<16xf32> to vector<1x16xf32>
        tpu.vector_store %arg15[%parallel_loop3A_541, %parallel_loop3A_542], %parallel_loop3A_545 {strides = array<i32>} : memref<50x128xf32, #tpu.memory_space<vmem>>, vector<1x16xf32>,
      } {sc.loop_unroll_factor = 10 : i64, sc.parallel_access}
      %mul3A_317 = arith.constant 100 : i32
      %mul3A_318 = arith.muli %add3A_302, %mul3A_317 : i32
      %add3A_319 = arith.addi %mul3A_2, %mul3A_318 : i32
      %jit3A_320 = arith.constant 2 : i32
      %div3A_321 = arith.divsi %add3A_319, %jit3A_320 : i32
      %sign3A_322 = arith.constant 0 : i32
      %sign3A_323 = arith.cmpi sgt, %add3A_319, %sign3A_322 : i32
      %sign3A_324 = arith.extui %sign3A_323 : i1 to i32
      %sign3A_325 = arith.constant 0 : i32
      %sign3A_326 = arith.cmpi slt, %add3A_319, %sign3A_325 : i32
      %sign3A_327 = arith.extui %sign3A_326 : i1 to i32
      %sign3A_328 = arith.subi %sign3A_324, %sign3A_327 : i32
      %sign3A_329 = arith.constant 0 : i32
      %sign3A_330 = arith.cmpi sgt, %jit3A_320, %sign3A_329 : i32
      %sign3A_331 = arith.extui %sign3A_330 : i1 to i32
      %sign3A_332 = arith.constant 0 : i32
      %sign3A_333 = arith.cmpi slt, %jit3A_320, %sign3A_332 : i32
      %sign3A_334 = arith.extui %sign3A_333 : i1 to i32
      %sign3A_335 = arith.subi %sign3A_331, %sign3A_334 : i32
      %ne3A_336 = arith.cmpi ne, %sign3A_328, %sign3A_335 : i32
      %rem3A_337 = arith.remsi %add3A_319, %jit3A_320 : i32
      %ne3A_338 = arith.constant 0 : i32
      %ne3A_339 = arith.cmpi ne, %rem3A_337, %ne3A_338 : i32
      %and3A_340 = arith.andi %ne3A_336, %ne3A_339 : i1
      %sub3A_341 = arith.constant 1 : i32
      %sub3A_342 = arith.subi %div3A_321, %sub3A_341 : i32
      %select_n3A_343 = arith.select %and3A_340, %sub3A_342, %div3A_321 : i32
      %dma_start3A_344 = arith.constant 0 : i32
      %dma_start3A_345 = tpu.memref_slice %arg5[%select_n3A_343, %dma_start3A_344] : memref<409600x128xf32, #tpu.memory_space<hbm>> -> memref<50x128xf32, #tpu.memory_space<hbm>>
      %dma_start3A_346 = arith.constant 0 : i32
      %dma_start3A_347 = tpu.memref_slice %arg5[%select_n3A_343, %dma_start3A_346] : memref<409600x128xf32, #tpu.memory_space<hbm>> -> memref<50x128xf32, #tpu.memory_space<hbm>>
      tpu.enqueue_dma source(%arg15 : memref<50x128xf32, #tpu.memory_space<vmem>>) target(%dma_start3A_347 : memref<50x128xf32, #tpu.memory_space<hbm>>) target_semaphore(%arg23 : memref<!tpu.dma_semaphore, #tpu.memory_space<semaphore_mem>>)
      %lt3A_348 = arith.constant 63 : i32
      %lt3A_349 = arith.cmpi slt, %add3A_141, %lt3A_348 : i32
      %convert_element_type3A_350 = arith.extui %lt3A_349 : i1 to i32
      %cond3A_351 = arith.constant 0 : i32
      %cond3A_352 = arith.cmpi ne, %convert_element_type3A_350, %cond3A_351 : i32
      scf.if %cond3A_352 {
        %add3A_353 = arith.constant 4 : i32
        %add3A_354 = arith.addi %add3A_302, %add3A_353 : i32
        %dma_start3A_355 = arith.constant 0 : i32
        %dma_start3A_356 = tpu.memref_slice %arg6[%add3A_354, %dma_start3A_355] : memref<256x100xi32, #tpu.memory_space<vmem>> -> memref<1x100xi32, #tpu.memory_space<vmem>>
        %dma_start3A_357 = tpu.memref_squeeze %dma_start3A_356 : memref<1x100xi32, #tpu.memory_space<vmem>> -> memref<100xi32, #tpu.memory_space<vmem>>
        %dma_start3A_358 = arith.constant 0 : i32
        %dma_start3A_359 = arith.constant 0 : i32
        %dma_start3A_360 = tpu.memref_slice %arg2[%dma_start3A_358, %dma_start3A_359] : memref<1000000x64xf32, #tpu.memory_space<hbm>> -> memref<1000000x64xf32, #tpu.memory_space<hbm>>
        tpu.enqueue_indirect_dma source(%dma_start3A_360 : memref<1000000x64xf32, #tpu.memory_space<hbm>>) target(%arg11 : memref<100x64xf32, #tpu.memory_space<vmem>>) offsets(%dma_start3A_357 : memref<100xi32, #tpu.memory_space<vmem>>) semaphore(%arg19 : memref<!tpu.dma_semaphore, #tpu.memory_space<semaphore_mem>>)
      } else {
      }
    }
    %scan3A_33 = arith.constant 64 : i32
    %jit3A = arith.constant 2 : i32
    %div3A = arith.divsi %mul3A_2, %jit3A : i32
    %sign3A = arith.constant 0 : i32
    %sign3A_34 = arith.cmpi sgt, %mul3A_2, %sign3A : i32
    %sign3A_35 = arith.extui %sign3A_34 : i1 to i32
    %sign3A_36 = arith.constant 0 : i32
    %sign3A_37 = arith.cmpi slt, %mul3A_2, %sign3A_36 : i32
    %sign3A_38 = arith.extui %sign3A_37 : i1 to i32
    %sign3A_39 = arith.subi %sign3A_35, %sign3A_38 : i32
    %sign3A_40 = arith.constant 0 : i32
    %sign3A_41 = arith.cmpi sgt, %jit3A, %sign3A_40 : i32
    %sign3A_42 = arith.extui %sign3A_41 : i1 to i32
    %sign3A_43 = arith.constant 0 : i32
    %sign3A_44 = arith.cmpi slt, %jit3A, %sign3A_43 : i32
    %sign3A_45 = arith.extui %sign3A_44 : i1 to i32
    %sign3A_46 = arith.subi %sign3A_42, %sign3A_45 : i32
    %ne3A = arith.cmpi ne, %sign3A_39, %sign3A_46 : i32
    %rem3A = arith.remsi %mul3A_2, %jit3A : i32
    %ne3A_47 = arith.constant 0 : i32
    %ne3A_48 = arith.cmpi ne, %rem3A, %ne3A_47 : i32
    %and3A = arith.andi %ne3A, %ne3A_48 : i1
    %sub3A = arith.constant 1 : i32
    %sub3A_49 = arith.subi %div3A, %sub3A : i32
    %select_n3A = arith.select %and3A, %sub3A_49, %div3A : i32
    %dma_wait3A = arith.constant 0 : i32
    %dma_wait3A_50 = tpu.memref_slice %arg5[%select_n3A, %dma_wait3A] : memref<409600x128xf32, #tpu.memory_space<hbm>> -> memref<50x128xf32, #tpu.memory_space<hbm>>
    %dma_wait3A_51 = arith.constant 0 : i32
    %dma_wait3A_52 = tpu.memref_slice %arg5[%select_n3A, %dma_wait3A_51] : memref<409600x128xf32, #tpu.memory_space<hbm>> -> memref<50x128xf32, #tpu.memory_space<hbm>>
    tpu.wait_dma2 semaphore(%arg20 : memref<!tpu.dma_semaphore, #tpu.memory_space<semaphore_mem>>) src(%arg12 : memref<50x128xf32, #tpu.memory_space<vmem>>) dst(%dma_wait3A_52 : memref<50x128xf32, #tpu.memory_space<hbm>>)
    %jit3A_53 = arith.constant 2 : i32
    %div3A_54 = arith.divsi %mul3A_2, %jit3A_53 : i32
    %sign3A_55 = arith.constant 0 : i32
    %sign3A_56 = arith.cmpi sgt, %mul3A_2, %sign3A_55 : i32
    %sign3A_57 = arith.extui %sign3A_56 : i1 to i32
    %sign3A_58 = arith.constant 0 : i32
    %sign3A_59 = arith.cmpi slt, %mul3A_2, %sign3A_58 : i32
    %sign3A_60 = arith.extui %sign3A_59 : i1 to i32
    %sign3A_61 = arith.subi %sign3A_57, %sign3A_60 : i32
    %sign3A_62 = arith.constant 0 : i32
    %sign3A_63 = arith.cmpi sgt, %jit3A_53, %sign3A_62 : i32
    %sign3A_64 = arith.extui %sign3A_63 : i1 to i32
    %sign3A_65 = arith.constant 0 : i32
    %sign3A_66 = arith.cmpi slt, %jit3A_53, %sign3A_65 : i32
    %sign3A_67 = arith.extui %sign3A_66 : i1 to i32
    %sign3A_68 = arith.subi %sign3A_64, %sign3A_67 : i32
    %ne3A_69 = arith.cmpi ne, %sign3A_61, %sign3A_68 : i32
    %rem3A_70 = arith.remsi %mul3A_2, %jit3A_53 : i32
    %ne3A_71 = arith.constant 0 : i32
    %ne3A_72 = arith.cmpi ne, %rem3A_70, %ne3A_71 : i32
    %and3A_73 = arith.andi %ne3A_69, %ne3A_72 : i1
    %sub3A_74 = arith.constant 1 : i32
    %sub3A_75 = arith.subi %div3A_54, %sub3A_74 : i32
    %select_n3A_76 = arith.select %and3A_73, %sub3A_75, %div3A_54 : i32
    %dma_wait3A_77 = arith.constant 0 : i32
    %dma_wait3A_78 = tpu.memref_slice %arg5[%select_n3A_76, %dma_wait3A_77] : memref<409600x128xf32, #tpu.memory_space<hbm>> -> memref<50x128xf32, #tpu.memory_space<hbm>>
    %dma_wait3A_79 = arith.constant 0 : i32
    %dma_wait3A_80 = tpu.memref_slice %arg5[%select_n3A_76, %dma_wait3A_79] : memref<409600x128xf32, #tpu.memory_space<hbm>> -> memref<50x128xf32, #tpu.memory_space<hbm>>
    tpu.wait_dma2 semaphore(%arg21 : memref<!tpu.dma_semaphore, #tpu.memory_space<semaphore_mem>>) src(%arg13 : memref<50x128xf32, #tpu.memory_space<vmem>>) dst(%dma_wait3A_80 : memref<50x128xf32, #tpu.memory_space<hbm>>)
    %jit3A_81 = arith.constant 2 : i32
    %div3A_82 = arith.divsi %mul3A_2, %jit3A_81 : i32
    %sign3A_83 = arith.constant 0 : i32
    %sign3A_84 = arith.cmpi sgt, %mul3A_2, %sign3A_83 : i32
    %sign3A_85 = arith.extui %sign3A_84 : i1 to i32
    %sign3A_86 = arith.constant 0 : i32
    %sign3A_87 = arith.cmpi slt, %mul3A_2, %sign3A_86 : i32
    %sign3A_88 = arith.extui %sign3A_87 : i1 to i32
    %sign3A_89 = arith.subi %sign3A_85, %sign3A_88 : i32
    %sign3A_90 = arith.constant 0 : i32
    %sign3A_91 = arith.cmpi sgt, %jit3A_81, %sign3A_90 : i32
    %sign3A_92 = arith.extui %sign3A_91 : i1 to i32
    %sign3A_93 = arith.constant 0 : i32
    %sign3A_94 = arith.cmpi slt, %jit3A_81, %sign3A_93 : i32
    %sign3A_95 = arith.extui %sign3A_94 : i1 to i32
    %sign3A_96 = arith.subi %sign3A_92, %sign3A_95 : i32
    %ne3A_97 = arith.cmpi ne, %sign3A_89, %sign3A_96 : i32
    %rem3A_98 = arith.remsi %mul3A_2, %jit3A_81 : i32
    %ne3A_99 = arith.constant 0 : i32
    %ne3A_100 = arith.cmpi ne, %rem3A_98, %ne3A_99 : i32
    %and3A_101 = arith.andi %ne3A_97, %ne3A_100 : i1
    %sub3A_102 = arith.constant 1 : i32
    %sub3A_103 = arith.subi %div3A_82, %sub3A_102 : i32
    %select_n3A_104 = arith.select %and3A_101, %sub3A_103, %div3A_82 : i32
    %dma_wait3A_105 = arith.constant 0 : i32
    %dma_wait3A_106 = tpu.memref_slice %arg5[%select_n3A_104, %dma_wait3A_105] : memref<409600x128xf32, #tpu.memory_space<hbm>> -> memref<50x128xf32, #tpu.memory_space<hbm>>
    %dma_wait3A_107 = arith.constant 0 : i32
    %dma_wait3A_108 = tpu.memref_slice %arg5[%select_n3A_104, %dma_wait3A_107] : memref<409600x128xf32, #tpu.memory_space<hbm>> -> memref<50x128xf32, #tpu.memory_space<hbm>>
    tpu.wait_dma2 semaphore(%arg22 : memref<!tpu.dma_semaphore, #tpu.memory_space<semaphore_mem>>) src(%arg14 : memref<50x128xf32, #tpu.memory_space<vmem>>) dst(%dma_wait3A_108 : memref<50x128xf32, #tpu.memory_space<hbm>>)
    %jit3A_109 = arith.constant 2 : i32
    %div3A_110 = arith.divsi %mul3A_2, %jit3A_109 : i32
    %sign3A_111 = arith.constant 0 : i32
    %sign3A_112 = arith.cmpi sgt, %mul3A_2, %sign3A_111 : i32
    %sign3A_113 = arith.extui %sign3A_112 : i1 to i32
    %sign3A_114 = arith.constant 0 : i32
    %sign3A_115 = arith.cmpi slt, %mul3A_2, %sign3A_114 : i32
    %sign3A_116 = arith.extui %sign3A_115 : i1 to i32
    %sign3A_117 = arith.subi %sign3A_113, %sign3A_116 : i32
    %sign3A_118 = arith.constant 0 : i32
    %sign3A_119 = arith.cmpi sgt, %jit3A_109, %sign3A_118 : i32
    %sign3A_120 = arith.extui %sign3A_119 : i1 to i32
    %sign3A_121 = arith.constant 0 : i32
    %sign3A_122 = arith.cmpi slt, %jit3A_109, %sign3A_121 : i32
    %sign3A_123 = arith.extui %sign3A_122 : i1 to i32
    %sign3A_124 = arith.subi %sign3A_120, %sign3A_123 : i32
    %ne3A_125 = arith.cmpi ne, %sign3A_117, %sign3A_124 : i32
    %rem3A_126 = arith.remsi %mul3A_2, %jit3A_109 : i32
    %ne3A_127 = arith.constant 0 : i32
    %ne3A_128 = arith.cmpi ne, %rem3A_126, %ne3A_127 : i32
    %and3A_129 = arith.andi %ne3A_125, %ne3A_128 : i1
    %sub3A_130 = arith.constant 1 : i32
    %sub3A_131 = arith.subi %div3A_110, %sub3A_130 : i32
    %select_n3A_132 = arith.select %and3A_129, %sub3A_131, %div3A_110 : i32
    %dma_wait3A_133 = arith.constant 0 : i32
    %dma_wait3A_134 = tpu.memref_slice %arg5[%select_n3A_132, %dma_wait3A_133] : memref<409600x128xf32, #tpu.memory_space<hbm>> -> memref<50x128xf32, #tpu.memory_space<hbm>>
    %dma_wait3A_135 = arith.constant 0 : i32
    %dma_wait3A_136 = tpu.memref_slice %arg5[%select_n3A_132, %dma_wait3A_135] : memref<409600x128xf32, #tpu.memory_space<hbm>> -> memref<50x128xf32, #tpu.memory_space<hbm>>
    tpu.wait_dma2 semaphore(%arg23 : memref<!tpu.dma_semaphore, #tpu.memory_space<semaphore_mem>>) src(%arg15 : memref<50x128xf32, #tpu.memory_space<vmem>>) dst(%dma_wait3A_136 : memref<50x128xf32, #tpu.memory_space<hbm>>)
    return
  }
}

</mosaic_0001>

<sc_bundles>
// kernel: _embed_sc.3.cloned.1.call-start
scs
__scs_entry_jumppad:
0x0: {  	(pc) =	sbr.rel $0x88, $3  }
0x1: {  	(tag) =	ssettag $0x0;
	lr =	simm.s32 $0x1  }
0x2: {  	[smem:$0x3F9E] =	sst lr;
	_ =	strace $0xD0000000  }
0x3: {  	_ = 	snop  }
0x4: {  	_ = 	snop  }
0x5: {  	_ = 	snop  }
0x6: {  	_ = 	snop  }
0x7: {  	_ = 	snop  }
__scs_overlays_trampoline_lowered:
0x8: {  	[smem:$0x3FAD] =	sst s0  }
0x9: {  	[smem:$0x3FAE] =	sst s1  }
0xa: {  	[smem:$0x3FAF] =	sst s2  }
0xb: {  	[smem:$0x3FB0] =	sst s3  }
0xc: {  	[smem:$0x3FB1] =	sst s4  }
0xd: {  	[smem:$0x3FB2] =	sst s5  }
0xe: {  	[smem:$0x3FB3] =	sst s6  }
0xf: {  	[smem:$0x3FB4] =	sst s7  }
0x10: {  	[smem:$0x3FB5] =	sst s8  }
0x11: {  	[smem:$0x3FB6] =	sst s9;
	s0 =	simm.s32 @!p0 $0x0  }
0x12: {  	s1 =	sld [smem:$0x3F9C];
	s0 =	simm.s32 @p0 $0x1  }
0x13: {  	[smem:$0x3FB7] =	sst s0;
	s0 =	simm.s32 @!p1 $0x0  }
0x14: {  	s2 =	sld [smem:$0x3F9B];
	s0 =	simm.s32 @p1 $0x1  }
0x15: {  	[smem:$0x3FB8] =	sst s0;
	s0 =	simm.s32 @!p2 $0x0  }
0x16: {  	s3 =	sld [smem:$0x3FDB];
	s0 =	simm.s32 @p2 $0x1  }
0x17: {  	s4 =	simm.s32 $0x1BF5;
	[smem:$0x3FBA] =	sst s0  }
0x18: {  	s0 =	sld [smem:$0x3F9D];
	_ =	swait.ge [sflag:s4], $0x0  }
0x19: {  	s7 =	sld [smem:$0x3F9E]  }
0x1a: {  	s8 =	sadd.s32 $0xFFFFE003, lr  }
0x1b: {  	s9 =	sadd.s32 $0xFFFFFEF7, lr;
	s5 =	simm.s32 $0xFFFFFFFF;
	p2 =	slt.u32 s8, $0xFFFFF086  }
0x1c: {  	p1 =	slt.u32 s9, $0xF7A;
	s5 =	simm.s32 @!p2 $0x0  }
0x1d: {  	s5 =	simm.s32 @p1 $0x1;
	p0 =	seq.s32 s7, s2  }
0x1e: {  	s7 =	smul.u32 @!p0 $0xF7A, s2;
	p2 =	seq.s32 @!p0 s5, $0x0  }
0x1f: {  	s9 =	smul.u32 $0xF7A, s1;
	s8 =	simm.s32 @!p0 $0x1BF5;
	p2 =	por !p2, p0  }
0x20: {  	[sflag:s8] =	ssyncset.s32 @!p0 $0xFFFFF086;
	s6 =	sadd.s32 @!p0 s3, s7;
	s7 =	simm.s32 @!p0 $0x108  }
0x21: {  	s3 =	sadd.s32 s3, s9;
	s6 =	sadd.s32 @!p0 $0x88, s6;
	s7 =	simm.s32 @p2 $0x1082  }
0x22: {  	[simem:s7], [sflag:s8] =	dma.local @!p0 [hbm:s6], $0xF7A  }
0x23: {  	s9 =	sor.u32 $0xD0000000, s2;
	s6 =	simm.s32 $0x108;
	_ =	swait.ge @!p0 [sflag:s8], $0x0  }
0x24: {  	s3 =	sadd.s32 $0x88, s3;
	s6 =	simm.s32 @!p1 $0x1082;
	[sflag:s4] =	ssyncset.s32 $0xFFFFF086  }
0x25: {  	[simem:s6], [sflag:s4] =	dma.local [hbm:s3], $0xF7A  }
0x26: {  	[smem:$0x3F9E] =	sst s1;
	(tag) =	ssettag s2;
	_ =	strace s9  }
0x27: {  	s1 =	sld [smem:$0x3FAE]  }
0x28: {  	s2 =	sld [smem:$0x3FAF]  }
0x29: {  	s4 =	sld [smem:$0x3FB1]  }
0x2a: {  	p0 =	seq.s32 s5, $0x0;
	s5 =	sld [smem:$0x3FB2]  }
0x2b: {  	s6 =	sld [smem:$0x3FB3]  }
0x2c: {  	s7 =	sld [smem:$0x3FB4]  }
0x2d: {  	s3 =	simm.s32 $0x108;
	s8 =	sld [smem:$0x3FB5]  }
0x2e: {  	s3 =	simm.s32 @!p0 $0x1082;
	s9 =	sld [smem:$0x3FB6]  }
0x2f: {  	lr =	sadd.s32 s0, s3;
	s0 =	sld [smem:$0x3FAD]  }
0x30: {  	s3 =	sld [smem:$0x3FB0]  }
0x31: {  	[smem:$0x3FB9] =	sst s10  }
0x32: {  	s10 =	sld [smem:$0x3FB7];
	_ =	sdelay $0x3  }
0x33: {  	p0 =	seq.s32 s10, $0x1;
	s10 =	sld [smem:$0x3FB9];
	_ =	sdelay $0x3  }
0x34: {  	[smem:$0x3FB9] =	sst s10  }
0x35: {  	s10 =	sld [smem:$0x3FB8];
	_ =	sdelay $0x3  }
0x36: {  	p1 =	seq.s32 s10, $0x1;
	s10 =	sld [smem:$0x3FB9];
	_ =	sdelay $0x3  }
0x37: {  	[smem:$0x3FB9] =	sst s10  }
0x38: {  	s10 =	sld [smem:$0x3FBA]  }
0x39: {  	_ = 	snop;
	(pc) =	sbr.ind lr, $3  }
0x3a: {  	_ = 	snop  }
0x3b: {  	_ = 	snop  }
0x3c: {  	p2 =	seq.s32 s10, $0x1;
	s10 =	sld [smem:$0x3FB9]  }
0x3d: {  	_ =	shalt  }
0x3e: {  	_ =	shalt  }
0x3f: {  	_ =	shalt  }
0x40: {  	_ =	shalt  }
0x41: {  	_ =	shalt  }
0x42: {  	_ =	shalt  }
0x43: {  	_ =	shalt  }
0x44: {  	_ =	shalt  }
0x45: {  	_ =	shalt  }
0x46: {  	_ =	shalt  }
0x47: {  	_ =	shalt  }
0x48: {  	_ =	shalt  }
0x49: {  	_ =	shalt  }
0x4a: {  	_ =	shalt  }
0x4b: {  	_ =	shalt  }
0x4c: {  	_ =	shalt  }
0x4d: {  	_ =	shalt  }
0x4e: {  	_ =	shalt  }
0x4f: {  	_ =	shalt  }
0x50: {  	_ =	shalt  }
0x51: {  	_ =	shalt  }
0x52: {  	_ =	shalt  }
0x53: {  	_ =	shalt  }
0x54: {  	_ =	shalt  }
0x55: {  	_ =	shalt  }
0x56: {  	_ =	shalt  }
0x57: {  	_ =	shalt  }
0x58: {  	_ =	shalt  }
0x59: {  	_ =	shalt  }
0x5a: {  	_ =	shalt  }
0x5b: {  	_ =	shalt  }
0x5c: {  	_ =	shalt  }
0x5d: {  	_ =	shalt  }
0x5e: {  	_ =	shalt  }
0x5f: {  	_ =	shalt  }
0x60: {  	_ =	shalt  }
0x61: {  	_ =	shalt  }
0x62: {  	_ =	shalt  }
0x63: {  	_ =	shalt  }
0x64: {  	_ =	shalt  }
0x65: {  	_ =	shalt  }
0x66: {  	_ =	shalt  }
0x67: {  	_ =	shalt  }
0x68: {  	_ =	shalt  }
0x69: {  	_ =	shalt  }
0x6a: {  	_ =	shalt  }
0x6b: {  	_ =	shalt  }
0x6c: {  	_ =	shalt  }
0x6d: {  	_ =	shalt  }
0x6e: {  	_ =	shalt  }
0x6f: {  	_ =	shalt  }
0x70: {  	_ =	shalt  }
0x71: {  	_ =	shalt  }
0x72: {  	_ =	shalt  }
0x73: {  	_ =	shalt  }
0x74: {  	_ =	shalt  }
0x75: {  	_ =	shalt  }
0x76: {  	_ =	shalt  }
0x77: {  	_ =	shalt  }
0x78: {  	_ =	shalt  }
0x79: {  	_ =	shalt  }
0x7a: {  	_ =	shalt  }
0x7b: {  	_ =	shalt  }
0x7c: {  	_ =	shalt  }
0x7d: {  	_ =	shalt  }
0x7e: {  	_ =	shalt  }
0x7f: {  	_ =	shalt  }
0x80: {  	_ =	shalt  }
0x81: {  	_ =	shalt  }
0x82: {  	_ =	shalt  }
0x83: {  	_ =	shalt  }
0x84: {  	_ =	shalt  }
0x85: {  	_ =	shalt  }
0x86: {  	_ =	shalt  }
0x87: {  	_ =	shalt  }
.Lfunc_end0:
.L_simem_size_0:
called_computation_lowered:
.L_overlay_start_0:
0x88: {  	s2 =	sld [smem:$0x3FD9]  }
0x89: {  	s3 =	sld [smem:$0x3FFE];
	_ =	sdelay $0x1  }
0x8a: {  	s1 =	srdreg.scid  }
0x8b: {  	s0 =	sand.u32 $0x1, s1  }
0x8c: {  	s17 =	sshll.u32 s0, $0xA;
	s2 =	sadd.s32 s3, s2  }
0x8d: {  	s2 =	sadd.s32 s2, s17  }
0x8e: {  	[smem:$0x3FC5] =	sst s2  }
0x8f: {  	_ = 	snop  }
0x90: {  	s2 =	sld [smem:$0x3FD0];
	(tm) =	ssettm $0x1  }
0x91: {  	s18 =	sld [smem:$0x3FFB];
	_ =	sdelay $0x3  }
0x92: {  	_ =	strace s18  }
0x93: {  	s3 =	sld [smem:$0x3FFC];
	_ =	sdelay $0x3  }
0x94: {  	_ =	strace s3  }
0x95: {  	s3 =	sld [smem:$0x3FFD];
	_ =	sdelay $0x3  }
0x96: {  	_ =	strace s3  }
0x97: {  	_ =	strace $0x8FFFFFFF  }
0x98: {  	s19 =	sld [smem:$0x3FDB];
	_ =	sdelay $0x1  }
0x99: {  	s4 =	simm.s32 $_scs_section_size  }
0x9a: {  	s5 =	simm.s32 $_size__tile_overlayer_lowered;
	s6 =	simm.s32 $_tile_overlayer_lowered  }
0x9b: {  	s22 =	simm.s32 $0x1BFF;
	s21 =	sshll.u32 s6, $0x1;
	s3 =	sadd.s32 s4, s19  }
0x9c: {  	s7 =	simm.s32 $0x0;
	s20 =	sshll.u32 s5, $0x1;
	s5 =	sadd.s32 s21, s3  }
0x9d: {  	[timem:s7], [sflag:s22] =	dma.local [hbm:s5], s20  }
0x9e: {  	_ =	swait.ge [sflag:s22], s20  }
0x9f: {  	s4 =	ssub.s32 $0x0, s20;
	[sflag:s22] =	ssyncset.done $0x0  }
0xa0: {  	[sflag:s22] =	ssyncadd.s32 s4;
	_ =	sdelay $0x1  }
0xa1: {  	s23 =	simm.s32 $0x1B8B  }
0xa2: {  	_ =	swait.ge [sflag:s23], $0x1  }
0xa3: {  	[sflag:s23] =	ssyncset.done $0x0  }
0xa4: {  	s25 =	simm.s32 $0x1B8E;
	s24 =	sld [smem:$0x3FFE];
	[sflag:s23] =	ssyncadd.s32 $0xFFFFFFFF  }
0xa5: {  	s26 =	simm.s32 $execute0_lowered;
	[smem:$0x3FD2] =	sst s25  }
0xa6: {  	s5 =	sshll.u32 s26, $0x1;
	_ =	strace $0x80000046;
	[dreg:$0x1] =	wrdreg $0xFFFFFFFF  }
0xa7: {  	s28 =	simm.s32 $_size_execute0_lowered;
	s3 =	sadd.s32 s3, s5;
	[dreg:$0x0] =	wrdreg $0x0  }
0xa8: {  	s5 =	sshll.u32 s28, $0x1;
	[dreg:$0x2] =	wrdreg s3  }
0xa9: {  	[dreg:$0x3] =	wrdreg s5  }
0xaa: {  	[dreg:$0x4] =	wrdreg $0xC0  }
0xab: {  	_ =	task [dreg:s7], $0x5FFFF  }
0xac: {  	[dreg:$0x1] =	wrdreg $0xFFFFFFFF  }
0xad: {  	[dreg:$0x0] =	wrdreg $0x60  }
0xae: {  	[dreg:$0x2] =	wrdreg s24  }
0xaf: {  	[dreg:$0x3] =	wrdreg s2  }
0xb0: {  	[dreg:$0x4] =	wrdreg $0x9  }
0xb1: {  	_ =	task.clear_ibuf [dreg:s7], $0x5FFFF;
	_ =	strace $0x90000046  }
0xb2: {  	s29 =	simm.s32 $0x9;
	_ =	strace $0x80000048  }
0xb3: {  	_ =	swait.ge [sflag:s29], $0x1  }
0xb4: {  	[sflag:s29] =	ssyncadd.s32 $0xFFFFFFFF  }
0xb5: {  	_ =	strace $0x90000048  }
0xb6: {  	_ =	sfence  }
0xb7: {  	s30 =	sld [smem:$0x0];
	_ =	sdelay $0x2  }
0xb8: {  	s31 =	sshll.u32 s1, $0xD;
	s1 =	sshrl.u32 s1, $0x2  }
0xb9: {  	s3 =	sand.u32 $0x4000, s31;
	s1 =	sadd.s32 s1, s30  }
0xba: {  	s0 =	sor.u32 s3, s0;
	s1 =	sshll.u32 s1, $0x11  }
0xbb: {  	s0 =	sor.u32 s1, s0  }
0xbc: {  	s0 =	sadd.s32 $0x8F2B, s0  }
0xbd: {  	[sflag:s0] =	ssyncadd.remote.s32 $0x1  }
0xbe: {  	_ =	sfence.sel $0xFFFF  }
0xbf: {  	[dreg:$0x0] =	wrdreg $0xFFFFFFFF;
	(pc) =	sbr.abs _section_cstart, $3  }
0xc0: {  	[dreg:$0x1] =	wrdreg $0xFFFFFFFF  }
0xc1: {  	_ =	task.clear_ibuf [dreg:s7], $0x2FFFF;
	_ =	strace $0x9FFFFFFF  }
0xc2: {  	(tm) =	ssettm $0x7FFFFFFF  }
0xc3: {  	_ =	shalt  }
tec
execute0_lowered:
.L_overlay_start_1:
0x0: {  	(tag) =	ssettag $0x1  }
0x1: {  	s0 =	rddreg [dreg:$0x0];
	s1 =	srdreg.scid  }
0x2: {  	s3 =	stileid.u32;
	s2 =	rddreg [dreg:$0x1]  }
0x3: {  	s14 =	simm.s32 $0x64;
	s17 =	simm.s32 $0xB300;
	s19 =	simm.s32 $0xCC00  }
0x4: {  	s21 =	simm.s32 $0xE500;
	s22 =	simm.s32 $0x1;
	s23 =	simm.s32 $0xFE00  }
0x5: {  	s24 =	simm.s32 $0x2;
	s28 =	simm.s32 $0x3;
	s29 =	simm.s32 $0x7  }
0x6: {  	s30 =	simm.s32 $0x13000;
	s1 =	sand.u32 $0x1, s1;
	s4 =	sshll.u32 s3, $0x1  }
0x7: {  	s31 =	simm.s32 $0x4;
	s3 =	simm.s32 $0x0;
	s5 =	sor.u32 s1, s4  }
0x8: {  	[smem:$0x7FF] =	sst s3;
	s4 =	sadd.s32 $0xF42C00, s0;
	s1 =	ssub.s32 $0x2, s1  }
0x9: {  	s6 =	smul.u32 $0xD00, s5;
	_ =	strace $0x80000047;
	s7 =	sshrl.u32 s1, $0x1  }
0xa: {  	s5 =	smul.u32 $0x6400, s5;
	s25 =	ssub.s32 s1, s7;
	s1 =	simm.s32 $0x8  }
.Ltmp0:
0xb: {  	s7 =	simm.s32 $0x0;
	s6 =	sadd.s32 s6, s0;
	(pc) =	sbr.rel .LBB2_1-.Ltmp0, $4  }
0xc: {  	s0 =	sadd.s32 $0x1A800, s0;
	s8 =	sor.u32 $0x64, s5;
	s9 =	sor.u32 $0xC8, s5  }
0xd: {  	s10 =	sor.u32 $0x12C, s5;
	[dreg:$0x3] =	wrdreg s0;
	s26 =	sadd.s32 $0x800, s6  }
0xe: {  	s0 =	smax.u32 s25, $0x1;
	s25 =	simm.s32 $0x6;
	[dreg:$0x4] =	wrdreg s26  }
0xf: {  	[dreg:$0x5] =	wrdreg s0;
	s26 =	simm.s32 $0x11700;
	s0 =	simm.s32 $0x14900  }
.LBB2_24:
0x10: {  	s6 =	simm.s32 $0x5  }
0x11: {  	_ =	swait.ge [sflag:s6], $0x1900  }
0x12: {  	[sflag:s6] =	ssyncset.done $0x0  }
0x13: {  	[sflag:s6] =	ssyncadd.s32 $0xFFFFE700  }
0x14: {  	_ =	swait.ge [sflag:s25], $0x1900  }
0x15: {  	[sflag:s25] =	ssyncset.done $0x0  }
0x16: {  	[sflag:s25] =	ssyncadd.s32 $0xFFFFE700  }
0x17: {  	_ =	swait.ge [sflag:s29], $0x1900  }
0x18: {  	[sflag:s29] =	ssyncset.done $0x0  }
0x19: {  	[sflag:s29] =	ssyncadd.s32 $0xFFFFE700  }
0x1a: {  	_ =	swait.ge [sflag:s1], $0x1900  }
0x1b: {  	s7 =	rddreg [dreg:$0x6]  }
0x1c: {  	s20 =	rddreg [dreg:$0x5];
	s7 =	sadd.s32 $0x1, s7  }
0x1d: {  	p0 =	sne.s32 s7, s20  }
.Ltmp1:
0x1e: {  	_ = 	snop;
	(pc) =	sbr.rel @!p0 .LBB2_25-.Ltmp1, $3  }
0x1f: {  	_ =	sdelay $0x1  }
0x20: {  	[sflag:s1] =	ssyncset.done $0x0  }
0x21: {  	[sflag:s1] =	ssyncadd.s32 $0xFFFFE700  }
.LBB2_1:
0x22: {  	[dreg:$0x6] =	wrdreg s7  }
0x23: {  	s6 =	rddreg [dreg:$0x4];
	s12 =	simm.s32 $0x9  }
0x24: {  	[tilespmem:s3], [sflag:$0x9] =	stream.linear.gather [hbm4b:s6+s3], $0x6800, $0x38;
	[tilespmem:$0x16200] =	vst v63  }
0x25: {  	_ =	swait.ge [sflag:s12], $0x6800  }
0x26: {  	[sflag:s12] =	ssyncset.done $0x0  }
0x27: {  	s11 =	simm.s32 $0x6800;
	s13 =	rddreg [dreg:$0x3];
	[sflag:s12] =	ssyncadd.s32 $0xFFFF9800  }
0x28: {  	[tilespmem:s11], [sflag:$0x9] =	stream.linear.gather [hbm4b:s13+s3], $0x3200, $0x38;
	[tilespmem:$0x16200] =	vst v63  }
0x29: {  	_ =	swait.ge [sflag:s12], $0x3200  }
0x2a: {  	[sflag:s12] =	ssyncset.done $0x0  }
0x2b: {  	s15 =	simm.s32 $0x9A00;
	[sflag:s12] =	ssyncadd.s32 $0xFFFFCE00  }
0x2c: {  	[tilespmem:s15], [sflag:$0x1] =	stream.indirect.gather [hbm4b:s4+s14], $0x40, s3, s14, $0xb8;
	[tilespmem:$0x16200] =	vst v63  }
0x2d: {  	s16 =	simm.s32 $0x68  }
0x2e: {  	[tilespmem:s17], [sflag:$0x2] =	stream.indirect.gather [hbm4b:s4+s14], $0x40, s16, s14, $0xb8;
	[tilespmem:$0x16200] =	vst v63  }
0x2f: {  	s18 =	simm.s32 $0xD0  }
0x30: {  	[tilespmem:s19], [sflag:$0x3] =	stream.indirect.gather [hbm4b:s4+s14], $0x40, s18, s14, $0xb8;
	[tilespmem:$0x16200] =	vst v63  }
0x31: {  	s20 =	simm.s32 $0x138;
	s18 =	simm.s32 $0x0  }
0x32: {  	[tilespmem:s21], [sflag:$0x4] =	stream.indirect.gather [hbm4b:s4+s14], $0x40, s20, s14, $0xb8;
	[tilespmem:$0x16200] =	vst v63  }
.LBB2_2:
0x33: {  	_ =	swait.ge [sflag:s22], $0x1900  }
0x34: {  	p0 =	seq.s32 s18, $0x0;
	[sflag:s22] =	ssyncset.done $0x0  }
0x35: {  	s6 =	simm.s32 @!p0 $0x5;
	[sflag:s22] =	ssyncadd.s32 $0xFFFFE700  }
0x36: {  	_ =	swait.ge @!p0 [sflag:s6], $0x1900  }
0x37: {  	[sflag:s6] =	ssyncset.done @!p0 $0x0  }
0x38: {  	[sflag:s6] =	ssyncadd.s32 @!p0 $0xFFFFE700;
	s6 =	simm.s32 $0x0  }
0x39: {  	v1 =	vld [tilespmem:s6+$0x69F0]  }
0x3a: {  	v5 =	vld [tilespmem:s6+$0x9BF0]  }
0x3b: {  	v0 =	vld [tilespmem:s6+$0x6930]  }
0x3c: {  	v2 =	vld [tilespmem:s6+$0x69E0]  }
0x3d: {  	v4 =	vld [tilespmem:s6+$0x69A0]  }
0x3e: {  	v6 =	vld [tilespmem:s6+$0x9E80]  }
0x3f: {  	v7 =	vld [tilespmem:s6+$0x9E00]  }
0x40: {  	v3 =	vld [tilespmem:s6+$0x6B80]  }
0x41: {  	v8 =	vld [tilespmem:s6+$0x6A80]  }
0x42: {  	v9 =	vld [tilespmem:s6+$0x6A00]  }
0x43: {  	v10 =	vld [tilespmem:s6+$0x9D80]  }
0x44: {  	v11 =	vld [tilespmem:s6+$0x6B00]  }
0x45: {  	v12 =	vld [tilespmem:s6+$0x6C80]  }
0x46: {  	v13 =	vld [tilespmem:s6+$0x9D00]  }
0x47: {  	v14 =	vld [tilespmem:s6+$0x9C80]  }
0x48: {  	v15 =	vld [tilespmem:s6+$0x9C00]  }
0x49: {  	v16 =	vld [tilespmem:s6+$0x6C00]  }
0x4a: {  	v49 =	vld [tilespmem:s6+$0x6810]  }
0x4b: {  	v18 =	vld [tilespmem:s6+$0x9A10]  }
0x4c: {  	v20 =	vld [tilespmem:s6+$0x9A30]  }
0x4d: {  	v57 =	vld [tilespmem:s6+$0x9A20]  }
0x4e: {  	v22 =	vld [tilespmem:s6+$0x9A60]  }
0x4f: {  	v25 =	vld [tilespmem:s6+$0x9A90];
	v10 =	vadd.f32 v3, v10  }
0x50: {  	s11 =	simm.s32 $0x380;
	v3 =	vld [tilespmem:s6+$0x6970]  }
0x51: {  	v6 =	vadd.f32 v12, v6;
	v1 =	vadd.f32 v1, v5;
	v5 =	vld [tilespmem:s6+$0x9B70];
	[tilespmem:s11+$0xFE00] =	vst v10  }
0x52: {  	s15 =	simm.s32 $0x480;
	v28 =	vadd.f32 v11, v13;
	v29 =	vld [tilespmem:s6+$0x9D90]  }
0x53: {  	s12 =	simm.s32 $0x300;
	v8 =	vadd.f32 v8, v14;
	[tilespmem:s15+$0xFE00] =	vst v6;
	v30 =	vld [tilespmem:s6+$0x6B90]  }
0x54: {  	s13 =	simm.s32 $0x280;
	v7 =	vadd.f32 v16, v7;
	[tilespmem:s12+$0xFE00] =	vst v28;
	v31 =	vld [tilespmem:s6+$0x9E90]  }
0x55: {  	s16 =	simm.s32 $0x400;
	[tilespmem:s13+$0xFE00] =	vst v8;
	v8 =	vld [tilespmem:s6+$0x9D10]  }
0x56: {  	[tilespmem:s16+$0xFE00] =	vst v7;
	v32 =	vld [tilespmem:s6+$0x9C90]  }
0x57: {  	v7 =	vld [tilespmem:s6+$0x9E10]  }
0x58: {  	v35 =	vld [tilespmem:s6+$0x6C10]  }
0x59: {  	[tilespmem:s6+$0xFFF0] =	vst v1;
	v1 =	vld [tilespmem:s6+$0x6A90]  }
0x5a: {  	v6 =	vadd.f32 v9, v15;
	v36 =	vld [tilespmem:s6+$0x6B10]  }
0x5b: {  	s7 =	simm.s32 $0x200;
	v37 =	vld [tilespmem:s6+$0x6C90]  }
0x5c: {  	[tilespmem:s7+$0xFE00] =	vst v6;
	v6 =	vld [tilespmem:s6+$0x9BB0]  }
0x5d: {  	v33 =	vld [tilespmem:s6+$0x9C10]  }
0x5e: {  	v34 =	vld [tilespmem:s6+$0x6A10];
	v7 =	vadd.f32 v35, v7  }
0x5f: {  	v1 =	vadd.f32 v1, v32;
	v35 =	vld [tilespmem:s6+$0x9A40]  }
0x60: {  	[tilespmem:s16+$0xFE10] =	vst v7;
	v7 =	vadd.f32 v30, v29;
	v29 =	vld [tilespmem:s6+$0x6820]  }
0x61: {  	[tilespmem:s13+$0xFE10] =	vst v1;
	v1 =	vadd.f32 v36, v8;
	v36 =	vld [tilespmem:s6+$0x6830]  }
0x62: {  	v40 =	vld [tilespmem:s6+$0x9E20]  }
0x63: {  	v13 =	vadd.f32 v34, v33;
	v8 =	vld [tilespmem:s6+$0x6C20]  }
0x64: {  	v41 =	vld [tilespmem:s6+$0x6AA0]  }
0x65: {  	v34 =	vld [tilespmem:s6+$0x9CA0];
	[tilespmem:s7+$0xFE10] =	vst v13  }
0x66: {  	[tilespmem:s11+$0xFE10] =	vst v7;
	v7 =	vadd.f32 v37, v31;
	v31 =	vadd.f32 v49, v18;
	v49 =	vld [tilespmem:s6+$0x9AC0]  }
0x67: {  	v38 =	vld [tilespmem:s6+$0x9C20]  }
0x68: {  	v39 =	vld [tilespmem:s6+$0x6A20]  }
0x69: {  	[tilespmem:s12+$0xFE10] =	vst v1;
	v1 =	vld [tilespmem:s6+$0x9DA0]  }
0x6a: {  	v44 =	vld [tilespmem:s6+$0x6BA0]  }
0x6b: {  	v42 =	vld [tilespmem:s6+$0x9D20]  }
0x6c: {  	v47 =	vld [tilespmem:s6+$0x6B20];
	[tilespmem:s15+$0xFE10] =	vst v7  }
0x6d: {  	[tilespmem:s6+$0xFE10] =	vst v31;
	v31 =	vld [tilespmem:s6+$0x9B00]  }
0x6e: {  	v43 =	vld [tilespmem:s6+$0x6CA0]  }
0x6f: {  	v13 =	vadd.f32 v44, v1;
	v1 =	vld [tilespmem:s6+$0x6800]  }
0x70: {  	v8 =	vadd.f32 v8, v40;
	v7 =	vadd.f32 v39, v38;
	v38 =	vld [tilespmem:s6+$0x6840]  }
0x71: {  	v44 =	vld [tilespmem:s6+$0x6880]  }
0x72: {  	v12 =	vadd.f32 v41, v34;
	[tilespmem:s16+$0xFE20] =	vst v8;
	v9 =	vadd.f32 v47, v42;
	v47 =	vld [tilespmem:s6+$0x68B0]  }
0x73: {  	v8 =	vld [tilespmem:s6+$0x9E30]  }
0x74: {  	[tilespmem:s13+$0xFE20] =	vst v12;
	v46 =	vld [tilespmem:s6+$0x6C30]  }
0x75: {  	v12 =	vld [tilespmem:s6+$0x9CB0]  }
0x76: {  	v39 =	vld [tilespmem:s6+$0x6AB0]  }
0x77: {  	[tilespmem:s7+$0xFE20] =	vst v7;
	v7 =	vld [tilespmem:s6+$0x9EA0]  }
0x78: {  	v45 =	vld [tilespmem:s6+$0x6A30]  }
0x79: {  	[tilespmem:s11+$0xFE20] =	vst v13;
	v48 =	vld [tilespmem:s6+$0x9C30]  }
0x7a: {  	v13 =	vld [tilespmem:s6+$0x9DB0]  }
0x7b: {  	[tilespmem:s12+$0xFE20] =	vst v9;
	v17 =	vld [tilespmem:s6+$0x6BB0]  }
0x7c: {  	v56 =	vld [tilespmem:s6+$0x9D30]  }
0x7d: {  	v61 =	vld [tilespmem:s6+$0x6B30]  }
0x7e: {  	v14 =	vadd.f32 v46, v8;
	v8 =	vld [tilespmem:s6+$0x6860]  }
0x7f: {  	v46 =	vld [tilespmem:s6+$0x9AB0]  }
0x80: {  	v12 =	vadd.f32 v39, v12;
	v39 =	vld [tilespmem:s6+$0x6960]  }
0x81: {  	v10 =	vadd.f32 v43, v7;
	v7 =	vld [tilespmem:s6+$0x9BD0]  }
0x82: {  	v43 =	vld [tilespmem:s6+$0x9A80]  }
0x83: {  	v50 =	vadd.f32 v17, v13;
	v17 =	vld [tilespmem:s6+$0x6850]  }
0x84: {  	[tilespmem:s16+$0xFE30] =	vst v14;
	v11 =	vadd.f32 v45, v48;
	v45 =	vld [tilespmem:s6+$0x6890]  }
0x85: {  	v14 =	vld [tilespmem:s6+$0x9E40]  }
0x86: {  	[tilespmem:s13+$0xFE30] =	vst v12;
	v51 =	vld [tilespmem:s6+$0x6C40]  }
0x87: {  	[tilespmem:s15+$0xFE20] =	vst v10;
	v26 =	vld [tilespmem:s6+$0x9CC0]  }
0x88: {  	v10 =	vld [tilespmem:s6+$0x9EB0]  }
0x89: {  	v53 =	vld [tilespmem:s6+$0x6CB0]  }
0x8a: {  	[tilespmem:s7+$0xFE30] =	vst v11;
	v11 =	vadd.f32 v29, v57;
	v29 =	vld [tilespmem:s6+$0x6AC0]  }
0x8b: {  	[tilespmem:s11+$0xFE30] =	vst v50;
	v50 =	vld [tilespmem:s6+$0x68C0]  }
0x8c: {  	v57 =	vld [tilespmem:s6+$0x9B10]  }
0x8d: {  	v52 =	vld [tilespmem:s6+$0x9C40]  }
0x8e: {  	v54 =	vld [tilespmem:s6+$0x9DC0]  }
0x8f: {  	v19 =	vld [tilespmem:s6+$0x6BC0]  }
0x90: {  	v55 =	vld [tilespmem:s6+$0x6A40];
	[tilespmem:s6+$0xFE20] =	vst v11;
	v11 =	vadd.f32 v38, v35  }
0x91: {  	v38 =	vld [tilespmem:s6+$0x9B60]  }
0x92: {  	[tilespmem:s6+$0xFE40] =	vst v11;
	v11 =	vld [tilespmem:s6+$0x9A70]  }
0x93: {  	v10 =	vadd.f32 v53, v10;
	v53 =	vld [tilespmem:s6+$0x68D0]  }
0x94: {  	v13 =	vadd.f32 v51, v14;
	v15 =	vadd.f32 v19, v54;
	v19 =	vld [tilespmem:s6+$0x6920]  }
0x95: {  	v9 =	vadd.f32 v55, v52;
	v52 =	vld [tilespmem:s6+$0x9AD0]  }
0x96: {  	[tilespmem:s16+$0xFE40] =	vst v13;
	v54 =	vld [tilespmem:s6+$0x9AE0]  }
0x97: {  	v51 =	vadd.f32 v29, v26;
	v13 =	vld [tilespmem:s6+$0x9E50]  }
0x98: {  	[tilespmem:s15+$0xFE30] =	vst v10;
	v58 =	vld [tilespmem:s6+$0x6C50]  }
0x99: {  	[tilespmem:s13+$0xFE40] =	vst v51;
	v51 =	vld [tilespmem:s6+$0x6990]  }
0x9a: {  	v59 =	vld [tilespmem:s6+$0x9EC0]  }
0x9b: {  	v60 =	vld [tilespmem:s6+$0x6CC0]  }
0x9c: {  	v55 =	vld [tilespmem:s6+$0x9CD0]  }
0x9d: {  	[tilespmem:s7+$0xFE40] =	vst v9;
	v9 =	vadd.f32 v61, v56;
	v56 =	vld [tilespmem:s6+$0x6900]  }
0x9e: {  	v61 =	vld [tilespmem:s6+$0x9B20]  }
0x9f: {  	[tilespmem:s11+$0xFE40] =	vst v15;
	v62 =	vld [tilespmem:s6+$0x6A50]  }
0xa0: {  	v21 =	vld [tilespmem:s6+$0x9DD0]  }
0xa1: {  	v63 =	vld [tilespmem:s6+$0x6BD0]  }
0xa2: {  	v28 =	vld [tilespmem:s6+$0x9C50];
	[tilespmem:s12+$0xFE30] =	vst v9  }
0xa3: {  	v9 =	vld [tilespmem:s6+$0x9D40]  }
0xa4: {  	v23 =	vld [tilespmem:s6+$0x6B40]  }
0xa5: {  	v27 =	vadd.f32 v60, v59;
	v59 =	vld [tilespmem:s6+$0x6910]  }
0xa6: {  	v10 =	vadd.f32 v58, v13;
	v60 =	vld [tilespmem:s6+$0x9AF0]  }
0xa7: {  	v15 =	vadd.f32 v62, v28;
	v28 =	vld [tilespmem:s6+$0x68A0]  }
0xa8: {  	[tilespmem:s16+$0xFE50] =	vst v10;
	v62 =	vadd.f32 v56, v31;
	v56 =	vld [tilespmem:s6+$0x69B0]  }
0xa9: {  	v10 =	vld [tilespmem:s6+$0x9E60]  }
0xaa: {  	v30 =	vld [tilespmem:s6+$0x6C60]  }
0xab: {  	[tilespmem:s15+$0xFE40] =	vst v27;
	v27 =	vld [tilespmem:s6+$0x9AA0]  }
0xac: {  	v14 =	vld [tilespmem:s6+$0x6CD0]  }
0xad: {  	v24 =	vld [tilespmem:s6+$0x9ED0]  }
0xae: {  	[tilespmem:s7+$0xFE50] =	vst v15;
	v15 =	vadd.f32 v36, v20;
	v20 =	vld [tilespmem:s6+$0x9A50]  }
0xaf: {  	v13 =	vadd.f32 v63, v21;
	v9 =	vadd.f32 v23, v9;
	v23 =	vld [tilespmem:s6+$0x6870]  }
0xb0: {  	v21 =	vld [tilespmem:s6+$0x9C60]  }
0xb1: {  	[tilespmem:s11+$0xFE50] =	vst v13;
	v16 =	vld [tilespmem:s6+$0x6A60]  }
0xb2: {  	v32 =	vld [tilespmem:s6+$0x9DE0]  }
0xb3: {  	v33 =	vld [tilespmem:s6+$0x6BE0]  }
0xb4: {  	[tilespmem:s6+$0xFE30] =	vst v15;
	v15 =	vadd.f32 v44, v43;
	v43 =	vld [tilespmem:s6+$0x9B50]  }
0xb5: {  	v3 =	vadd.f32 v3, v5;
	[tilespmem:s12+$0xFE40] =	vst v9;
	v44 =	vld [tilespmem:s6+$0x6950]  }
0xb6: {  	v8 =	vadd.f32 v8, v22;
	v41 =	vld [tilespmem:s6+$0x6B50]  }
0xb7: {  	[tilespmem:s6+$0xFF70] =	vst v3;
	v42 =	vld [tilespmem:s6+$0x9D50]  }
0xb8: {  	[tilespmem:s6+$0xFE60] =	vst v8;
	v6 =	vadd.f32 v56, v6;
	v10 =	vadd.f32 v30, v10;
	v30 =	vld [tilespmem:s6+$0x6AD0]  }
0xb9: {  	v12 =	vadd.f32 v45, v25;
	[tilespmem:s6+$0xFE80] =	vst v15;
	v15 =	vadd.f32 v47, v46;
	v46 =	vld [tilespmem:s6+$0x9B80]  }
0xba: {  	v14 =	vadd.f32 v14, v24;
	[tilespmem:s6+$0xFFB0] =	vst v6;
	v6 =	vld [tilespmem:s6+$0x9BE0]  }
0xbb: {  	[tilespmem:s6+$0xFE90] =	vst v12;
	v19 =	vadd.f32 v19, v61;
	v40 =	vadd.f32 v33, v32;
	v32 =	vld [tilespmem:s6+$0x68E0]  }
0xbc: {  	v33 =	vld [tilespmem:s6+$0x68F0];
	[tilespmem:s15+$0xFE50] =	vst v14  }
0xbd: {  	[tilespmem:s6+$0xFF20] =	vst v19;
	v48 =	vadd.f32 v28, v27;
	v14 =	vld [tilespmem:s6+$0x6CE0]  }
0xbe: {  	[tilespmem:s16+$0xFE60] =	vst v10;
	v37 =	vld [tilespmem:s6+$0x9EE0]  }
0xbf: {  	[tilespmem:s6+$0xFEA0] =	vst v48;
	v48 =	vld [tilespmem:s6+$0x6980]  }
0xc0: {  	[tilespmem:s6+$0xFF00] =	vst v62;
	v13 =	vld [tilespmem:s6+$0x9E70]  }
0xc1: {  	[tilespmem:s6+$0xFEB0] =	vst v15;
	v18 =	vld [tilespmem:s6+$0x6C70];
	v58 =	vadd.f32 v30, v55  }
0xc2: {  	v17 =	vadd.f32 v17, v20;
	[tilespmem:s11+$0xFE60] =	vst v40;
	v40 =	vld [tilespmem:s6+$0x9B40]  }
0xc3: {  	v9 =	vld [tilespmem:s6+$0x9DF0];
	[tilespmem:s13+$0xFE50] =	vst v58;
	v10 =	vadd.f32 v14, v37  }
0xc4: {  	[tilespmem:s6+$0xFE50] =	vst v17;
	v63 =	vld [tilespmem:s6+$0x9CE0];
	v14 =	vadd.f32 v41, v42  }
0xc5: {  	v11 =	vadd.f32 v23, v11;
	v36 =	vld [tilespmem:s6+$0x6AE0];
	[tilespmem:s15+$0xFE60] =	vst v10  }
0xc6: {  	v16 =	vadd.f32 v16, v21;
	[tilespmem:s12+$0xFE50] =	vst v14;
	v10 =	vld [tilespmem:s6+$0x9EF0]  }
0xc7: {  	v15 =	vadd.f32 v39, v38;
	[tilespmem:s6+$0xFE70] =	vst v11;
	v27 =	vld [tilespmem:s6+$0x9D60]  }
0xc8: {  	[tilespmem:s7+$0xFE60] =	vst v16;
	v8 =	vadd.f32 v18, v13;
	v47 =	vld [tilespmem:s6+$0x6B60]  }
0xc9: {  	[tilespmem:s6+$0xFF60] =	vst v15;
	v37 =	vadd.f32 v59, v57;
	v14 =	vadd.f32 v50, v49;
	v41 =	vld [tilespmem:s6+$0x6CF0]  }
0xca: {  	[tilespmem:s16+$0xFE70] =	vst v8;
	v49 =	vadd.f32 v53, v52;
	v53 =	vld [tilespmem:s6+$0x9BA0];
	v24 =	vadd.f32 v36, v63  }
0xcb: {  	v58 =	vld [tilespmem:s6+$0x9BC0];
	v8 =	vadd.f32 v32, v54;
	[tilespmem:s6+$0xFF10] =	vst v37  }
0xcc: {  	v42 =	vld [tilespmem:s6+$0x6940];
	[tilespmem:s13+$0xFE60] =	vst v24  }
0xcd: {  	[tilespmem:s6+$0xFEE0] =	vst v8;
	v45 =	vld [tilespmem:s6+$0x9CF0];
	v55 =	vadd.f32 v47, v27  }
0xce: {  	[tilespmem:s6+$0xFEC0] =	vst v14;
	v54 =	vld [tilespmem:s6+$0x6AF0];
	v8 =	vadd.f32 v41, v10  }
0xcf: {  	v57 =	vld [tilespmem:s6+$0x69C0];
	v4 =	vadd.f32 v4, v53;
	[tilespmem:s12+$0xFE60] =	vst v55  }
0xd0: {  	v52 =	vadd.f32 v33, v60;
	[tilespmem:s15+$0xFE70] =	vst v8;
	v8 =	vadd.f32 v48, v46;
	v60 =	vld [tilespmem:s6+$0x9D70]  }
0xd1: {  	[tilespmem:s6+$0xFFA0] =	vst v4;
	v4 =	vadd.f32 v44, v43;
	v61 =	vld [tilespmem:s6+$0x6B70]  }
0xd2: {  	v62 =	vld [tilespmem:s6+$0x6A70];
	[tilespmem:s6+$0xFF80] =	vst v8;
	v8 =	vadd.f32 v42, v40  }
0xd3: {  	v50 =	vld [tilespmem:s6+$0x9B90];
	[tilespmem:s6+$0xFF50] =	vst v4;
	v4 =	vadd.f32 v54, v45  }
0xd4: {  	[tilespmem:s6+$0xFF40] =	vst v8;
	v8 =	vld [tilespmem:s6+$0x69D0]  }
0xd5: {  	v59 =	vld [tilespmem:s6+$0x9C70];
	[tilespmem:s13+$0xFE70] =	vst v4;
	v4 =	vadd.f32 v57, v58  }
0xd6: {  	[tilespmem:s6+$0xFED0] =	vst v49;
	v63 =	vld [tilespmem:s6+$0x6BF0];
	v5 =	vadd.f32 v61, v60  }
0xd7: {  	[tilespmem:s6+$0xFFC0] =	vst v4;
	v4 =	vld [tilespmem:s6+$0x9A00]  }
0xd8: {  	v12 =	vadd.f32 v51, v50;
	[tilespmem:s12+$0xFE70] =	vst v5;
	v5 =	vld [tilespmem:s6+$0x9B30]  }
0xd9: {  	[tilespmem:s6+$0xFEF0] =	vst v52;
	v7 =	vadd.f32 v8, v7  }
0xda: {  	v6 =	vadd.f32 v2, v6;
	[tilespmem:s6+$0xFF90] =	vst v12  }
0xdb: {  	s20 =	simm.s32 $0xA;
	v3 =	vadd.f32 v62, v59;
	v2 =	vadd.f32 v63, v9;
	[tilespmem:s6+$0xFFD0] =	vst v7  }
.LBB2_3:
0xdc: {  	s12 =	sshll.u32 s20, $0x7;
	p1 =	slt.u32 s20, $0x28;
	s20 =	sadd.s32 $0xA, s20;
	v1 =	vadd.f32 v1, v4;
	[tilespmem:s6+$0xFFE0] =	vst v6  }
0xdd: {  	v4 =	vld [tilespmem:s12+$0x69F0];
	v5 =	vadd.f32 v0, v5;
	[tilespmem:s11+$0xFE70] =	vst v2  }
0xde: {  	v6 =	vld [tilespmem:s12+$0x9BF0];
	[tilespmem:s6+$0xFE00] =	vst v1  }
0xdf: {  	v0 =	vld [tilespmem:s12+$0x6930];
	[tilespmem:s6+$0xFF30] =	vst v5;
	s6 =	smov.u32 s12  }
0xe0: {  	v2 =	vld [tilespmem:s6+$0x69E0];
	[tilespmem:s7+$0xFE70] =	vst v3  }
0xe1: {  	v3 =	vld [tilespmem:s6+$0x69A0]  }
0xe2: {  	v1 =	vld [tilespmem:s6+$0x9E80]  }
0xe3: {  	v4 =	vadd.f32 v4, v6;
	v5 =	vld [tilespmem:s6+$0x9E00]  }
0xe4: {  	s7 =	sadd.s32 $0x200, s6;
	v6 =	vld [tilespmem:s6+$0x6B80]  }
0xe5: {  	[tilespmem:s6+$0xFFF0] =	vst v4;
	v7 =	vld [tilespmem:s6+$0x6A80]  }
0xe6: {  	s12 =	sadd.s32 $0x280, s6;
	v8 =	vld [tilespmem:s6+$0x6A00]  }
0xe7: {  	v4 =	vld [tilespmem:s6+$0x9D80]  }
0xe8: {  	s13 =	sadd.s32 $0x300, s6;
	v9 =	vld [tilespmem:s6+$0x6B00]  }
0xe9: {  	v10 =	vld [tilespmem:s6+$0x6C80]  }
0xea: {  	s11 =	sadd.s32 $0x380, s6;
	v11 =	vld [tilespmem:s6+$0x9D00]  }
0xeb: {  	v12 =	vld [tilespmem:s6+$0x9C80]  }
0xec: {  	s15 =	sadd.s32 $0x400, s6;
	v13 =	vld [tilespmem:s6+$0x9C00];
	v6 =	vadd.f32 v6, v4  }
0xed: {  	s16 =	sadd.s32 $0x480, s6;
	v14 =	vld [tilespmem:s6+$0x6C00]  }
0xee: {  	v4 =	vld [tilespmem:s6+$0x6970];
	[tilespmem:s11+$0xFE00] =	vst v6;
	v1 =	vadd.f32 v10, v1  }
0xef: {  	v6 =	vadd.f32 v9, v11;
	v9 =	vld [tilespmem:s6+$0x9D90]  }
0xf0: {  	v7 =	vadd.f32 v7, v12;
	v10 =	vld [tilespmem:s6+$0x6B90];
	[tilespmem:s16+$0xFE00] =	vst v1  }
0xf1: {  	v1 =	vadd.f32 v8, v13;
	[tilespmem:s13+$0xFE00] =	vst v6;
	v11 =	vld [tilespmem:s6+$0x9E90]  }
0xf2: {  	[tilespmem:s12+$0xFE00] =	vst v7;
	v7 =	vld [tilespmem:s6+$0x9D10];
	v5 =	vadd.f32 v14, v5  }
0xf3: {  	[tilespmem:s7+$0xFE00] =	vst v1;
	v1 =	vld [tilespmem:s6+$0x9C90]  }
0xf4: {  	v8 =	vld [tilespmem:s6+$0x9C10]  }
0xf5: {  	v12 =	vld [tilespmem:s6+$0x6A10];
	v6 =	vadd.f32 v10, v9;
	[tilespmem:s15+$0xFE00] =	vst v5  }
0xf6: {  	v9 =	vld [tilespmem:s6+$0x9E10]  }
0xf7: {  	[tilespmem:s11+$0xFE10] =	vst v6;
	v10 =	vld [tilespmem:s6+$0x6C10]  }
0xf8: {  	v13 =	vld [tilespmem:s6+$0x6A90]  }
0xf9: {  	v5 =	vld [tilespmem:s6+$0x9BB0]  }
0xfa: {  	v6 =	vld [tilespmem:s6+$0x9B70];
	v8 =	vadd.f32 v12, v8  }
0xfb: {  	v12 =	vld [tilespmem:s6+$0x6B10]  }
0xfc: {  	[tilespmem:s7+$0xFE10] =	vst v8;
	v8 =	vadd.f32 v10, v9;
	v9 =	vld [tilespmem:s6+$0x6C90]  }
0xfd: {  	v10 =	vld [tilespmem:s6+$0x9C20];
	v1 =	vadd.f32 v13, v1  }
0xfe: {  	v13 =	vld [tilespmem:s6+$0x6A20];
	[tilespmem:s15+$0xFE10] =	vst v8  }
0xff: {  	[tilespmem:s12+$0xFE10] =	vst v1;
	v1 =	vld [tilespmem:s6+$0x9E20]  }
0x100: {  	v7 =	vadd.f32 v12, v7;
	v12 =	vld [tilespmem:s6+$0x6C20]  }
0x101: {  	v8 =	vld [tilespmem:s6+$0x6AA0];
	v9 =	vadd.f32 v9, v11  }
0x102: {  	[tilespmem:s13+$0xFE10] =	vst v7;
	v7 =	vld [tilespmem:s6+$0x9DA0]  }
0x103: {  	v10 =	vadd.f32 v13, v10;
	v11 =	vld [tilespmem:s6+$0x9D20];
	[tilespmem:s16+$0xFE10] =	vst v9  }
0x104: {  	v9 =	vld [tilespmem:s6+$0x6CA0]  }
0x105: {  	[tilespmem:s7+$0xFE20] =	vst v10;
	v10 =	vld [tilespmem:s6+$0x6BA0];
	v1 =	vadd.f32 v12, v1  }
0x106: {  	v12 =	vld [tilespmem:s6+$0x9EA0]  }
0x107: {  	v13 =	vld [tilespmem:s6+$0x6A30];
	[tilespmem:s15+$0xFE20] =	vst v1  }
0x108: {  	v14 =	vld [tilespmem:s6+$0x9E30]  }
0x109: {  	v15 =	vld [tilespmem:s6+$0x6C30]  }
0x10a: {  	v16 =	vld [tilespmem:s6+$0x6B20];
	v7 =	vadd.f32 v10, v7  }
0x10b: {  	v1 =	vld [tilespmem:s6+$0x6800]  }
0x10c: {  	v17 =	vld [tilespmem:s6+$0x9C30];
	[tilespmem:s11+$0xFE20] =	vst v7  }
0x10d: {  	v18 =	vld [tilespmem:s6+$0x9DB0]  }
0x10e: {  	v9 =	vadd.f32 v9, v12;
	v19 =	vld [tilespmem:s6+$0x6BB0]  }
0x10f: {  	v12 =	vadd.f32 v15, v14;
	v7 =	vld [tilespmem:s6+$0x9BD0];
	v11 =	vadd.f32 v16, v11  }
0x110: {  	v10 =	vld [tilespmem:s6+$0x6860];
	[tilespmem:s16+$0xFE20] =	vst v9  }
0x111: {  	v9 =	vadd.f32 v13, v17;
	[tilespmem:s15+$0xFE30] =	vst v12;
	v12 =	vld [tilespmem:s6+$0x9EB0]  }
0x112: {  	[tilespmem:s13+$0xFE20] =	vst v11;
	v11 =	vld [tilespmem:s6+$0x9E40]  }
0x113: {  	v13 =	vld [tilespmem:s6+$0x6810];
	[tilespmem:s7+$0xFE30] =	vst v9;
	v9 =	vadd.f32 v19, v18  }
0x114: {  	v14 =	vld [tilespmem:s6+$0x9A10]  }
0x115: {  	[tilespmem:s11+$0xFE30] =	vst v9;
	v9 =	vld [tilespmem:s6+$0x6C40]  }
0x116: {  	v15 =	vld [tilespmem:s6+$0x9C40]  }
0x117: {  	v16 =	vld [tilespmem:s6+$0x6CB0]  }
0x118: {  	v17 =	vld [tilespmem:s6+$0x9DC0]  }
0x119: {  	v18 =	vld [tilespmem:s6+$0x6BC0]  }
0x11a: {  	v19 =	vld [tilespmem:s6+$0x6A40];
	v9 =	vadd.f32 v9, v11  }
0x11b: {  	v11 =	vld [tilespmem:s6+$0x9D30]  }
0x11c: {  	v20 =	vld [tilespmem:s6+$0x9A30];
	[tilespmem:s15+$0xFE40] =	vst v9;
	v9 =	vadd.f32 v16, v12  }
0x11d: {  	v12 =	vld [tilespmem:s6+$0x9A20]  }
0x11e: {  	v16 =	vadd.f32 v18, v17;
	v17 =	vld [tilespmem:s6+$0x9E50];
	[tilespmem:s16+$0xFE30] =	vst v9  }
0x11f: {  	v9 =	vadd.f32 v19, v15;
	v15 =	vld [tilespmem:s6+$0x6C50]  }
0x120: {  	[tilespmem:s11+$0xFE40] =	vst v16;
	v16 =	vld [tilespmem:s6+$0x9EC0]  }
0x121: {  	[tilespmem:s7+$0xFE40] =	vst v9;
	v9 =	vld [tilespmem:s6+$0x6CC0]  }
0x122: {  	v18 =	vld [tilespmem:s6+$0x6B30]  }
0x123: {  	v19 =	vld [tilespmem:s6+$0x6A50]  }
0x124: {  	v21 =	vld [tilespmem:s6+$0x9DD0];
	v15 =	vadd.f32 v15, v17  }
0x125: {  	v17 =	vld [tilespmem:s6+$0x6BD0]  }
0x126: {  	v22 =	vld [tilespmem:s6+$0x9A60];
	[tilespmem:s15+$0xFE50] =	vst v15;
	v15 =	vadd.f32 v9, v16  }
0x127: {  	v11 =	vadd.f32 v18, v11;
	v16 =	vld [tilespmem:s6+$0x9E60]  }
0x128: {  	v18 =	vld [tilespmem:s6+$0x9C50]  }
0x129: {  	v9 =	vld [tilespmem:s6+$0x6920];
	[tilespmem:s13+$0xFE30] =	vst v11  }
0x12a: {  	v11 =	vld [tilespmem:s6+$0x9D40];
	v17 =	vadd.f32 v17, v21;
	[tilespmem:s16+$0xFE40] =	vst v15  }
0x12b: {  	v15 =	vld [tilespmem:s6+$0x6CD0]  }
0x12c: {  	v21 =	vld [tilespmem:s6+$0x6B40];
	[tilespmem:s11+$0xFE50] =	vst v17  }
0x12d: {  	v17 =	vadd.f32 v19, v18;
	v18 =	vld [tilespmem:s6+$0x9ED0]  }
0x12e: {  	v19 =	vld [tilespmem:s6+$0x6820]  }
0x12f: {  	[tilespmem:s7+$0xFE50] =	vst v17;
	v17 =	vld [tilespmem:s6+$0x6C60]  }
0x130: {  	v23 =	vld [tilespmem:s6+$0x9C60]  }
0x131: {  	v13 =	vadd.f32 v13, v14;
	v14 =	vld [tilespmem:s6+$0x6A60];
	v11 =	vadd.f32 v21, v11  }
0x132: {  	v21 =	vld [tilespmem:s6+$0x9DE0]  }
0x133: {  	v12 =	vadd.f32 v19, v12;
	[tilespmem:s13+$0xFE40] =	vst v11;
	v11 =	vld [tilespmem:s6+$0x6BE0]  }
0x134: {  	v15 =	vadd.f32 v15, v18;
	[tilespmem:s6+$0xFE10] =	vst v13;
	v13 =	vld [tilespmem:s6+$0x9CA0];
	v16 =	vadd.f32 v17, v16  }
0x135: {  	[tilespmem:s6+$0xFE20] =	vst v12;
	v12 =	vld [tilespmem:s6+$0x9A40]  }
0x136: {  	v17 =	vld [tilespmem:s6+$0x6830];
	v14 =	vadd.f32 v14, v23;
	[tilespmem:s16+$0xFE50] =	vst v15  }
0x137: {  	[tilespmem:s15+$0xFE60] =	vst v16;
	v15 =	vld [tilespmem:s6+$0x6CE0]  }
0x138: {  	[tilespmem:s7+$0xFE60] =	vst v14;
	v11 =	vadd.f32 v11, v21;
	v14 =	vld [tilespmem:s6+$0x9EE0]  }
0x139: {  	v8 =	vadd.f32 v8, v13;
	v13 =	vld [tilespmem:s6+$0x9E70]  }
0x13a: {  	v16 =	vld [tilespmem:s6+$0x6840];
	[tilespmem:s11+$0xFE60] =	vst v11  }
0x13b: {  	v11 =	vadd.f32 v17, v20;
	v17 =	vld [tilespmem:s6+$0x9A50];
	[tilespmem:s12+$0xFE20] =	vst v8  }
0x13c: {  	v18 =	vld [tilespmem:s6+$0x9CB0]  }
0x13d: {  	[tilespmem:s6+$0xFE30] =	vst v11;
	v11 =	vld [tilespmem:s6+$0x6AB0];
	v8 =	vadd.f32 v15, v14  }
0x13e: {  	v14 =	vld [tilespmem:s6+$0x6850]  }
0x13f: {  	v12 =	vadd.f32 v16, v12;
	v15 =	vld [tilespmem:s6+$0x6B50];
	[tilespmem:s16+$0xFE60] =	vst v8  }
0x140: {  	v16 =	vld [tilespmem:s6+$0x9D50]  }
0x141: {  	[tilespmem:s6+$0xFE40] =	vst v12;
	v8 =	vld [tilespmem:s6+$0x9DF0]  }
0x142: {  	v11 =	vadd.f32 v11, v18;
	v12 =	vld [tilespmem:s6+$0x9EF0]  }
0x143: {  	v14 =	vadd.f32 v14, v17;
	v17 =	vld [tilespmem:s6+$0x9A70]  }
0x144: {  	v18 =	vld [tilespmem:s6+$0x6870];
	[tilespmem:s12+$0xFE30] =	vst v11  }
0x145: {  	v10 =	vadd.f32 v10, v22;
	[tilespmem:s6+$0xFE50] =	vst v14;
	v11 =	vld [tilespmem:s6+$0x9CC0];
	v14 =	vadd.f32 v15, v16  }
0x146: {  	v15 =	vld [tilespmem:s6+$0x9AB0]  }
0x147: {  	[tilespmem:s6+$0xFE60] =	vst v10;
	v10 =	vld [tilespmem:s6+$0x9A80]  }
0x148: {  	v16 =	vld [tilespmem:s6+$0x6880];
	[tilespmem:s13+$0xFE50] =	vst v14  }
0x149: {  	v14 =	vadd.f32 v18, v17;
	v17 =	vld [tilespmem:s6+$0x9A90]  }
0x14a: {  	v18 =	vld [tilespmem:s6+$0x6890]  }
0x14b: {  	[tilespmem:s6+$0xFE70] =	vst v14;
	v14 =	vld [tilespmem:s6+$0x9AA0]  }
0x14c: {  	v19 =	vld [tilespmem:s6+$0x68A0]  }
0x14d: {  	v10 =	vadd.f32 v16, v10;
	v16 =	vld [tilespmem:s6+$0x6AC0]  }
0x14e: {  	v20 =	vld [tilespmem:s6+$0x6C70]  }
0x14f: {  	[tilespmem:s6+$0xFE80] =	vst v10;
	v10 =	vadd.f32 v18, v17;
	v17 =	vld [tilespmem:s6+$0x9D60]  }
0x150: {  	v18 =	vld [tilespmem:s6+$0x68B0]  }
0x151: {  	[tilespmem:s6+$0xFE90] =	vst v10;
	v10 =	vadd.f32 v19, v14;
	v14 =	vld [tilespmem:s6+$0x9AC0]  }
0x152: {  	v19 =	vld [tilespmem:s6+$0x68C0];
	v11 =	vadd.f32 v16, v11  }
0x153: {  	[tilespmem:s6+$0xFEA0] =	vst v10;
	v10 =	vld [tilespmem:s6+$0x9AD0];
	v13 =	vadd.f32 v20, v13  }
0x154: {  	v16 =	vld [tilespmem:s6+$0x68D0];
	[tilespmem:s12+$0xFE40] =	vst v11  }
0x155: {  	v11 =	vadd.f32 v18, v15;
	v15 =	vld [tilespmem:s6+$0x9AE0];
	[tilespmem:s15+$0xFE70] =	vst v13  }
0x156: {  	v13 =	vld [tilespmem:s6+$0x68E0]  }
0x157: {  	[tilespmem:s6+$0xFEB0] =	vst v11;
	v11 =	vadd.f32 v19, v14;
	v14 =	vld [tilespmem:s6+$0x9CD0]  }
0x158: {  	v18 =	vld [tilespmem:s6+$0x6AD0]  }
0x159: {  	[tilespmem:s6+$0xFEC0] =	vst v11;
	v10 =	vadd.f32 v16, v10;
	v11 =	vld [tilespmem:s6+$0x9AF0]  }
0x15a: {  	v16 =	vld [tilespmem:s6+$0x68F0]  }
0x15b: {  	[tilespmem:s6+$0xFED0] =	vst v10;
	v10 =	vadd.f32 v13, v15;
	v13 =	vld [tilespmem:s6+$0x9B00]  }
0x15c: {  	v15 =	vld [tilespmem:s6+$0x6900]  }
0x15d: {  	[tilespmem:s6+$0xFEE0] =	vst v10;
	v10 =	vld [tilespmem:s6+$0x9B10];
	v14 =	vadd.f32 v18, v14  }
0x15e: {  	v18 =	vld [tilespmem:s6+$0x6910]  }
0x15f: {  	v11 =	vadd.f32 v16, v11;
	v16 =	vld [tilespmem:s6+$0x9B20];
	[tilespmem:s12+$0xFE50] =	vst v14  }
0x160: {  	v14 =	vld [tilespmem:s6+$0x9CE0]  }
0x161: {  	[tilespmem:s6+$0xFEF0] =	vst v11;
	v11 =	vadd.f32 v15, v13;
	v13 =	vld [tilespmem:s6+$0x6AE0]  }
0x162: {  	v15 =	vld [tilespmem:s6+$0x6CF0]  }
0x163: {  	[tilespmem:s6+$0xFF00] =	vst v11;
	v10 =	vadd.f32 v18, v10;
	v11 =	vld [tilespmem:s6+$0x9B60]  }
0x164: {  	v9 =	vadd.f32 v9, v16;
	v16 =	vld [tilespmem:s6+$0x6960]  }
0x165: {  	[tilespmem:s6+$0xFF10] =	vst v10;
	v10 =	vld [tilespmem:s6+$0x9B40]  }
0x166: {  	[tilespmem:s6+$0xFF20] =	vst v9;
	v9 =	vld [tilespmem:s6+$0x6940];
	v13 =	vadd.f32 v13, v14  }
0x167: {  	v14 =	vld [tilespmem:s6+$0x9B50];
	v12 =	vadd.f32 v15, v12  }
0x168: {  	v15 =	vld [tilespmem:s6+$0x6950];
	[tilespmem:s12+$0xFE60] =	vst v13  }
0x169: {  	v13 =	vld [tilespmem:s6+$0x9CF0];
	[tilespmem:s16+$0xFE70] =	vst v12  }
0x16a: {  	v12 =	vld [tilespmem:s6+$0x6AF0]  }
0x16b: {  	v9 =	vadd.f32 v9, v10;
	v10 =	vld [tilespmem:s6+$0x69C0]  }
0x16c: {  	v18 =	vld [tilespmem:s6+$0x9B80]  }
0x16d: {  	[tilespmem:s6+$0xFF40] =	vst v9;
	v9 =	vadd.f32 v15, v14;
	v14 =	vld [tilespmem:s6+$0x6B60]  }
0x16e: {  	v15 =	vld [tilespmem:s6+$0x6980]  }
0x16f: {  	[tilespmem:s6+$0xFF50] =	vst v9;
	v9 =	vadd.f32 v16, v11;
	v11 =	vld [tilespmem:s6+$0x9B90];
	v12 =	vadd.f32 v12, v13  }
0x170: {  	v13 =	vld [tilespmem:s6+$0x6990]  }
0x171: {  	v4 =	vadd.f32 v4, v6;
	[tilespmem:s6+$0xFF60] =	vst v9;
	v6 =	vld [tilespmem:s6+$0x9BA0]  }
0x172: {  	v9 =	vld [tilespmem:s6+$0x69B0];
	[tilespmem:s12+$0xFE70] =	vst v12;
	v12 =	vadd.f32 v14, v17  }
0x173: {  	[tilespmem:s6+$0xFF70] =	vst v4;
	v4 =	vadd.f32 v15, v18;
	v14 =	vld [tilespmem:s6+$0x9BC0]  }
0x174: {  	v15 =	vld [tilespmem:s6+$0x9C70];
	[tilespmem:s13+$0xFE60] =	vst v12  }
0x175: {  	[tilespmem:s6+$0xFF80] =	vst v4;
	v4 =	vadd.f32 v13, v11;
	v11 =	vld [tilespmem:s6+$0x9D70]  }
0x176: {  	v3 =	vadd.f32 v3, v6;
	v6 =	vld [tilespmem:s6+$0x6B70]  }
0x177: {  	[tilespmem:s6+$0xFF90] =	vst v4;
	v4 =	vadd.f32 v9, v5;
	v9 =	vld [tilespmem:s6+$0x6A70]  }
0x178: {  	[tilespmem:s6+$0xFFA0] =	vst v3;
	v12 =	vld [tilespmem:s6+$0x69D0]  }
0x179: {  	[tilespmem:s6+$0xFFB0] =	vst v4;
	v13 =	vld [tilespmem:s6+$0x9BE0]  }
0x17a: {  	v16 =	vld [tilespmem:s6+$0x6BF0]  }
.Ltmp2:
0x17b: {  	v10 =	vadd.f32 v10, v14;
	v4 =	vld [tilespmem:s6+$0x9A00];
	v11 =	vadd.f32 v6, v11;
	(pc) =	sbr.rel @p1 .LBB2_3-.Ltmp2, $4  }
0x17c: {  	v5 =	vld [tilespmem:s6+$0x9B30];
	v3 =	vadd.f32 v9, v15  }
0x17d: {  	[tilespmem:s6+$0xFFC0] =	vst v10;
	v7 =	vadd.f32 v12, v7  }
0x17e: {  	v6 =	vadd.f32 v2, v13;
	[tilespmem:s13+$0xFE70] =	vst v11  }
0x17f: {  	[tilespmem:s6+$0xFFD0] =	vst v7;
	v2 =	vadd.f32 v16, v8  }
0x180: {  	[tilespmem:s6+$0xFFE0] =	vst v6;
	s20 =	smul.u32 $0x190, s18;
	p1 =	sne.s32 s18, $0x3F  }
.Ltmp3:
0x181: {  	v1 =	vadd.f32 v1, v4;
	[tilespmem:s7+$0xFE70] =	vst v3;
	(pc) =	sbr.rel @p1 .LBB2_6-.Ltmp3, $4  }
0x182: {  	v0 =	vadd.f32 v0, v5;
	[tilespmem:s11+$0xFE70] =	vst v2;
	s15 =	sadd.s32 s5, s20  }
0x183: {  	[tilespmem:s6+$0xFE00] =	vst v1;
	s16 =	sshll.u32 s15, $0x3  }
0x184: {  	[tilespmem:s6+$0xFF30] =	vst v0;
	s6 =	sadd.s32 s2, s16  }
0x185: {  	[hbm4b:s6+s3] =	stream.linear.scatter [tilespmem:s23], [sflag:$0x5], $0x1900, $0x38;
	[tilespmem:$0x16200] =	vst v63  }
.Ltmp4:
0x186: {  	(pc) =	sbr.rel .LBB2_7-.Ltmp4, $4  }
0x187: {  	_ = 	snop  }
0x188: {  	_ =	swait.ge [sflag:s24], $0x1900  }
0x189: {  	[sflag:s24] =	ssyncset.done $0x0  }
0x18a: {  	[sflag:s24] =	ssyncadd.s32 $0xFFFFE700  }
.LBB2_6:
0x18b: {  	s6 =	smul.u32 $0x680, s18;
	_ =	sdelay $0x1  }
0x18c: {  	s6 =	sshra.s32 s6, $0x2  }
.Ltmp5:
0x18d: {  	s7 =	simm.s32 $0x9A00;
	s6 =	sadd.s32 $0x1A0, s6;
	(pc) =	sbr.rel @p0 .LBB2_8-.Ltmp5, $4  }
0x18e: {  	[tilespmem:s7], [sflag:$0x1] =	stream.indirect.gather [hbm4b:s4+s14], $0x40, s6, s14, $0xb8;
	[tilespmem:$0x16200] =	vst v63  }
0x18f: {  	_ =	swait.ge [sflag:s24], $0x1900  }
0x190: {  	[sflag:s24] =	ssyncset.done $0x0  }
0x191: {  	[sflag:s24] =	ssyncadd.s32 $0xFFFFE700  }
.LBB2_7:
0x192: {  	_ =	swait.ge [sflag:s25], $0x1900  }
0x193: {  	[sflag:s25] =	ssyncset.done $0x0  }
0x194: {  	[sflag:s25] =	ssyncadd.s32 $0xFFFFE700  }
.LBB2_8:
0x195: {  	s6 =	simm.s32 $0x0  }
0x196: {  	v2 =	vld [tilespmem:s6+$0x8110]  }
0x197: {  	v0 =	vld [tilespmem:s6+$0x85F0]  }
0x198: {  	v4 =	vld [tilespmem:s6+$0x8100]  }
0x199: {  	v3 =	vld [tilespmem:s6+$0x85C0]  }
0x19a: {  	v5 =	vld [tilespmem:s6+$0x8450]  }
0x19b: {  	v1 =	vld [tilespmem:s6+$0x8120]  }
0x19c: {  	v6 =	vld [tilespmem:s6+$0xB330]  }
0x19d: {  	v7 =	vld [tilespmem:s6+$0x8130]  }
0x19e: {  	v22 =	vld [tilespmem:s6+$0xB340]  }
0x19f: {  	v23 =	vld [tilespmem:s6+$0x8140]  }
0x1a0: {  	v18 =	vld [tilespmem:s6+$0xB350]  }
0x1a1: {  	v19 =	vld [tilespmem:s6+$0x8150]  }
0x1a2: {  	v16 =	vld [tilespmem:s6+$0xB360]  }
0x1a3: {  	v8 =	vld [tilespmem:s6+$0xB380]  }
0x1a4: {  	v9 =	vld [tilespmem:s6+$0x8180]  }
0x1a5: {  	v10 =	vld [tilespmem:s6+$0xB390]  }
0x1a6: {  	v11 =	vld [tilespmem:s6+$0x8190]  }
0x1a7: {  	v12 =	vld [tilespmem:s6+$0xB3A0]  }
0x1a8: {  	v13 =	vld [tilespmem:s6+$0x81A0]  }
0x1a9: {  	v47 =	vld [tilespmem:s6+$0xB3B0]  }
0x1aa: {  	v14 =	vld [tilespmem:s6+$0x81B0]  }
0x1ab: {  	v25 =	vld [tilespmem:s6+$0x8160]  }
0x1ac: {  	v26 =	vld [tilespmem:s6+$0xB370]  }
0x1ad: {  	v27 =	vld [tilespmem:s6+$0x8170]  }
0x1ae: {  	v50 =	vld [tilespmem:s6+$0xB400]  }
0x1af: {  	v51 =	vld [tilespmem:s6+$0x8200]  }
0x1b0: {  	v15 =	vld [tilespmem:s6+$0xB410]  }
0x1b1: {  	v20 =	vld [tilespmem:s6+$0x8210]  }
0x1b2: {  	v21 =	vld [tilespmem:s6+$0xB420]  }
0x1b3: {  	v24 =	vld [tilespmem:s6+$0x8220]  }
0x1b4: {  	v28 =	vld [tilespmem:s6+$0xB430]  }
0x1b5: {  	v29 =	vld [tilespmem:s6+$0x8230]  }
0x1b6: {  	v17 =	vld [tilespmem:s6+$0x81E0]  }
0x1b7: {  	v30 =	vld [tilespmem:s6+$0x81F0]  }
0x1b8: {  	v55 =	vld [tilespmem:s6+$0xB480]  }
0x1b9: {  	v56 =	vld [tilespmem:s6+$0x8280]  }
0x1ba: {  	v31 =	vld [tilespmem:s6+$0xB490]  }
0x1bb: {  	v32 =	vld [tilespmem:s6+$0x8290]  }
0x1bc: {  	v33 =	vld [tilespmem:s6+$0xB4A0]  }
0x1bd: {  	v34 =	vld [tilespmem:s6+$0x82A0]  }
0x1be: {  	v35 =	vld [tilespmem:s6+$0xB4B0]  }
0x1bf: {  	v36 =	vld [tilespmem:s6+$0x82B0]  }
0x1c0: {  	v37 =	vld [tilespmem:s6+$0xB500]  }
0x1c1: {  	v38 =	vld [tilespmem:s6+$0x8300]  }
0x1c2: {  	v39 =	vld [tilespmem:s6+$0xB510]  }
0x1c3: {  	v40 =	vld [tilespmem:s6+$0x8310]  }
0x1c4: {  	v41 =	vld [tilespmem:s6+$0xB520]  }
0x1c5: {  	v42 =	vld [tilespmem:s6+$0x8320]  }
0x1c6: {  	v60 =	vld [tilespmem:s6+$0xB530]  }
0x1c7: {  	v43 =	vld [tilespmem:s6+$0x8330]  }
0x1c8: {  	v44 =	vld [tilespmem:s6+$0x82F0]  }
0x1c9: {  	v45 =	vld [tilespmem:s6+$0xB580]  }
0x1ca: {  	v46 =	vld [tilespmem:s6+$0x8380]  }
0x1cb: {  	v63 =	vld [tilespmem:s6+$0xB5B0]  }
0x1cc: {  	v6 =	vadd.f32 v7, v6;
	v7 =	vld [tilespmem:s6+$0xB3C0]  }
0x1cd: {  	v48 =	vadd.f32 v11, v10;
	v10 =	vld [tilespmem:s6+$0x81C0]  }
0x1ce: {  	v11 =	vld [tilespmem:s6+$0x81D0]  }
0x1cf: {  	v8 =	vadd.f32 v9, v8;
	v9 =	vld [tilespmem:s6+$0xB440]  }
0x1d0: {  	v53 =	vadd.f32 v20, v15;
	v20 =	vld [tilespmem:s6+$0xB3F0]  }
0x1d1: {  	v49 =	vadd.f32 v13, v12;
	v13 =	vld [tilespmem:s6+$0xB450]  }
0x1d2: {  	v15 =	vld [tilespmem:s6+$0x8250]  }
0x1d3: {  	v52 =	vadd.f32 v14, v47;
	v14 =	vld [tilespmem:s6+$0xB460]  }
0x1d4: {  	v57 =	vadd.f32 v29, v28;
	v28 =	vld [tilespmem:s6+$0x8260]  }
0x1d5: {  	v54 =	vadd.f32 v24, v21;
	v24 =	vld [tilespmem:s6+$0x82C0]  }
0x1d6: {  	v58 =	vadd.f32 v32, v31;
	v31 =	vld [tilespmem:s6+$0xB470]  }
0x1d7: {  	v32 =	vld [tilespmem:s6+$0xB4D0]  }
0x1d8: {  	v59 =	vadd.f32 v34, v33;
	v33 =	vld [tilespmem:s6+$0x82D0]  }
0x1d9: {  	v34 =	vld [tilespmem:s6+$0x8270]  }
0x1da: {  	v29 =	vld [tilespmem:s6+$0xB4E0]  }
0x1db: {  	v35 =	vadd.f32 v36, v35;
	v36 =	vld [tilespmem:s6+$0x82E0]  }
0x1dc: {  	v61 =	vadd.f32 v40, v39;
	v39 =	vld [tilespmem:s6+$0xB540]  }
0x1dd: {  	v40 =	vld [tilespmem:s6+$0xB4F0]  }
0x1de: {  	v62 =	vadd.f32 v42, v41;
	v41 =	vld [tilespmem:s6+$0xB550]  }
0x1df: {  	v42 =	vld [tilespmem:s6+$0x8350]  }
0x1e0: {  	v47 =	vld [tilespmem:s6+$0xB590]  }
0x1e1: {  	v12 =	vadd.f32 v51, v50;
	v50 =	vld [tilespmem:s6+$0x83A0]  }
0x1e2: {  	v51 =	vld [tilespmem:s6+$0x83B0]  }
0x1e3: {  	v37 =	vadd.f32 v38, v37;
	v38 =	vadd.f32 v43, v60;
	v43 =	vld [tilespmem:s6+$0x8360]  }
0x1e4: {  	v21 =	vadd.f32 v56, v55;
	v55 =	vld [tilespmem:s6+$0x8400]  }
0x1e5: {  	v56 =	vld [tilespmem:s6+$0xB610]  }
0x1e6: {  	v18 =	vadd.f32 v19, v18;
	v19 =	vld [tilespmem:s6+$0x8430]  }
0x1e7: {  	v16 =	vadd.f32 v25, v16;
	v25 =	vld [tilespmem:s6+$0xB5F0]  }
0x1e8: {  	v22 =	vadd.f32 v23, v22;
	v23 =	vld [tilespmem:s6+$0xB300]  }
0x1e9: {  	[tilespmem:s6+$0x11780] =	vst v8;
	v8 =	vld [tilespmem:s6+$0xB3D0]  }
0x1ea: {  	[tilespmem:s6+$0x11730] =	vst v6;
	v6 =	vld [tilespmem:s6+$0xB3E0]  }
0x1eb: {  	[tilespmem:s6+$0x11800] =	vst v12;
	v12 =	vld [tilespmem:s6+$0x8240]  }
0x1ec: {  	[tilespmem:s6+$0x11880] =	vst v21;
	v21 =	vld [tilespmem:s6+$0xB4C0]  }
0x1ed: {  	[tilespmem:s6+$0x118B0] =	vst v35;
	v35 =	vld [tilespmem:s6+$0x8340]  }
0x1ee: {  	[tilespmem:s6+$0x11900] =	vst v37;
	v37 =	vld [tilespmem:s6+$0xB560]  }
0x1ef: {  	[tilespmem:s6+$0x11790] =	vst v48;
	v48 =	vld [tilespmem:s6+$0x8390]  }
0x1f0: {  	[tilespmem:s6+$0x117A0] =	vst v49;
	v49 =	vld [tilespmem:s6+$0xB5A0]  }
0x1f1: {  	v45 =	vadd.f32 v46, v45;
	[tilespmem:s6+$0x11930] =	vst v38;
	v38 =	vld [tilespmem:s6+$0x83C0]  }
0x1f2: {  	[tilespmem:s6+$0x117B0] =	vst v52;
	v52 =	vld [tilespmem:s6+$0x8370]  }
0x1f3: {  	[tilespmem:s6+$0x11980] =	vst v45;
	v45 =	vld [tilespmem:s6+$0xB5E0]  }
0x1f4: {  	[tilespmem:s6+$0x11810] =	vst v53;
	v53 =	vld [tilespmem:s6+$0x83E0]  }
0x1f5: {  	[tilespmem:s6+$0x11820] =	vst v54;
	v54 =	vld [tilespmem:s6+$0xB600]  }
0x1f6: {  	[tilespmem:s6+$0x11830] =	vst v57;
	v57 =	vld [tilespmem:s6+$0x8410]  }
0x1f7: {  	[tilespmem:s6+$0x11920] =	vst v62;
	v62 =	vld [tilespmem:s6+$0xB620]  }
0x1f8: {  	[tilespmem:s6+$0x11740] =	vst v22;
	v22 =	vld [tilespmem:s6+$0xB640]  }
0x1f9: {  	[tilespmem:s6+$0x11760] =	vst v16;
	v16 =	vld [tilespmem:s6+$0xB650]  }
0x1fa: {  	[tilespmem:s6+$0x11750] =	vst v18;
	v18 =	vld [tilespmem:s6+$0xB660]  }
0x1fb: {  	v46 =	vadd.f32 v51, v63;
	v63 =	vld [tilespmem:s6+$0x8420]  }
0x1fc: {  	v51 =	vld [tilespmem:s6+$0xB6B0]  }
0x1fd: {  	v7 =	vadd.f32 v10, v7;
	v10 =	vld [tilespmem:s6+$0xB6D0]  }
0x1fe: {  	v13 =	vadd.f32 v15, v13;
	v15 =	vld [tilespmem:s6+$0xB730]  }
0x1ff: {  	[tilespmem:s6+$0x11890] =	vst v58;
	v42 =	vadd.f32 v42, v41;
	v41 =	vld [tilespmem:s6+$0x8590]  }
0x200: {  	[tilespmem:s6+$0x118A0] =	vst v59;
	v60 =	vadd.f32 v48, v47;
	v47 =	vld [tilespmem:s6+$0xB5C0]  }
0x201: {  	[tilespmem:s6+$0x11910] =	vst v61;
	v48 =	vld [tilespmem:s6+$0xB570]  }
0x202: {  	v61 =	vadd.f32 v50, v49;
	v49 =	vld [tilespmem:s6+$0xB5D0];
	[tilespmem:s6+$0x119B0] =	vst v46  }
0x203: {  	v50 =	vld [tilespmem:s6+$0x83D0];
	[tilespmem:s6+$0x117C0] =	vst v7  }
0x204: {  	v4 =	vadd.f32 v4, v23;
	v58 =	vadd.f32 v55, v54;
	v54 =	vld [tilespmem:s6+$0xB630];
	[tilespmem:s6+$0x11850] =	vst v13  }
0x205: {  	v55 =	vld [tilespmem:s6+$0xB690];
	[tilespmem:s6+$0x11950] =	vst v42  }
0x206: {  	v59 =	vadd.f32 v57, v56;
	v56 =	vld [tilespmem:s6+$0x8490];
	[tilespmem:s6+$0x11700] =	vst v4  }
0x207: {  	v7 =	vld [tilespmem:s6+$0xB670];
	[tilespmem:s6+$0x11990] =	vst v60  }
0x208: {  	v9 =	vadd.f32 v12, v9;
	v12 =	vld [tilespmem:s6+$0x84D0];
	[tilespmem:s6+$0x119A0] =	vst v61  }
0x209: {  	v6 =	vadd.f32 v17, v6;
	v57 =	vadd.f32 v28, v14;
	v14 =	vld [tilespmem:s6+$0xB6E0];
	[tilespmem:s6+$0x11A00] =	vst v58  }
0x20a: {  	v60 =	vadd.f32 v27, v26;
	v26 =	vld [tilespmem:s6+$0x8440];
	[tilespmem:s6+$0x11A10] =	vst v59  }
0x20b: {  	v27 =	vld [tilespmem:s6+$0x83F0];
	[tilespmem:s6+$0x117E0] =	vst v6  }
0x20c: {  	v5 =	vadd.f32 v5, v16;
	v6 =	vld [tilespmem:s6+$0x8470];
	[tilespmem:s6+$0x11840] =	vst v9  }
0x20d: {  	v59 =	vld [tilespmem:s6+$0xB700];
	[tilespmem:s6+$0x11860] =	vst v57  }
0x20e: {  	v58 =	vadd.f32 v34, v31;
	v34 =	vld [tilespmem:s6+$0xB720];
	[tilespmem:s6+$0x11A50] =	vst v5  }
0x20f: {  	v31 =	vadd.f32 v36, v29;
	v36 =	vadd.f32 v35, v39;
	v39 =	vld [tilespmem:s6+$0x8520];
	[tilespmem:s6+$0x11770] =	vst v60  }
0x210: {  	v35 =	vld [tilespmem:s6+$0xB760];
	[tilespmem:s6+$0x11870] =	vst v58  }
0x211: {  	v61 =	vadd.f32 v63, v62;
	v62 =	vld [tilespmem:s6+$0xB680];
	[tilespmem:s6+$0x118E0] =	vst v31  }
0x212: {  	v63 =	vld [tilespmem:s6+$0x8480];
	[tilespmem:s6+$0x11940] =	vst v36;
	v57 =	vadd.f32 v52, v48  }
0x213: {  	v60 =	vld [tilespmem:s6+$0xB6A0];
	[tilespmem:s6+$0x11A20] =	vst v61;
	v10 =	vadd.f32 v12, v10  }
0x214: {  	v58 =	vld [tilespmem:s6+$0xB6F0];
	[tilespmem:s6+$0x11970] =	vst v57;
	v25 =	vadd.f32 v27, v25  }
0x215: {  	v36 =	vld [tilespmem:s6+$0x8560];
	v22 =	vadd.f32 v26, v22;
	[tilespmem:s6+$0x11AD0] =	vst v10  }
0x216: {  	v61 =	vld [tilespmem:s6+$0x84A0];
	v42 =	vadd.f32 v6, v7;
	[tilespmem:s6+$0x119F0] =	vst v25  }
0x217: {  	v48 =	vld [tilespmem:s6+$0xB7B0];
	v46 =	vadd.f32 v63, v62;
	[tilespmem:s6+$0x11A40] =	vst v22  }
0x218: {  	v52 =	vld [tilespmem:s6+$0xB7C0];
	v62 =	vadd.f32 v11, v8;
	[tilespmem:s6+$0x11A70] =	vst v42  }
0x219: {  	v57 =	vld [tilespmem:s6+$0xB310];
	v63 =	vadd.f32 v19, v54;
	[tilespmem:s6+$0x11A80] =	vst v46  }
0x21a: {  	v8 =	vld [tilespmem:s6+$0x84B0];
	v54 =	vadd.f32 v56, v55;
	[tilespmem:s6+$0x117D0] =	vst v62  }
0x21b: {  	v19 =	vld [tilespmem:s6+$0x8460];
	v55 =	vadd.f32 v30, v20;
	[tilespmem:s6+$0x11A30] =	vst v63  }
0x21c: {  	v11 =	vld [tilespmem:s6+$0x84C0];
	[tilespmem:s6+$0x11A90] =	vst v54;
	v56 =	vadd.f32 v61, v60  }
0x21d: {  	v20 =	vld [tilespmem:s6+$0xB740];
	[tilespmem:s6+$0x117F0] =	vst v55;
	v60 =	vadd.f32 v24, v21  }
0x21e: {  	v61 =	vld [tilespmem:s6+$0x8500];
	v62 =	vadd.f32 v33, v32;
	[tilespmem:s6+$0x11AA0] =	vst v56  }
0x21f: {  	v63 =	vld [tilespmem:s6+$0xB710];
	v33 =	vadd.f32 v44, v40;
	[tilespmem:s6+$0x118C0] =	vst v60  }
0x220: {  	v32 =	vld [tilespmem:s6+$0x8510];
	v3 =	vadd.f32 v3, v52;
	[tilespmem:s6+$0x118D0] =	vst v62  }
0x221: {  	v46 =	vld [tilespmem:s6+$0xB6C0];
	[tilespmem:s6+$0x118F0] =	vst v33;
	v56 =	vadd.f32 v43, v37  }
0x222: {  	v44 =	vld [tilespmem:s6+$0x8530];
	v2 =	vadd.f32 v2, v57;
	[tilespmem:s6+$0x11BC0] =	vst v3  }
0x223: {  	v54 =	vld [tilespmem:s6+$0x84E0];
	v8 =	vadd.f32 v8, v51;
	[tilespmem:s6+$0x11960] =	vst v56  }
0x224: {  	v60 =	vld [tilespmem:s6+$0xB750];
	[tilespmem:s6+$0x11710] =	vst v2;
	v40 =	vadd.f32 v61, v59  }
0x225: {  	v62 =	vld [tilespmem:s6+$0x8550];
	v55 =	vadd.f32 v32, v63;
	[tilespmem:s6+$0x11AB0] =	vst v8  }
0x226: {  	v33 =	vld [tilespmem:s6+$0x84F0];
	v59 =	vadd.f32 v39, v34;
	[tilespmem:s6+$0x11B00] =	vst v40  }
0x227: {  	v37 =	vld [tilespmem:s6+$0xB780];
	v61 =	vadd.f32 v38, v47;
	[tilespmem:s6+$0x11B10] =	vst v55  }
0x228: {  	v43 =	vld [tilespmem:s6+$0xB7A0];
	v63 =	vadd.f32 v50, v49;
	[tilespmem:s6+$0x11B20] =	vst v59  }
0x229: {  	v51 =	vld [tilespmem:s6+$0xB770];
	v34 =	vadd.f32 v53, v45;
	[tilespmem:s6+$0x119C0] =	vst v61  }
0x22a: {  	v56 =	vld [tilespmem:s6+$0x85D0];
	v44 =	vadd.f32 v44, v15;
	[tilespmem:s6+$0x119D0] =	vst v63  }
0x22b: {  	v8 =	vld [tilespmem:s6+$0x8540];
	v11 =	vadd.f32 v11, v46;
	[tilespmem:s6+$0x119E0] =	vst v34  }
0x22c: {  	v38 =	vld [tilespmem:s6+$0x8580];
	v53 =	vadd.f32 v54, v14;
	[tilespmem:s6+$0x11B30] =	vst v44  }
0x22d: {  	v39 =	vld [tilespmem:s6+$0xB790];
	v40 =	vadd.f32 v19, v18;
	[tilespmem:s6+$0x11AC0] =	vst v11  }
0x22e: {  	v45 =	vld [tilespmem:s6+$0x85A0];
	[tilespmem:s6+$0x11AE0] =	vst v53;
	v9 =	vadd.f32 v33, v58  }
0x22f: {  	v49 =	vld [tilespmem:s6+$0x85B0];
	v59 =	vadd.f32 v62, v60;
	[tilespmem:s6+$0x11A60] =	vst v40  }
0x230: {  	v54 =	vld [tilespmem:s6+$0x8570];
	v61 =	vadd.f32 v36, v35;
	[tilespmem:s6+$0x11AF0] =	vst v9  }
0x231: {  	v55 =	vld [tilespmem:s6+$0xB7D0];
	[tilespmem:s6+$0x11B50] =	vst v59;
	v47 =	vadd.f32 v38, v37  }
0x232: {  	v58 =	vld [tilespmem:s6+$0xB7E0];
	[tilespmem:s6+$0x11B60] =	vst v61;
	v50 =	vadd.f32 v41, v39  }
0x233: {  	v60 =	vld [tilespmem:s6+$0x85E0];
	v6 =	vadd.f32 v45, v43;
	[tilespmem:s6+$0x11B80] =	vst v47  }
0x234: {  	v62 =	vld [tilespmem:s6+$0xB7F0];
	v8 =	vadd.f32 v8, v20;
	[tilespmem:s6+$0x11B90] =	vst v50  }
0x235: {  	v63 =	vld [tilespmem:s6+$0xB320];
	v5 =	vadd.f32 v49, v48;
	[tilespmem:s6+$0x11BA0] =	vst v6  }
0x236: {  	v4 =	vadd.f32 v54, v51;
	[tilespmem:s6+$0x11B40] =	vst v8  }
0x237: {  	[tilespmem:s6+$0x11BB0] =	vst v5;
	v3 =	vadd.f32 v56, v55  }
0x238: {  	[tilespmem:s6+$0x11B70] =	vst v4;
	v2 =	vadd.f32 v60, v58  }
0x239: {  	[tilespmem:s6+$0x11BD0] =	vst v3;
	v3 =	vadd.f32 v0, v62  }
0x23a: {  	[tilespmem:s6+$0x11BE0] =	vst v2;
	v0 =	vadd.f32 v1, v63  }
0x23b: {  	s7 =	simm.s32 $0xA;
	[tilespmem:s6+$0x11BF0] =	vst v3  }
.LBB2_9:
0x23c: {  	p2 =	slt.u32 s7, $0x28;
	[tilespmem:s6+$0x11720] =	vst v0;
	s6 =	sshll.u32 s7, $0x7;
	s7 =	sadd.s32 $0xA, s7  }
0x23d: {  	v2 =	vld [tilespmem:s6+$0x8110]  }
0x23e: {  	v0 =	vld [tilespmem:s6+$0x85F0]  }
0x23f: {  	v4 =	vld [tilespmem:s6+$0x8100]  }
0x240: {  	v3 =	vld [tilespmem:s6+$0x85C0]  }
0x241: {  	v5 =	vld [tilespmem:s6+$0x8450]  }
0x242: {  	v1 =	vld [tilespmem:s6+$0x8120]  }
0x243: {  	v6 =	vld [tilespmem:s6+$0xB330]  }
0x244: {  	v7 =	vld [tilespmem:s6+$0x8130]  }
0x245: {  	v8 =	vld [tilespmem:s6+$0xB340]  }
0x246: {  	v9 =	vld [tilespmem:s6+$0x8140]  }
0x247: {  	v10 =	vld [tilespmem:s6+$0xB350]  }
0x248: {  	v11 =	vld [tilespmem:s6+$0x8150]  }
0x249: {  	v6 =	vadd.f32 v7, v6;
	v7 =	vld [tilespmem:s6+$0xB360]  }
0x24a: {  	v12 =	vld [tilespmem:s6+$0x8160]  }
0x24b: {  	[tilespmem:s6+$0x11730] =	vst v6;
	v6 =	vadd.f32 v9, v8;
	v8 =	vld [tilespmem:s6+$0xB370]  }
0x24c: {  	v9 =	vld [tilespmem:s6+$0x8170]  }
0x24d: {  	[tilespmem:s6+$0x11740] =	vst v6;
	v6 =	vadd.f32 v11, v10;
	v10 =	vld [tilespmem:s6+$0xB380]  }
0x24e: {  	v11 =	vld [tilespmem:s6+$0x8180]  }
0x24f: {  	[tilespmem:s6+$0x11750] =	vst v6;
	v6 =	vadd.f32 v12, v7;
	v7 =	vld [tilespmem:s6+$0xB390]  }
0x250: {  	v12 =	vld [tilespmem:s6+$0x8190]  }
0x251: {  	[tilespmem:s6+$0x11760] =	vst v6;
	v6 =	vadd.f32 v9, v8;
	v8 =	vld [tilespmem:s6+$0xB3A0]  }
0x252: {  	v9 =	vld [tilespmem:s6+$0x81A0]  }
0x253: {  	[tilespmem:s6+$0x11770] =	vst v6;
	v6 =	vadd.f32 v11, v10;
	v10 =	vld [tilespmem:s6+$0xB3B0]  }
0x254: {  	v11 =	vld [tilespmem:s6+$0x81B0]  }
0x255: {  	[tilespmem:s6+$0x11780] =	vst v6;
	v6 =	vadd.f32 v12, v7;
	v7 =	vld [tilespmem:s6+$0xB3C0]  }
0x256: {  	v12 =	vld [tilespmem:s6+$0x81C0]  }
0x257: {  	[tilespmem:s6+$0x11790] =	vst v6;
	v6 =	vadd.f32 v9, v8;
	v8 =	vld [tilespmem:s6+$0xB3D0]  }
0x258: {  	v9 =	vld [tilespmem:s6+$0x81D0]  }
0x259: {  	[tilespmem:s6+$0x117A0] =	vst v6;
	v6 =	vadd.f32 v11, v10;
	v10 =	vld [tilespmem:s6+$0xB3E0]  }
0x25a: {  	v11 =	vld [tilespmem:s6+$0x81E0]  }
0x25b: {  	[tilespmem:s6+$0x117B0] =	vst v6;
	v6 =	vadd.f32 v12, v7;
	v7 =	vld [tilespmem:s6+$0xB3F0]  }
0x25c: {  	v12 =	vld [tilespmem:s6+$0x81F0]  }
0x25d: {  	[tilespmem:s6+$0x117C0] =	vst v6;
	v6 =	vadd.f32 v9, v8;
	v8 =	vld [tilespmem:s6+$0xB400]  }
0x25e: {  	v9 =	vld [tilespmem:s6+$0x8200]  }
0x25f: {  	[tilespmem:s6+$0x117D0] =	vst v6;
	v6 =	vadd.f32 v11, v10;
	v10 =	vld [tilespmem:s6+$0xB410]  }
0x260: {  	v11 =	vld [tilespmem:s6+$0x8210]  }
0x261: {  	[tilespmem:s6+$0x117E0] =	vst v6;
	v6 =	vadd.f32 v12, v7;
	v7 =	vld [tilespmem:s6+$0xB420]  }
0x262: {  	v12 =	vld [tilespmem:s6+$0x8220]  }
0x263: {  	[tilespmem:s6+$0x117F0] =	vst v6;
	v6 =	vadd.f32 v9, v8;
	v8 =	vld [tilespmem:s6+$0xB430]  }
0x264: {  	v9 =	vld [tilespmem:s6+$0x8230]  }
0x265: {  	[tilespmem:s6+$0x11800] =	vst v6;
	v6 =	vadd.f32 v11, v10;
	v10 =	vld [tilespmem:s6+$0xB440]  }
0x266: {  	v11 =	vld [tilespmem:s6+$0x8240]  }
0x267: {  	[tilespmem:s6+$0x11810] =	vst v6;
	v6 =	vadd.f32 v12, v7;
	v7 =	vld [tilespmem:s6+$0xB450]  }
0x268: {  	v12 =	vld [tilespmem:s6+$0x8250]  }
0x269: {  	[tilespmem:s6+$0x11820] =	vst v6;
	v6 =	vadd.f32 v9, v8;
	v8 =	vld [tilespmem:s6+$0xB460]  }
0x26a: {  	v9 =	vld [tilespmem:s6+$0x8260]  }
0x26b: {  	[tilespmem:s6+$0x11830] =	vst v6;
	v6 =	vadd.f32 v11, v10;
	v10 =	vld [tilespmem:s6+$0xB470]  }
0x26c: {  	v11 =	vld [tilespmem:s6+$0x8270]  }
0x26d: {  	[tilespmem:s6+$0x11840] =	vst v6;
	v6 =	vadd.f32 v12, v7;
	v7 =	vld [tilespmem:s6+$0xB480]  }
0x26e: {  	v12 =	vld [tilespmem:s6+$0x8280]  }
0x26f: {  	[tilespmem:s6+$0x11850] =	vst v6;
	v6 =	vadd.f32 v9, v8;
	v8 =	vld [tilespmem:s6+$0xB490]  }
0x270: {  	v9 =	vld [tilespmem:s6+$0x8290]  }
0x271: {  	[tilespmem:s6+$0x11860] =	vst v6;
	v6 =	vadd.f32 v11, v10;
	v10 =	vld [tilespmem:s6+$0xB4A0]  }
0x272: {  	v11 =	vld [tilespmem:s6+$0x82A0]  }
0x273: {  	[tilespmem:s6+$0x11870] =	vst v6;
	v6 =	vadd.f32 v12, v7;
	v7 =	vld [tilespmem:s6+$0xB4B0]  }
0x274: {  	v12 =	vld [tilespmem:s6+$0x82B0]  }
0x275: {  	[tilespmem:s6+$0x11880] =	vst v6;
	v6 =	vadd.f32 v9, v8;
	v8 =	vld [tilespmem:s6+$0xB4C0]  }
0x276: {  	v9 =	vld [tilespmem:s6+$0x82C0]  }
0x277: {  	[tilespmem:s6+$0x11890] =	vst v6;
	v6 =	vadd.f32 v11, v10;
	v10 =	vld [tilespmem:s6+$0xB4D0]  }
0x278: {  	v11 =	vld [tilespmem:s6+$0x82D0]  }
0x279: {  	[tilespmem:s6+$0x118A0] =	vst v6;
	v6 =	vadd.f32 v12, v7;
	v7 =	vld [tilespmem:s6+$0xB4E0]  }
0x27a: {  	v12 =	vld [tilespmem:s6+$0x82E0]  }
0x27b: {  	[tilespmem:s6+$0x118B0] =	vst v6;
	v6 =	vadd.f32 v9, v8;
	v8 =	vld [tilespmem:s6+$0xB4F0]  }
0x27c: {  	v9 =	vld [tilespmem:s6+$0x82F0]  }
0x27d: {  	[tilespmem:s6+$0x118C0] =	vst v6;
	v6 =	vadd.f32 v11, v10;
	v10 =	vld [tilespmem:s6+$0xB500]  }
0x27e: {  	v11 =	vld [tilespmem:s6+$0x8300]  }
0x27f: {  	[tilespmem:s6+$0x118D0] =	vst v6;
	v6 =	vadd.f32 v12, v7;
	v7 =	vld [tilespmem:s6+$0xB510]  }
0x280: {  	v12 =	vld [tilespmem:s6+$0x8310]  }
0x281: {  	[tilespmem:s6+$0x118E0] =	vst v6;
	v6 =	vadd.f32 v9, v8;
	v8 =	vld [tilespmem:s6+$0xB520]  }
0x282: {  	v9 =	vld [tilespmem:s6+$0x8320]  }
0x283: {  	[tilespmem:s6+$0x118F0] =	vst v6;
	v6 =	vadd.f32 v11, v10;
	v10 =	vld [tilespmem:s6+$0xB530]  }
0x284: {  	v11 =	vld [tilespmem:s6+$0x8330]  }
0x285: {  	[tilespmem:s6+$0x11900] =	vst v6;
	v6 =	vadd.f32 v12, v7;
	v7 =	vld [tilespmem:s6+$0xB540]  }
0x286: {  	v12 =	vld [tilespmem:s6+$0x8340]  }
0x287: {  	[tilespmem:s6+$0x11910] =	vst v6;
	v6 =	vadd.f32 v9, v8;
	v8 =	vld [tilespmem:s6+$0xB550]  }
0x288: {  	v9 =	vld [tilespmem:s6+$0x8350]  }
0x289: {  	[tilespmem:s6+$0x11920] =	vst v6;
	v6 =	vadd.f32 v11, v10;
	v10 =	vld [tilespmem:s6+$0xB560]  }
0x28a: {  	v11 =	vld [tilespmem:s6+$0x8360]  }
0x28b: {  	[tilespmem:s6+$0x11930] =	vst v6;
	v6 =	vadd.f32 v12, v7;
	v7 =	vld [tilespmem:s6+$0xB570]  }
0x28c: {  	v12 =	vld [tilespmem:s6+$0x8370]  }
0x28d: {  	[tilespmem:s6+$0x11940] =	vst v6;
	v6 =	vadd.f32 v9, v8;
	v8 =	vld [tilespmem:s6+$0xB580]  }
0x28e: {  	v9 =	vld [tilespmem:s6+$0x8380]  }
0x28f: {  	[tilespmem:s6+$0x11950] =	vst v6;
	v6 =	vadd.f32 v11, v10;
	v10 =	vld [tilespmem:s6+$0xB590]  }
0x290: {  	v11 =	vld [tilespmem:s6+$0x8390]  }
0x291: {  	[tilespmem:s6+$0x11960] =	vst v6;
	v6 =	vadd.f32 v12, v7;
	v7 =	vld [tilespmem:s6+$0xB5A0]  }
0x292: {  	v12 =	vld [tilespmem:s6+$0x83A0]  }
0x293: {  	[tilespmem:s6+$0x11970] =	vst v6;
	v6 =	vadd.f32 v9, v8;
	v8 =	vld [tilespmem:s6+$0xB5B0]  }
0x294: {  	v9 =	vld [tilespmem:s6+$0x83B0]  }
0x295: {  	[tilespmem:s6+$0x11980] =	vst v6;
	v6 =	vadd.f32 v11, v10;
	v10 =	vld [tilespmem:s6+$0xB5C0]  }
0x296: {  	v11 =	vld [tilespmem:s6+$0x83C0]  }
0x297: {  	[tilespmem:s6+$0x11990] =	vst v6;
	v6 =	vadd.f32 v12, v7;
	v7 =	vld [tilespmem:s6+$0xB5D0]  }
0x298: {  	v12 =	vld [tilespmem:s6+$0x83D0]  }
0x299: {  	[tilespmem:s6+$0x119A0] =	vst v6;
	v6 =	vadd.f32 v9, v8;
	v8 =	vld [tilespmem:s6+$0xB5E0]  }
0x29a: {  	v9 =	vld [tilespmem:s6+$0x83E0]  }
0x29b: {  	[tilespmem:s6+$0x119B0] =	vst v6;
	v6 =	vadd.f32 v11, v10;
	v10 =	vld [tilespmem:s6+$0xB5F0]  }
0x29c: {  	v11 =	vld [tilespmem:s6+$0x83F0]  }
0x29d: {  	[tilespmem:s6+$0x119C0] =	vst v6;
	v6 =	vadd.f32 v12, v7;
	v7 =	vld [tilespmem:s6+$0xB600]  }
0x29e: {  	v12 =	vld [tilespmem:s6+$0x8400]  }
0x29f: {  	[tilespmem:s6+$0x119D0] =	vst v6;
	v6 =	vadd.f32 v9, v8;
	v8 =	vld [tilespmem:s6+$0xB610]  }
0x2a0: {  	v9 =	vld [tilespmem:s6+$0x8410]  }
0x2a1: {  	[tilespmem:s6+$0x119E0] =	vst v6;
	v6 =	vadd.f32 v11, v10;
	v10 =	vld [tilespmem:s6+$0xB620]  }
0x2a2: {  	v11 =	vld [tilespmem:s6+$0x8420]  }
0x2a3: {  	[tilespmem:s6+$0x119F0] =	vst v6;
	v6 =	vadd.f32 v12, v7;
	v7 =	vld [tilespmem:s6+$0xB630]  }
0x2a4: {  	v12 =	vld [tilespmem:s6+$0x8430]  }
0x2a5: {  	[tilespmem:s6+$0x11A00] =	vst v6;
	v6 =	vadd.f32 v9, v8;
	v8 =	vld [tilespmem:s6+$0xB640]  }
0x2a6: {  	v9 =	vld [tilespmem:s6+$0x8440]  }
0x2a7: {  	[tilespmem:s6+$0x11A10] =	vst v6;
	v6 =	vadd.f32 v11, v10;
	v10 =	vld [tilespmem:s6+$0xB650]  }
0x2a8: {  	v11 =	vld [tilespmem:s6+$0xB300]  }
0x2a9: {  	[tilespmem:s6+$0x11A20] =	vst v6;
	v6 =	vadd.f32 v12, v7;
	v7 =	vld [tilespmem:s6+$0xB660]  }
0x2aa: {  	v12 =	vld [tilespmem:s6+$0x8460]  }
0x2ab: {  	[tilespmem:s6+$0x11A30] =	vst v6;
	v6 =	vadd.f32 v9, v8;
	v8 =	vld [tilespmem:s6+$0xB670]  }
0x2ac: {  	v5 =	vadd.f32 v5, v10;
	v9 =	vld [tilespmem:s6+$0x8470]  }
0x2ad: {  	v4 =	vadd.f32 v4, v11;
	[tilespmem:s6+$0x11A40] =	vst v6;
	v6 =	vld [tilespmem:s6+$0xB680]  }
0x2ae: {  	[tilespmem:s6+$0x11A50] =	vst v5;
	v5 =	vld [tilespmem:s6+$0x8480]  }
0x2af: {  	[tilespmem:s6+$0x11700] =	vst v4;
	v4 =	vadd.f32 v12, v7;
	v7 =	vld [tilespmem:s6+$0xB690]  }
0x2b0: {  	v10 =	vld [tilespmem:s6+$0x8490]  }
0x2b1: {  	[tilespmem:s6+$0x11A60] =	vst v4;
	v4 =	vadd.f32 v9, v8;
	v8 =	vld [tilespmem:s6+$0xB6A0]  }
0x2b2: {  	v9 =	vld [tilespmem:s6+$0x84A0]  }
0x2b3: {  	[tilespmem:s6+$0x11A70] =	vst v4;
	v4 =	vadd.f32 v5, v6;
	v5 =	vld [tilespmem:s6+$0xB6B0]  }
0x2b4: {  	v6 =	vld [tilespmem:s6+$0x84B0]  }
0x2b5: {  	[tilespmem:s6+$0x11A80] =	vst v4;
	v4 =	vadd.f32 v10, v7;
	v7 =	vld [tilespmem:s6+$0xB6C0]  }
0x2b6: {  	v10 =	vld [tilespmem:s6+$0x84C0]  }
0x2b7: {  	[tilespmem:s6+$0x11A90] =	vst v4;
	v4 =	vadd.f32 v9, v8;
	v8 =	vld [tilespmem:s6+$0xB6D0]  }
0x2b8: {  	v9 =	vld [tilespmem:s6+$0x84D0]  }
0x2b9: {  	[tilespmem:s6+$0x11AA0] =	vst v4;
	v4 =	vadd.f32 v6, v5;
	v5 =	vld [tilespmem:s6+$0xB6E0]  }
0x2ba: {  	v6 =	vld [tilespmem:s6+$0x84E0]  }
0x2bb: {  	[tilespmem:s6+$0x11AB0] =	vst v4;
	v4 =	vadd.f32 v10, v7;
	v7 =	vld [tilespmem:s6+$0xB6F0]  }
0x2bc: {  	v10 =	vld [tilespmem:s6+$0x84F0]  }
0x2bd: {  	[tilespmem:s6+$0x11AC0] =	vst v4;
	v4 =	vadd.f32 v9, v8;
	v8 =	vld [tilespmem:s6+$0xB700]  }
0x2be: {  	v9 =	vld [tilespmem:s6+$0x8500]  }
0x2bf: {  	[tilespmem:s6+$0x11AD0] =	vst v4;
	v4 =	vadd.f32 v6, v5;
	v5 =	vld [tilespmem:s6+$0xB710]  }
0x2c0: {  	v6 =	vld [tilespmem:s6+$0x8510]  }
0x2c1: {  	[tilespmem:s6+$0x11AE0] =	vst v4;
	v4 =	vadd.f32 v10, v7;
	v7 =	vld [tilespmem:s6+$0xB720]  }
0x2c2: {  	v10 =	vld [tilespmem:s6+$0x8520]  }
0x2c3: {  	[tilespmem:s6+$0x11AF0] =	vst v4;
	v4 =	vadd.f32 v9, v8;
	v8 =	vld [tilespmem:s6+$0xB730]  }
0x2c4: {  	v9 =	vld [tilespmem:s6+$0x8530]  }
0x2c5: {  	[tilespmem:s6+$0x11B00] =	vst v4;
	v4 =	vadd.f32 v6, v5;
	v5 =	vld [tilespmem:s6+$0xB740]  }
0x2c6: {  	v6 =	vld [tilespmem:s6+$0x8540]  }
0x2c7: {  	[tilespmem:s6+$0x11B10] =	vst v4;
	v4 =	vadd.f32 v10, v7;
	v7 =	vld [tilespmem:s6+$0xB750]  }
0x2c8: {  	v10 =	vld [tilespmem:s6+$0x8550]  }
0x2c9: {  	[tilespmem:s6+$0x11B20] =	vst v4;
	v4 =	vadd.f32 v9, v8;
	v8 =	vld [tilespmem:s6+$0xB760]  }
0x2ca: {  	v9 =	vld [tilespmem:s6+$0x8560]  }
0x2cb: {  	[tilespmem:s6+$0x11B30] =	vst v4;
	v4 =	vadd.f32 v6, v5;
	v5 =	vld [tilespmem:s6+$0xB770]  }
0x2cc: {  	v6 =	vld [tilespmem:s6+$0x8570]  }
0x2cd: {  	[tilespmem:s6+$0x11B40] =	vst v4;
	v4 =	vadd.f32 v10, v7;
	v7 =	vld [tilespmem:s6+$0xB780]  }
0x2ce: {  	v10 =	vld [tilespmem:s6+$0x8580]  }
0x2cf: {  	[tilespmem:s6+$0x11B50] =	vst v4;
	v4 =	vadd.f32 v9, v8;
	v8 =	vld [tilespmem:s6+$0xB790]  }
0x2d0: {  	v9 =	vld [tilespmem:s6+$0x8590]  }
0x2d1: {  	[tilespmem:s6+$0x11B60] =	vst v4;
	v4 =	vadd.f32 v6, v5;
	v5 =	vld [tilespmem:s6+$0xB7A0]  }
0x2d2: {  	v6 =	vld [tilespmem:s6+$0x85A0]  }
0x2d3: {  	[tilespmem:s6+$0x11B70] =	vst v4;
	v4 =	vadd.f32 v10, v7;
	v7 =	vld [tilespmem:s6+$0xB7B0]  }
0x2d4: {  	v10 =	vld [tilespmem:s6+$0x85B0]  }
0x2d5: {  	[tilespmem:s6+$0x11B80] =	vst v4;
	v4 =	vadd.f32 v9, v8;
	v8 =	vld [tilespmem:s6+$0xB7C0]  }
0x2d6: {  	v9 =	vld [tilespmem:s6+$0xB310]  }
0x2d7: {  	[tilespmem:s6+$0x11B90] =	vst v4;
	v4 =	vadd.f32 v6, v5;
	v5 =	vld [tilespmem:s6+$0xB7D0]  }
0x2d8: {  	v6 =	vld [tilespmem:s6+$0x85D0]  }
0x2d9: {  	[tilespmem:s6+$0x11BA0] =	vst v4;
	v4 =	vadd.f32 v10, v7;
	v7 =	vld [tilespmem:s6+$0xB7E0]  }
0x2da: {  	v3 =	vadd.f32 v3, v8;
	v8 =	vld [tilespmem:s6+$0x85E0]  }
0x2db: {  	v2 =	vadd.f32 v2, v9;
	[tilespmem:s6+$0x11BB0] =	vst v4;
	v4 =	vld [tilespmem:s6+$0xB7F0]  }
0x2dc: {  	v9 =	vld [tilespmem:s6+$0xB320];
	[tilespmem:s6+$0x11BC0] =	vst v3  }
0x2dd: {  	[tilespmem:s6+$0x11710] =	vst v2;
	v2 =	vadd.f32 v6, v5  }
.Ltmp6:
0x2de: {  	(pc) =	sbr.rel @p2 .LBB2_9-.Ltmp6, $4  }
0x2df: {  	[tilespmem:s6+$0x11BD0] =	vst v2;
	v2 =	vadd.f32 v8, v7  }
0x2e0: {  	v3 =	vadd.f32 v0, v4  }
0x2e1: {  	v0 =	vadd.f32 v1, v9;
	[tilespmem:s6+$0x11BE0] =	vst v2  }
0x2e2: {  	[tilespmem:s6+$0x11BF0] =	vst v3  }
.Ltmp7:
0x2e3: {  	s7 =	sadd.s32 s20, s8;
	(pc) =	sbr.rel @p1 .LBB2_12-.Ltmp7, $4  }
0x2e4: {  	s7 =	sshll.u32 s7, $0x3  }
0x2e5: {  	s7 =	sand.u32 $0x1FFFFFA0, s7  }
0x2e6: {  	[tilespmem:s6+$0x11720] =	vst v0;
	s16 =	sadd.s32 s2, s7  }
0x2e7: {  	[hbm4b:s16+s3] =	stream.linear.scatter [tilespmem:s26], [sflag:$0x6], $0x1900, $0x38;
	[tilespmem:$0x16200] =	vst v63  }
.Ltmp8:
0x2e8: {  	(pc) =	sbr.rel .LBB2_13-.Ltmp8, $4  }
0x2e9: {  	_ = 	snop  }
0x2ea: {  	_ =	swait.ge [sflag:s28], $0x1900  }
0x2eb: {  	[sflag:s28] =	ssyncset.done $0x0  }
0x2ec: {  	[sflag:s28] =	ssyncadd.s32 $0xFFFFE700  }
.LBB2_12:
0x2ed: {  	s6 =	smul.u32 $0x680, s18;
	_ =	sdelay $0x1  }
0x2ee: {  	s6 =	sshra.s32 s6, $0x2  }
.Ltmp9:
0x2ef: {  	s6 =	sadd.s32 $0x208, s6;
	(pc) =	sbr.rel @p0 .LBB2_14-.Ltmp9, $4  }
0x2f0: {  	[tilespmem:s17], [sflag:$0x2] =	stream.indirect.gather [hbm4b:s4+s14], $0x40, s6, s14, $0xb8;
	[tilespmem:$0x16200] =	vst v63  }
0x2f1: {  	_ =	swait.ge [sflag:s28], $0x1900  }
0x2f2: {  	[sflag:s28] =	ssyncset.done $0x0  }
0x2f3: {  	[sflag:s28] =	ssyncadd.s32 $0xFFFFE700  }
.LBB2_13:
0x2f4: {  	_ =	swait.ge [sflag:s29], $0x1900  }
0x2f5: {  	[sflag:s29] =	ssyncset.done $0x0  }
0x2f6: {  	[sflag:s29] =	ssyncadd.s32 $0xFFFFE700  }
.LBB2_14:
0x2f7: {  	s6 =	simm.s32 $0x0  }
0x2f8: {  	v2 =	vld [tilespmem:s6+$0x6810]  }
0x2f9: {  	v0 =	vld [tilespmem:s6+$0x6CF0]  }
0x2fa: {  	v4 =	vld [tilespmem:s6+$0x6800]  }
0x2fb: {  	v3 =	vld [tilespmem:s6+$0x6CC0]  }
0x2fc: {  	v5 =	vld [tilespmem:s6+$0x6B50]  }
0x2fd: {  	v1 =	vld [tilespmem:s6+$0x6820]  }
0x2fe: {  	v6 =	vld [tilespmem:s6+$0xCC30]  }
0x2ff: {  	v7 =	vld [tilespmem:s6+$0x6830]  }
0x300: {  	v22 =	vld [tilespmem:s6+$0xCC40]  }
0x301: {  	v23 =	vld [tilespmem:s6+$0x6840]  }
0x302: {  	v18 =	vld [tilespmem:s6+$0xCC50]  }
0x303: {  	v19 =	vld [tilespmem:s6+$0x6850]  }
0x304: {  	v16 =	vld [tilespmem:s6+$0xCC60]  }
0x305: {  	v8 =	vld [tilespmem:s6+$0xCC80]  }
0x306: {  	v9 =	vld [tilespmem:s6+$0x6880]  }
0x307: {  	v10 =	vld [tilespmem:s6+$0xCC90]  }
0x308: {  	v11 =	vld [tilespmem:s6+$0x6890]  }
0x309: {  	v12 =	vld [tilespmem:s6+$0xCCA0]  }
0x30a: {  	v13 =	vld [tilespmem:s6+$0x68A0]  }
0x30b: {  	v47 =	vld [tilespmem:s6+$0xCCB0]  }
0x30c: {  	v14 =	vld [tilespmem:s6+$0x68B0]  }
0x30d: {  	v25 =	vld [tilespmem:s6+$0x6860]  }
0x30e: {  	v26 =	vld [tilespmem:s6+$0xCC70]  }
0x30f: {  	v27 =	vld [tilespmem:s6+$0x6870]  }
0x310: {  	v50 =	vld [tilespmem:s6+$0xCD00]  }
0x311: {  	v51 =	vld [tilespmem:s6+$0x6900]  }
0x312: {  	v15 =	vld [tilespmem:s6+$0xCD10]  }
0x313: {  	v20 =	vld [tilespmem:s6+$0x6910]  }
0x314: {  	v21 =	vld [tilespmem:s6+$0xCD20]  }
0x315: {  	v24 =	vld [tilespmem:s6+$0x6920]  }
0x316: {  	v28 =	vld [tilespmem:s6+$0xCD30]  }
0x317: {  	v29 =	vld [tilespmem:s6+$0x6930]  }
0x318: {  	v17 =	vld [tilespmem:s6+$0x68E0]  }
0x319: {  	v30 =	vld [tilespmem:s6+$0x68F0]  }
0x31a: {  	v55 =	vld [tilespmem:s6+$0xCD80]  }
0x31b: {  	v56 =	vld [tilespmem:s6+$0x6980]  }
0x31c: {  	v31 =	vld [tilespmem:s6+$0xCD90]  }
0x31d: {  	v32 =	vld [tilespmem:s6+$0x6990]  }
0x31e: {  	v33 =	vld [tilespmem:s6+$0xCDA0]  }
0x31f: {  	v34 =	vld [tilespmem:s6+$0x69A0]  }
0x320: {  	v35 =	vld [tilespmem:s6+$0xCDB0]  }
0x321: {  	v36 =	vld [tilespmem:s6+$0x69B0]  }
0x322: {  	v37 =	vld [tilespmem:s6+$0xCE00]  }
0x323: {  	v38 =	vld [tilespmem:s6+$0x6A00]  }
0x324: {  	v39 =	vld [tilespmem:s6+$0xCE10]  }
0x325: {  	v40 =	vld [tilespmem:s6+$0x6A10]  }
0x326: {  	v41 =	vld [tilespmem:s6+$0xCE20]  }
0x327: {  	v42 =	vld [tilespmem:s6+$0x6A20]  }
0x328: {  	v60 =	vld [tilespmem:s6+$0xCE30]  }
0x329: {  	v43 =	vld [tilespmem:s6+$0x6A30]  }
0x32a: {  	v44 =	vld [tilespmem:s6+$0x69F0]  }
0x32b: {  	v45 =	vld [tilespmem:s6+$0xCE80]  }
0x32c: {  	v46 =	vld [tilespmem:s6+$0x6A80]  }
0x32d: {  	v63 =	vld [tilespmem:s6+$0xCEB0]  }
0x32e: {  	v6 =	vadd.f32 v7, v6;
	v7 =	vld [tilespmem:s6+$0xCCC0]  }
0x32f: {  	v48 =	vadd.f32 v11, v10;
	v10 =	vld [tilespmem:s6+$0x68C0]  }
0x330: {  	v11 =	vld [tilespmem:s6+$0x68D0]  }
0x331: {  	v8 =	vadd.f32 v9, v8;
	v9 =	vld [tilespmem:s6+$0xCD40]  }
0x332: {  	v53 =	vadd.f32 v20, v15;
	v20 =	vld [tilespmem:s6+$0xCCF0]  }
0x333: {  	v49 =	vadd.f32 v13, v12;
	v13 =	vld [tilespmem:s6+$0xCD50]  }
0x334: {  	v15 =	vld [tilespmem:s6+$0x6950]  }
0x335: {  	v52 =	vadd.f32 v14, v47;
	v14 =	vld [tilespmem:s6+$0xCD60]  }
0x336: {  	v57 =	vadd.f32 v29, v28;
	v28 =	vld [tilespmem:s6+$0x6960]  }
0x337: {  	v54 =	vadd.f32 v24, v21;
	v24 =	vld [tilespmem:s6+$0x69C0]  }
0x338: {  	v58 =	vadd.f32 v32, v31;
	v31 =	vld [tilespmem:s6+$0xCD70]  }
0x339: {  	v32 =	vld [tilespmem:s6+$0xCDD0]  }
0x33a: {  	v59 =	vadd.f32 v34, v33;
	v33 =	vld [tilespmem:s6+$0x69D0]  }
0x33b: {  	v34 =	vld [tilespmem:s6+$0x6970]  }
0x33c: {  	v29 =	vld [tilespmem:s6+$0xCDE0]  }
0x33d: {  	v35 =	vadd.f32 v36, v35;
	v36 =	vld [tilespmem:s6+$0x69E0]  }
0x33e: {  	v61 =	vadd.f32 v40, v39;
	v39 =	vld [tilespmem:s6+$0xCE40]  }
0x33f: {  	v40 =	vld [tilespmem:s6+$0xCDF0]  }
0x340: {  	v62 =	vadd.f32 v42, v41;
	v41 =	vld [tilespmem:s6+$0xCE50]  }
0x341: {  	v42 =	vld [tilespmem:s6+$0x6A50]  }
0x342: {  	v47 =	vld [tilespmem:s6+$0xCE90]  }
0x343: {  	v12 =	vadd.f32 v51, v50;
	v50 =	vld [tilespmem:s6+$0x6AA0]  }
0x344: {  	v51 =	vld [tilespmem:s6+$0x6AB0]  }
0x345: {  	v37 =	vadd.f32 v38, v37;
	v38 =	vadd.f32 v43, v60;
	v43 =	vld [tilespmem:s6+$0x6A60]  }
0x346: {  	v21 =	vadd.f32 v56, v55;
	v55 =	vld [tilespmem:s6+$0x6B00]  }
0x347: {  	v56 =	vld [tilespmem:s6+$0xCF10]  }
0x348: {  	v18 =	vadd.f32 v19, v18;
	v19 =	vld [tilespmem:s6+$0x6B30]  }
0x349: {  	v16 =	vadd.f32 v25, v16;
	v25 =	vld [tilespmem:s6+$0xCEF0]  }
0x34a: {  	v22 =	vadd.f32 v23, v22;
	v23 =	vld [tilespmem:s6+$0xCC00]  }
0x34b: {  	[tilespmem:s6+$0x13080] =	vst v8;
	v8 =	vld [tilespmem:s6+$0xCCD0]  }
0x34c: {  	[tilespmem:s6+$0x13030] =	vst v6;
	v6 =	vld [tilespmem:s6+$0xCCE0]  }
0x34d: {  	[tilespmem:s6+$0x13100] =	vst v12;
	v12 =	vld [tilespmem:s6+$0x6940]  }
0x34e: {  	[tilespmem:s6+$0x13180] =	vst v21;
	v21 =	vld [tilespmem:s6+$0xCDC0]  }
0x34f: {  	[tilespmem:s6+$0x131B0] =	vst v35;
	v35 =	vld [tilespmem:s6+$0x6A40]  }
0x350: {  	[tilespmem:s6+$0x13200] =	vst v37;
	v37 =	vld [tilespmem:s6+$0xCE60]  }
0x351: {  	[tilespmem:s6+$0x13090] =	vst v48;
	v48 =	vld [tilespmem:s6+$0x6A90]  }
0x352: {  	[tilespmem:s6+$0x130A0] =	vst v49;
	v49 =	vld [tilespmem:s6+$0xCEA0]  }
0x353: {  	v45 =	vadd.f32 v46, v45;
	[tilespmem:s6+$0x13230] =	vst v38;
	v38 =	vld [tilespmem:s6+$0x6AC0]  }
0x354: {  	[tilespmem:s6+$0x130B0] =	vst v52;
	v52 =	vld [tilespmem:s6+$0x6A70]  }
0x355: {  	[tilespmem:s6+$0x13280] =	vst v45;
	v45 =	vld [tilespmem:s6+$0xCEE0]  }
0x356: {  	[tilespmem:s6+$0x13110] =	vst v53;
	v53 =	vld [tilespmem:s6+$0x6AE0]  }
0x357: {  	[tilespmem:s6+$0x13120] =	vst v54;
	v54 =	vld [tilespmem:s6+$0xCF00]  }
0x358: {  	[tilespmem:s6+$0x13130] =	vst v57;
	v57 =	vld [tilespmem:s6+$0x6B10]  }
0x359: {  	[tilespmem:s6+$0x13220] =	vst v62;
	v62 =	vld [tilespmem:s6+$0xCF20]  }
0x35a: {  	[tilespmem:s6+$0x13040] =	vst v22;
	v22 =	vld [tilespmem:s6+$0xCF40]  }
0x35b: {  	[tilespmem:s6+$0x13060] =	vst v16;
	v16 =	vld [tilespmem:s6+$0xCF50]  }
0x35c: {  	[tilespmem:s6+$0x13050] =	vst v18;
	v18 =	vld [tilespmem:s6+$0xCF60]  }
0x35d: {  	v46 =	vadd.f32 v51, v63;
	v63 =	vld [tilespmem:s6+$0x6B20]  }
0x35e: {  	v51 =	vld [tilespmem:s6+$0xCFB0]  }
0x35f: {  	v7 =	vadd.f32 v10, v7;
	v10 =	vld [tilespmem:s6+$0xCFD0]  }
0x360: {  	v13 =	vadd.f32 v15, v13;
	v15 =	vld [tilespmem:s6+$0xD030]  }
0x361: {  	[tilespmem:s6+$0x13190] =	vst v58;
	v42 =	vadd.f32 v42, v41;
	v41 =	vld [tilespmem:s6+$0x6C90]  }
0x362: {  	[tilespmem:s6+$0x131A0] =	vst v59;
	v60 =	vadd.f32 v48, v47;
	v47 =	vld [tilespmem:s6+$0xCEC0]  }
0x363: {  	[tilespmem:s6+$0x13210] =	vst v61;
	v48 =	vld [tilespmem:s6+$0xCE70]  }
0x364: {  	v61 =	vadd.f32 v50, v49;
	v49 =	vld [tilespmem:s6+$0xCED0];
	[tilespmem:s6+$0x132B0] =	vst v46  }
0x365: {  	v50 =	vld [tilespmem:s6+$0x6AD0];
	[tilespmem:s6+$0x130C0] =	vst v7  }
0x366: {  	v4 =	vadd.f32 v4, v23;
	v58 =	vadd.f32 v55, v54;
	v54 =	vld [tilespmem:s6+$0xCF30];
	[tilespmem:s6+$0x13150] =	vst v13  }
0x367: {  	v55 =	vld [tilespmem:s6+$0xCF90];
	[tilespmem:s6+$0x13250] =	vst v42  }
0x368: {  	v59 =	vadd.f32 v57, v56;
	v56 =	vld [tilespmem:s6+$0x6B90];
	[tilespmem:s6+$0x13000] =	vst v4  }
0x369: {  	v7 =	vld [tilespmem:s6+$0xCF70];
	[tilespmem:s6+$0x13290] =	vst v60  }
0x36a: {  	v9 =	vadd.f32 v12, v9;
	v12 =	vld [tilespmem:s6+$0x6BD0];
	[tilespmem:s6+$0x132A0] =	vst v61  }
0x36b: {  	v6 =	vadd.f32 v17, v6;
	v57 =	vadd.f32 v28, v14;
	v14 =	vld [tilespmem:s6+$0xCFE0];
	[tilespmem:s6+$0x13300] =	vst v58  }
0x36c: {  	v60 =	vadd.f32 v27, v26;
	v26 =	vld [tilespmem:s6+$0x6B40];
	[tilespmem:s6+$0x13310] =	vst v59  }
0x36d: {  	v27 =	vld [tilespmem:s6+$0x6AF0];
	[tilespmem:s6+$0x130E0] =	vst v6  }
0x36e: {  	v5 =	vadd.f32 v5, v16;
	v6 =	vld [tilespmem:s6+$0x6B70];
	[tilespmem:s6+$0x13140] =	vst v9  }
0x36f: {  	v59 =	vld [tilespmem:s6+$0xD000];
	[tilespmem:s6+$0x13160] =	vst v57  }
0x370: {  	v58 =	vadd.f32 v34, v31;
	v34 =	vld [tilespmem:s6+$0xD020];
	[tilespmem:s6+$0x13350] =	vst v5  }
0x371: {  	v31 =	vadd.f32 v36, v29;
	v36 =	vadd.f32 v35, v39;
	v39 =	vld [tilespmem:s6+$0x6C20];
	[tilespmem:s6+$0x13070] =	vst v60  }
0x372: {  	v35 =	vld [tilespmem:s6+$0xD060];
	[tilespmem:s6+$0x13170] =	vst v58  }
0x373: {  	v61 =	vadd.f32 v63, v62;
	v62 =	vld [tilespmem:s6+$0xCF80];
	[tilespmem:s6+$0x131E0] =	vst v31  }
0x374: {  	v63 =	vld [tilespmem:s6+$0x6B80];
	[tilespmem:s6+$0x13240] =	vst v36;
	v57 =	vadd.f32 v52, v48  }
0x375: {  	v60 =	vld [tilespmem:s6+$0xCFA0];
	[tilespmem:s6+$0x13320] =	vst v61;
	v10 =	vadd.f32 v12, v10  }
0x376: {  	v58 =	vld [tilespmem:s6+$0xCFF0];
	[tilespmem:s6+$0x13270] =	vst v57;
	v25 =	vadd.f32 v27, v25  }
0x377: {  	v36 =	vld [tilespmem:s6+$0x6C60];
	v22 =	vadd.f32 v26, v22;
	[tilespmem:s6+$0x133D0] =	vst v10  }
0x378: {  	v61 =	vld [tilespmem:s6+$0x6BA0];
	v42 =	vadd.f32 v6, v7;
	[tilespmem:s6+$0x132F0] =	vst v25  }
0x379: {  	v48 =	vld [tilespmem:s6+$0xD0B0];
	v46 =	vadd.f32 v63, v62;
	[tilespmem:s6+$0x13340] =	vst v22  }
0x37a: {  	v52 =	vld [tilespmem:s6+$0xD0C0];
	v62 =	vadd.f32 v11, v8;
	[tilespmem:s6+$0x13370] =	vst v42  }
0x37b: {  	v57 =	vld [tilespmem:s6+$0xCC10];
	v63 =	vadd.f32 v19, v54;
	[tilespmem:s6+$0x13380] =	vst v46  }
0x37c: {  	v8 =	vld [tilespmem:s6+$0x6BB0];
	v54 =	vadd.f32 v56, v55;
	[tilespmem:s6+$0x130D0] =	vst v62  }
0x37d: {  	v19 =	vld [tilespmem:s6+$0x6B60];
	v55 =	vadd.f32 v30, v20;
	[tilespmem:s6+$0x13330] =	vst v63  }
0x37e: {  	v11 =	vld [tilespmem:s6+$0x6BC0];
	[tilespmem:s6+$0x13390] =	vst v54;
	v56 =	vadd.f32 v61, v60  }
0x37f: {  	v20 =	vld [tilespmem:s6+$0xD040];
	[tilespmem:s6+$0x130F0] =	vst v55;
	v60 =	vadd.f32 v24, v21  }
0x380: {  	v61 =	vld [tilespmem:s6+$0x6C00];
	v62 =	vadd.f32 v33, v32;
	[tilespmem:s6+$0x133A0] =	vst v56  }
0x381: {  	v63 =	vld [tilespmem:s6+$0xD010];
	v33 =	vadd.f32 v44, v40;
	[tilespmem:s6+$0x131C0] =	vst v60  }
0x382: {  	v32 =	vld [tilespmem:s6+$0x6C10];
	v3 =	vadd.f32 v3, v52;
	[tilespmem:s6+$0x131D0] =	vst v62  }
0x383: {  	v46 =	vld [tilespmem:s6+$0xCFC0];
	[tilespmem:s6+$0x131F0] =	vst v33;
	v56 =	vadd.f32 v43, v37  }
0x384: {  	v44 =	vld [tilespmem:s6+$0x6C30];
	v2 =	vadd.f32 v2, v57;
	[tilespmem:s6+$0x134C0] =	vst v3  }
0x385: {  	v54 =	vld [tilespmem:s6+$0x6BE0];
	v8 =	vadd.f32 v8, v51;
	[tilespmem:s6+$0x13260] =	vst v56  }
0x386: {  	v60 =	vld [tilespmem:s6+$0xD050];
	[tilespmem:s6+$0x13010] =	vst v2;
	v40 =	vadd.f32 v61, v59  }
0x387: {  	v62 =	vld [tilespmem:s6+$0x6C50];
	v55 =	vadd.f32 v32, v63;
	[tilespmem:s6+$0x133B0] =	vst v8  }
0x388: {  	v33 =	vld [tilespmem:s6+$0x6BF0];
	v59 =	vadd.f32 v39, v34;
	[tilespmem:s6+$0x13400] =	vst v40  }
0x389: {  	v37 =	vld [tilespmem:s6+$0xD080];
	v61 =	vadd.f32 v38, v47;
	[tilespmem:s6+$0x13410] =	vst v55  }
0x38a: {  	v43 =	vld [tilespmem:s6+$0xD0A0];
	v63 =	vadd.f32 v50, v49;
	[tilespmem:s6+$0x13420] =	vst v59  }
0x38b: {  	v51 =	vld [tilespmem:s6+$0xD070];
	v34 =	vadd.f32 v53, v45;
	[tilespmem:s6+$0x132C0] =	vst v61  }
0x38c: {  	v56 =	vld [tilespmem:s6+$0x6CD0];
	v44 =	vadd.f32 v44, v15;
	[tilespmem:s6+$0x132D0] =	vst v63  }
0x38d: {  	v8 =	vld [tilespmem:s6+$0x6C40];
	v11 =	vadd.f32 v11, v46;
	[tilespmem:s6+$0x132E0] =	vst v34  }
0x38e: {  	v38 =	vld [tilespmem:s6+$0x6C80];
	v53 =	vadd.f32 v54, v14;
	[tilespmem:s6+$0x13430] =	vst v44  }
0x38f: {  	v39 =	vld [tilespmem:s6+$0xD090];
	v40 =	vadd.f32 v19, v18;
	[tilespmem:s6+$0x133C0] =	vst v11  }
0x390: {  	v45 =	vld [tilespmem:s6+$0x6CA0];
	[tilespmem:s6+$0x133E0] =	vst v53;
	v9 =	vadd.f32 v33, v58  }
0x391: {  	v49 =	vld [tilespmem:s6+$0x6CB0];
	v59 =	vadd.f32 v62, v60;
	[tilespmem:s6+$0x13360] =	vst v40  }
0x392: {  	v54 =	vld [tilespmem:s6+$0x6C70];
	v61 =	vadd.f32 v36, v35;
	[tilespmem:s6+$0x133F0] =	vst v9  }
0x393: {  	v55 =	vld [tilespmem:s6+$0xD0D0];
	[tilespmem:s6+$0x13450] =	vst v59;
	v47 =	vadd.f32 v38, v37  }
0x394: {  	v58 =	vld [tilespmem:s6+$0xD0E0];
	[tilespmem:s6+$0x13460] =	vst v61;
	v50 =	vadd.f32 v41, v39  }
0x395: {  	v60 =	vld [tilespmem:s6+$0x6CE0];
	v6 =	vadd.f32 v45, v43;
	[tilespmem:s6+$0x13480] =	vst v47  }
0x396: {  	v62 =	vld [tilespmem:s6+$0xD0F0];
	v8 =	vadd.f32 v8, v20;
	[tilespmem:s6+$0x13490] =	vst v50  }
0x397: {  	v63 =	vld [tilespmem:s6+$0xCC20];
	v5 =	vadd.f32 v49, v48;
	[tilespmem:s6+$0x134A0] =	vst v6  }
0x398: {  	v4 =	vadd.f32 v54, v51;
	[tilespmem:s6+$0x13440] =	vst v8  }
0x399: {  	[tilespmem:s6+$0x134B0] =	vst v5;
	v3 =	vadd.f32 v56, v55  }
0x39a: {  	[tilespmem:s6+$0x13470] =	vst v4;
	v2 =	vadd.f32 v60, v58  }
0x39b: {  	[tilespmem:s6+$0x134D0] =	vst v3;
	v3 =	vadd.f32 v0, v62  }
0x39c: {  	[tilespmem:s6+$0x134E0] =	vst v2;
	v0 =	vadd.f32 v1, v63  }
0x39d: {  	s7 =	simm.s32 $0xA;
	[tilespmem:s6+$0x134F0] =	vst v3  }
.LBB2_15:
0x39e: {  	p2 =	slt.u32 s7, $0x28;
	[tilespmem:s6+$0x13020] =	vst v0;
	s6 =	sshll.u32 s7, $0x7;
	s7 =	sadd.s32 $0xA, s7  }
0x39f: {  	v2 =	vld [tilespmem:s6+$0x6810]  }
0x3a0: {  	v0 =	vld [tilespmem:s6+$0x6CF0]  }
0x3a1: {  	v4 =	vld [tilespmem:s6+$0x6800]  }
0x3a2: {  	v3 =	vld [tilespmem:s6+$0x6CC0]  }
0x3a3: {  	v5 =	vld [tilespmem:s6+$0x6B50]  }
0x3a4: {  	v1 =	vld [tilespmem:s6+$0x6820]  }
0x3a5: {  	v6 =	vld [tilespmem:s6+$0xCC30]  }
0x3a6: {  	v7 =	vld [tilespmem:s6+$0x6830]  }
0x3a7: {  	v8 =	vld [tilespmem:s6+$0xCC40]  }
0x3a8: {  	v9 =	vld [tilespmem:s6+$0x6840]  }
0x3a9: {  	v10 =	vld [tilespmem:s6+$0xCC50]  }
0x3aa: {  	v11 =	vld [tilespmem:s6+$0x6850]  }
0x3ab: {  	v6 =	vadd.f32 v7, v6;
	v7 =	vld [tilespmem:s6+$0xCC60]  }
0x3ac: {  	v12 =	vld [tilespmem:s6+$0x6860]  }
0x3ad: {  	[tilespmem:s6+$0x13030] =	vst v6;
	v6 =	vadd.f32 v9, v8;
	v8 =	vld [tilespmem:s6+$0xCC70]  }
0x3ae: {  	v9 =	vld [tilespmem:s6+$0x6870]  }
0x3af: {  	[tilespmem:s6+$0x13040] =	vst v6;
	v6 =	vadd.f32 v11, v10;
	v10 =	vld [tilespmem:s6+$0xCC80]  }
0x3b0: {  	v11 =	vld [tilespmem:s6+$0x6880]  }
0x3b1: {  	[tilespmem:s6+$0x13050] =	vst v6;
	v6 =	vadd.f32 v12, v7;
	v7 =	vld [tilespmem:s6+$0xCC90]  }
0x3b2: {  	v12 =	vld [tilespmem:s6+$0x6890]  }
0x3b3: {  	[tilespmem:s6+$0x13060] =	vst v6;
	v6 =	vadd.f32 v9, v8;
	v8 =	vld [tilespmem:s6+$0xCCA0]  }
0x3b4: {  	v9 =	vld [tilespmem:s6+$0x68A0]  }
0x3b5: {  	[tilespmem:s6+$0x13070] =	vst v6;
	v6 =	vadd.f32 v11, v10;
	v10 =	vld [tilespmem:s6+$0xCCB0]  }
0x3b6: {  	v11 =	vld [tilespmem:s6+$0x68B0]  }
0x3b7: {  	[tilespmem:s6+$0x13080] =	vst v6;
	v6 =	vadd.f32 v12, v7;
	v7 =	vld [tilespmem:s6+$0xCCC0]  }
0x3b8: {  	v12 =	vld [tilespmem:s6+$0x68C0]  }
0x3b9: {  	[tilespmem:s6+$0x13090] =	vst v6;
	v6 =	vadd.f32 v9, v8;
	v8 =	vld [tilespmem:s6+$0xCCD0]  }
0x3ba: {  	v9 =	vld [tilespmem:s6+$0x68D0]  }
0x3bb: {  	[tilespmem:s6+$0x130A0] =	vst v6;
	v6 =	vadd.f32 v11, v10;
	v10 =	vld [tilespmem:s6+$0xCCE0]  }
0x3bc: {  	v11 =	vld [tilespmem:s6+$0x68E0]  }
0x3bd: {  	[tilespmem:s6+$0x130B0] =	vst v6;
	v6 =	vadd.f32 v12, v7;
	v7 =	vld [tilespmem:s6+$0xCCF0]  }
0x3be: {  	v12 =	vld [tilespmem:s6+$0x68F0]  }
0x3bf: {  	[tilespmem:s6+$0x130C0] =	vst v6;
	v6 =	vadd.f32 v9, v8;
	v8 =	vld [tilespmem:s6+$0xCD00]  }
0x3c0: {  	v9 =	vld [tilespmem:s6+$0x6900]  }
0x3c1: {  	[tilespmem:s6+$0x130D0] =	vst v6;
	v6 =	vadd.f32 v11, v10;
	v10 =	vld [tilespmem:s6+$0xCD10]  }
0x3c2: {  	v11 =	vld [tilespmem:s6+$0x6910]  }
0x3c3: {  	[tilespmem:s6+$0x130E0] =	vst v6;
	v6 =	vadd.f32 v12, v7;
	v7 =	vld [tilespmem:s6+$0xCD20]  }
0x3c4: {  	v12 =	vld [tilespmem:s6+$0x6920]  }
0x3c5: {  	[tilespmem:s6+$0x130F0] =	vst v6;
	v6 =	vadd.f32 v9, v8;
	v8 =	vld [tilespmem:s6+$0xCD30]  }
0x3c6: {  	v9 =	vld [tilespmem:s6+$0x6930]  }
0x3c7: {  	[tilespmem:s6+$0x13100] =	vst v6;
	v6 =	vadd.f32 v11, v10;
	v10 =	vld [tilespmem:s6+$0xCD40]  }
0x3c8: {  	v11 =	vld [tilespmem:s6+$0x6940]  }
0x3c9: {  	[tilespmem:s6+$0x13110] =	vst v6;
	v6 =	vadd.f32 v12, v7;
	v7 =	vld [tilespmem:s6+$0xCD50]  }
0x3ca: {  	v12 =	vld [tilespmem:s6+$0x6950]  }
0x3cb: {  	[tilespmem:s6+$0x13120] =	vst v6;
	v6 =	vadd.f32 v9, v8;
	v8 =	vld [tilespmem:s6+$0xCD60]  }
0x3cc: {  	v9 =	vld [tilespmem:s6+$0x6960]  }
0x3cd: {  	[tilespmem:s6+$0x13130] =	vst v6;
	v6 =	vadd.f32 v11, v10;
	v10 =	vld [tilespmem:s6+$0xCD70]  }
0x3ce: {  	v11 =	vld [tilespmem:s6+$0x6970]  }
0x3cf: {  	[tilespmem:s6+$0x13140] =	vst v6;
	v6 =	vadd.f32 v12, v7;
	v7 =	vld [tilespmem:s6+$0xCD80]  }
0x3d0: {  	v12 =	vld [tilespmem:s6+$0x6980]  }
0x3d1: {  	[tilespmem:s6+$0x13150] =	vst v6;
	v6 =	vadd.f32 v9, v8;
	v8 =	vld [tilespmem:s6+$0xCD90]  }
0x3d2: {  	v9 =	vld [tilespmem:s6+$0x6990]  }
0x3d3: {  	[tilespmem:s6+$0x13160] =	vst v6;
	v6 =	vadd.f32 v11, v10;
	v10 =	vld [tilespmem:s6+$0xCDA0]  }
0x3d4: {  	v11 =	vld [tilespmem:s6+$0x69A0]  }
0x3d5: {  	[tilespmem:s6+$0x13170] =	vst v6;
	v6 =	vadd.f32 v12, v7;
	v7 =	vld [tilespmem:s6+$0xCDB0]  }
0x3d6: {  	v12 =	vld [tilespmem:s6+$0x69B0]  }
0x3d7: {  	[tilespmem:s6+$0x13180] =	vst v6;
	v6 =	vadd.f32 v9, v8;
	v8 =	vld [tilespmem:s6+$0xCDC0]  }
0x3d8: {  	v9 =	vld [tilespmem:s6+$0x69C0]  }
0x3d9: {  	[tilespmem:s6+$0x13190] =	vst v6;
	v6 =	vadd.f32 v11, v10;
	v10 =	vld [tilespmem:s6+$0xCDD0]  }
0x3da: {  	v11 =	vld [tilespmem:s6+$0x69D0]  }
0x3db: {  	[tilespmem:s6+$0x131A0] =	vst v6;
	v6 =	vadd.f32 v12, v7;
	v7 =	vld [tilespmem:s6+$0xCDE0]  }
0x3dc: {  	v12 =	vld [tilespmem:s6+$0x69E0]  }
0x3dd: {  	[tilespmem:s6+$0x131B0] =	vst v6;
	v6 =	vadd.f32 v9, v8;
	v8 =	vld [tilespmem:s6+$0xCDF0]  }
0x3de: {  	v9 =	vld [tilespmem:s6+$0x69F0]  }
0x3df: {  	[tilespmem:s6+$0x131C0] =	vst v6;
	v6 =	vadd.f32 v11, v10;
	v10 =	vld [tilespmem:s6+$0xCE00]  }
0x3e0: {  	v11 =	vld [tilespmem:s6+$0x6A00]  }
0x3e1: {  	[tilespmem:s6+$0x131D0] =	vst v6;
	v6 =	vadd.f32 v12, v7;
	v7 =	vld [tilespmem:s6+$0xCE10]  }
0x3e2: {  	v12 =	vld [tilespmem:s6+$0x6A10]  }
0x3e3: {  	[tilespmem:s6+$0x131E0] =	vst v6;
	v6 =	vadd.f32 v9, v8;
	v8 =	vld [tilespmem:s6+$0xCE20]  }
0x3e4: {  	v9 =	vld [tilespmem:s6+$0x6A20]  }
0x3e5: {  	[tilespmem:s6+$0x131F0] =	vst v6;
	v6 =	vadd.f32 v11, v10;
	v10 =	vld [tilespmem:s6+$0xCE30]  }
0x3e6: {  	v11 =	vld [tilespmem:s6+$0x6A30]  }
0x3e7: {  	[tilespmem:s6+$0x13200] =	vst v6;
	v6 =	vadd.f32 v12, v7;
	v7 =	vld [tilespmem:s6+$0xCE40]  }
0x3e8: {  	v12 =	vld [tilespmem:s6+$0x6A40]  }
0x3e9: {  	[tilespmem:s6+$0x13210] =	vst v6;
	v6 =	vadd.f32 v9, v8;
	v8 =	vld [tilespmem:s6+$0xCE50]  }
0x3ea: {  	v9 =	vld [tilespmem:s6+$0x6A50]  }
0x3eb: {  	[tilespmem:s6+$0x13220] =	vst v6;
	v6 =	vadd.f32 v11, v10;
	v10 =	vld [tilespmem:s6+$0xCE60]  }
0x3ec: {  	v11 =	vld [tilespmem:s6+$0x6A60]  }
0x3ed: {  	[tilespmem:s6+$0x13230] =	vst v6;
	v6 =	vadd.f32 v12, v7;
	v7 =	vld [tilespmem:s6+$0xCE70]  }
0x3ee: {  	v12 =	vld [tilespmem:s6+$0x6A70]  }
0x3ef: {  	[tilespmem:s6+$0x13240] =	vst v6;
	v6 =	vadd.f32 v9, v8;
	v8 =	vld [tilespmem:s6+$0xCE80]  }
0x3f0: {  	v9 =	vld [tilespmem:s6+$0x6A80]  }
0x3f1: {  	[tilespmem:s6+$0x13250] =	vst v6;
	v6 =	vadd.f32 v11, v10;
	v10 =	vld [tilespmem:s6+$0xCE90]  }
0x3f2: {  	v11 =	vld [tilespmem:s6+$0x6A90]  }
0x3f3: {  	[tilespmem:s6+$0x13260] =	vst v6;
	v6 =	vadd.f32 v12, v7;
	v7 =	vld [tilespmem:s6+$0xCEA0]  }
0x3f4: {  	v12 =	vld [tilespmem:s6+$0x6AA0]  }
0x3f5: {  	[tilespmem:s6+$0x13270] =	vst v6;
	v6 =	vadd.f32 v9, v8;
	v8 =	vld [tilespmem:s6+$0xCEB0]  }
0x3f6: {  	v9 =	vld [tilespmem:s6+$0x6AB0]  }
0x3f7: {  	[tilespmem:s6+$0x13280] =	vst v6;
	v6 =	vadd.f32 v11, v10;
	v10 =	vld [tilespmem:s6+$0xCEC0]  }
0x3f8: {  	v11 =	vld [tilespmem:s6+$0x6AC0]  }
0x3f9: {  	[tilespmem:s6+$0x13290] =	vst v6;
	v6 =	vadd.f32 v12, v7;
	v7 =	vld [tilespmem:s6+$0xCED0]  }
0x3fa: {  	v12 =	vld [tilespmem:s6+$0x6AD0]  }
0x3fb: {  	[tilespmem:s6+$0x132A0] =	vst v6;
	v6 =	vadd.f32 v9, v8;
	v8 =	vld [tilespmem:s6+$0xCEE0]  }
0x3fc: {  	v9 =	vld [tilespmem:s6+$0x6AE0]  }
0x3fd: {  	[tilespmem:s6+$0x132B0] =	vst v6;
	v6 =	vadd.f32 v11, v10;
	v10 =	vld [tilespmem:s6+$0xCEF0]  }
0x3fe: {  	v11 =	vld [tilespmem:s6+$0x6AF0]  }
0x3ff: {  	[tilespmem:s6+$0x132C0] =	vst v6;
	v6 =	vadd.f32 v12, v7;
	v7 =	vld [tilespmem:s6+$0xCF00]  }
0x400: {  	v12 =	vld [tilespmem:s6+$0x6B00]  }
0x401: {  	[tilespmem:s6+$0x132D0] =	vst v6;
	v6 =	vadd.f32 v9, v8;
	v8 =	vld [tilespmem:s6+$0xCF10]  }
0x402: {  	v9 =	vld [tilespmem:s6+$0x6B10]  }
0x403: {  	[tilespmem:s6+$0x132E0] =	vst v6;
	v6 =	vadd.f32 v11, v10;
	v10 =	vld [tilespmem:s6+$0xCF20]  }
0x404: {  	v11 =	vld [tilespmem:s6+$0x6B20]  }
0x405: {  	[tilespmem:s6+$0x132F0] =	vst v6;
	v6 =	vadd.f32 v12, v7;
	v7 =	vld [tilespmem:s6+$0xCF30]  }
0x406: {  	v12 =	vld [tilespmem:s6+$0x6B30]  }
0x407: {  	[tilespmem:s6+$0x13300] =	vst v6;
	v6 =	vadd.f32 v9, v8;
	v8 =	vld [tilespmem:s6+$0xCF40]  }
0x408: {  	v9 =	vld [tilespmem:s6+$0x6B40]  }
0x409: {  	[tilespmem:s6+$0x13310] =	vst v6;
	v6 =	vadd.f32 v11, v10;
	v10 =	vld [tilespmem:s6+$0xCF50]  }
0x40a: {  	v11 =	vld [tilespmem:s6+$0xCC00]  }
0x40b: {  	[tilespmem:s6+$0x13320] =	vst v6;
	v6 =	vadd.f32 v12, v7;
	v7 =	vld [tilespmem:s6+$0xCF60]  }
0x40c: {  	v12 =	vld [tilespmem:s6+$0x6B60]  }
0x40d: {  	[tilespmem:s6+$0x13330] =	vst v6;
	v6 =	vadd.f32 v9, v8;
	v8 =	vld [tilespmem:s6+$0xCF70]  }
0x40e: {  	v5 =	vadd.f32 v5, v10;
	v9 =	vld [tilespmem:s6+$0x6B70]  }
0x40f: {  	v4 =	vadd.f32 v4, v11;
	[tilespmem:s6+$0x13340] =	vst v6;
	v6 =	vld [tilespmem:s6+$0xCF80]  }
0x410: {  	[tilespmem:s6+$0x13350] =	vst v5;
	v5 =	vld [tilespmem:s6+$0x6B80]  }
0x411: {  	[tilespmem:s6+$0x13000] =	vst v4;
	v4 =	vadd.f32 v12, v7;
	v7 =	vld [tilespmem:s6+$0xCF90]  }
0x412: {  	v10 =	vld [tilespmem:s6+$0x6B90]  }
0x413: {  	[tilespmem:s6+$0x13360] =	vst v4;
	v4 =	vadd.f32 v9, v8;
	v8 =	vld [tilespmem:s6+$0xCFA0]  }
0x414: {  	v9 =	vld [tilespmem:s6+$0x6BA0]  }
0x415: {  	[tilespmem:s6+$0x13370] =	vst v4;
	v4 =	vadd.f32 v5, v6;
	v5 =	vld [tilespmem:s6+$0xCFB0]  }
0x416: {  	v6 =	vld [tilespmem:s6+$0x6BB0]  }
0x417: {  	[tilespmem:s6+$0x13380] =	vst v4;
	v4 =	vadd.f32 v10, v7;
	v7 =	vld [tilespmem:s6+$0xCFC0]  }
0x418: {  	v10 =	vld [tilespmem:s6+$0x6BC0]  }
0x419: {  	[tilespmem:s6+$0x13390] =	vst v4;
	v4 =	vadd.f32 v9, v8;
	v8 =	vld [tilespmem:s6+$0xCFD0]  }
0x41a: {  	v9 =	vld [tilespmem:s6+$0x6BD0]  }
0x41b: {  	[tilespmem:s6+$0x133A0] =	vst v4;
	v4 =	vadd.f32 v6, v5;
	v5 =	vld [tilespmem:s6+$0xCFE0]  }
0x41c: {  	v6 =	vld [tilespmem:s6+$0x6BE0]  }
0x41d: {  	[tilespmem:s6+$0x133B0] =	vst v4;
	v4 =	vadd.f32 v10, v7;
	v7 =	vld [tilespmem:s6+$0xCFF0]  }
0x41e: {  	v10 =	vld [tilespmem:s6+$0x6BF0]  }
0x41f: {  	[tilespmem:s6+$0x133C0] =	vst v4;
	v4 =	vadd.f32 v9, v8;
	v8 =	vld [tilespmem:s6+$0xD000]  }
0x420: {  	v9 =	vld [tilespmem:s6+$0x6C00]  }
0x421: {  	[tilespmem:s6+$0x133D0] =	vst v4;
	v4 =	vadd.f32 v6, v5;
	v5 =	vld [tilespmem:s6+$0xD010]  }
0x422: {  	v6 =	vld [tilespmem:s6+$0x6C10]  }
0x423: {  	[tilespmem:s6+$0x133E0] =	vst v4;
	v4 =	vadd.f32 v10, v7;
	v7 =	vld [tilespmem:s6+$0xD020]  }
0x424: {  	v10 =	vld [tilespmem:s6+$0x6C20]  }
0x425: {  	[tilespmem:s6+$0x133F0] =	vst v4;
	v4 =	vadd.f32 v9, v8;
	v8 =	vld [tilespmem:s6+$0xD030]  }
0x426: {  	v9 =	vld [tilespmem:s6+$0x6C30]  }
0x427: {  	[tilespmem:s6+$0x13400] =	vst v4;
	v4 =	vadd.f32 v6, v5;
	v5 =	vld [tilespmem:s6+$0xD040]  }
0x428: {  	v6 =	vld [tilespmem:s6+$0x6C40]  }
0x429: {  	[tilespmem:s6+$0x13410] =	vst v4;
	v4 =	vadd.f32 v10, v7;
	v7 =	vld [tilespmem:s6+$0xD050]  }
0x42a: {  	v10 =	vld [tilespmem:s6+$0x6C50]  }
0x42b: {  	[tilespmem:s6+$0x13420] =	vst v4;
	v4 =	vadd.f32 v9, v8;
	v8 =	vld [tilespmem:s6+$0xD060]  }
0x42c: {  	v9 =	vld [tilespmem:s6+$0x6C60]  }
0x42d: {  	[tilespmem:s6+$0x13430] =	vst v4;
	v4 =	vadd.f32 v6, v5;
	v5 =	vld [tilespmem:s6+$0xD070]  }
0x42e: {  	v6 =	vld [tilespmem:s6+$0x6C70]  }
0x42f: {  	[tilespmem:s6+$0x13440] =	vst v4;
	v4 =	vadd.f32 v10, v7;
	v7 =	vld [tilespmem:s6+$0xD080]  }
0x430: {  	v10 =	vld [tilespmem:s6+$0x6C80]  }
0x431: {  	[tilespmem:s6+$0x13450] =	vst v4;
	v4 =	vadd.f32 v9, v8;
	v8 =	vld [tilespmem:s6+$0xD090]  }
0x432: {  	v9 =	vld [tilespmem:s6+$0x6C90]  }
0x433: {  	[tilespmem:s6+$0x13460] =	vst v4;
	v4 =	vadd.f32 v6, v5;
	v5 =	vld [tilespmem:s6+$0xD0A0]  }
0x434: {  	v6 =	vld [tilespmem:s6+$0x6CA0]  }
0x435: {  	[tilespmem:s6+$0x13470] =	vst v4;
	v4 =	vadd.f32 v10, v7;
	v7 =	vld [tilespmem:s6+$0xD0B0]  }
0x436: {  	v10 =	vld [tilespmem:s6+$0x6CB0]  }
0x437: {  	[tilespmem:s6+$0x13480] =	vst v4;
	v4 =	vadd.f32 v9, v8;
	v8 =	vld [tilespmem:s6+$0xD0C0]  }
0x438: {  	v9 =	vld [tilespmem:s6+$0xCC10]  }
0x439: {  	[tilespmem:s6+$0x13490] =	vst v4;
	v4 =	vadd.f32 v6, v5;
	v5 =	vld [tilespmem:s6+$0xD0D0]  }
0x43a: {  	v6 =	vld [tilespmem:s6+$0x6CD0]  }
0x43b: {  	[tilespmem:s6+$0x134A0] =	vst v4;
	v4 =	vadd.f32 v10, v7;
	v7 =	vld [tilespmem:s6+$0xD0E0]  }
0x43c: {  	v3 =	vadd.f32 v3, v8;
	v8 =	vld [tilespmem:s6+$0x6CE0]  }
0x43d: {  	v2 =	vadd.f32 v2, v9;
	[tilespmem:s6+$0x134B0] =	vst v4;
	v4 =	vld [tilespmem:s6+$0xD0F0]  }
0x43e: {  	v9 =	vld [tilespmem:s6+$0xCC20];
	[tilespmem:s6+$0x134C0] =	vst v3  }
0x43f: {  	[tilespmem:s6+$0x13010] =	vst v2;
	v2 =	vadd.f32 v6, v5  }
.Ltmp10:
0x440: {  	(pc) =	sbr.rel @p2 .LBB2_15-.Ltmp10, $4  }
0x441: {  	[tilespmem:s6+$0x134D0] =	vst v2;
	v2 =	vadd.f32 v8, v7  }
0x442: {  	v3 =	vadd.f32 v0, v4  }
0x443: {  	v0 =	vadd.f32 v1, v9;
	[tilespmem:s6+$0x134E0] =	vst v2  }
0x444: {  	[tilespmem:s6+$0x134F0] =	vst v3  }
.Ltmp11:
0x445: {  	s7 =	sadd.s32 s20, s9;
	(pc) =	sbr.rel @p1 .LBB2_18-.Ltmp11, $4  }
0x446: {  	s7 =	sshll.u32 s7, $0x3  }
0x447: {  	s7 =	sand.u32 $0x1FFFFFC0, s7  }
0x448: {  	[tilespmem:s6+$0x13020] =	vst v0;
	s16 =	sadd.s32 s2, s7  }
0x449: {  	[hbm4b:s16+s3] =	stream.linear.scatter [tilespmem:s30], [sflag:$0x7], $0x1900, $0x38;
	[tilespmem:$0x16200] =	vst v63  }
.Ltmp12:
0x44a: {  	(pc) =	sbr.rel .LBB2_19-.Ltmp12, $4  }
0x44b: {  	_ = 	snop  }
0x44c: {  	_ =	swait.ge [sflag:s31], $0x1900  }
0x44d: {  	[sflag:s31] =	ssyncset.done $0x0  }
0x44e: {  	[sflag:s31] =	ssyncadd.s32 $0xFFFFE700  }
.LBB2_18:
0x44f: {  	s6 =	smul.u32 $0x680, s18;
	_ =	sdelay $0x1  }
0x450: {  	s6 =	sshra.s32 s6, $0x2  }
.Ltmp13:
0x451: {  	s6 =	sadd.s32 $0x270, s6;
	(pc) =	sbr.rel @p0 .LBB2_20-.Ltmp13, $4  }
0x452: {  	[tilespmem:s19], [sflag:$0x3] =	stream.indirect.gather [hbm4b:s4+s14], $0x40, s6, s14, $0xb8;
	[tilespmem:$0x16200] =	vst v63  }
0x453: {  	_ =	swait.ge [sflag:s31], $0x1900  }
0x454: {  	[sflag:s31] =	ssyncset.done $0x0  }
0x455: {  	[sflag:s31] =	ssyncadd.s32 $0xFFFFE700  }
.LBB2_19:
0x456: {  	_ =	swait.ge [sflag:s1], $0x1900  }
0x457: {  	[sflag:s1] =	ssyncset.done $0x0  }
0x458: {  	[sflag:s1] =	ssyncadd.s32 $0xFFFFE700  }
.LBB2_20:
0x459: {  	s6 =	simm.s32 $0x0  }
0x45a: {  	v2 =	vld [tilespmem:s6+$0x8110]  }
0x45b: {  	v0 =	vld [tilespmem:s6+$0x85F0]  }
0x45c: {  	v4 =	vld [tilespmem:s6+$0x8100]  }
0x45d: {  	v3 =	vld [tilespmem:s6+$0x85C0]  }
0x45e: {  	v5 =	vld [tilespmem:s6+$0x8450]  }
0x45f: {  	v1 =	vld [tilespmem:s6+$0x8120]  }
0x460: {  	v6 =	vld [tilespmem:s6+$0xE530]  }
0x461: {  	v7 =	vld [tilespmem:s6+$0x8130]  }
0x462: {  	v22 =	vld [tilespmem:s6+$0xE540]  }
0x463: {  	v23 =	vld [tilespmem:s6+$0x8140]  }
0x464: {  	v18 =	vld [tilespmem:s6+$0xE550]  }
0x465: {  	v19 =	vld [tilespmem:s6+$0x8150]  }
0x466: {  	v16 =	vld [tilespmem:s6+$0xE560]  }
0x467: {  	v8 =	vld [tilespmem:s6+$0xE580]  }
0x468: {  	v9 =	vld [tilespmem:s6+$0x8180]  }
0x469: {  	v10 =	vld [tilespmem:s6+$0xE590]  }
0x46a: {  	v11 =	vld [tilespmem:s6+$0x8190]  }
0x46b: {  	v12 =	vld [tilespmem:s6+$0xE5A0]  }
0x46c: {  	v13 =	vld [tilespmem:s6+$0x81A0]  }
0x46d: {  	v47 =	vld [tilespmem:s6+$0xE5B0]  }
0x46e: {  	v14 =	vld [tilespmem:s6+$0x81B0]  }
0x46f: {  	v25 =	vld [tilespmem:s6+$0x8160]  }
0x470: {  	v26 =	vld [tilespmem:s6+$0xE570]  }
0x471: {  	v27 =	vld [tilespmem:s6+$0x8170]  }
0x472: {  	v50 =	vld [tilespmem:s6+$0xE600]  }
0x473: {  	v51 =	vld [tilespmem:s6+$0x8200]  }
0x474: {  	v15 =	vld [tilespmem:s6+$0xE610]  }
0x475: {  	v20 =	vld [tilespmem:s6+$0x8210]  }
0x476: {  	v21 =	vld [tilespmem:s6+$0xE620]  }
0x477: {  	v24 =	vld [tilespmem:s6+$0x8220]  }
0x478: {  	v28 =	vld [tilespmem:s6+$0xE630]  }
0x479: {  	v29 =	vld [tilespmem:s6+$0x8230]  }
0x47a: {  	v17 =	vld [tilespmem:s6+$0x81E0]  }
0x47b: {  	v30 =	vld [tilespmem:s6+$0x81F0]  }
0x47c: {  	v55 =	vld [tilespmem:s6+$0xE680]  }
0x47d: {  	v56 =	vld [tilespmem:s6+$0x8280]  }
0x47e: {  	v31 =	vld [tilespmem:s6+$0xE690]  }
0x47f: {  	v32 =	vld [tilespmem:s6+$0x8290]  }
0x480: {  	v33 =	vld [tilespmem:s6+$0xE6A0]  }
0x481: {  	v34 =	vld [tilespmem:s6+$0x82A0]  }
0x482: {  	v35 =	vld [tilespmem:s6+$0xE6B0]  }
0x483: {  	v36 =	vld [tilespmem:s6+$0x82B0]  }
0x484: {  	v37 =	vld [tilespmem:s6+$0xE700]  }
0x485: {  	v38 =	vld [tilespmem:s6+$0x8300]  }
0x486: {  	v39 =	vld [tilespmem:s6+$0xE710]  }
0x487: {  	v40 =	vld [tilespmem:s6+$0x8310]  }
0x488: {  	v41 =	vld [tilespmem:s6+$0xE720]  }
0x489: {  	v42 =	vld [tilespmem:s6+$0x8320]  }
0x48a: {  	v60 =	vld [tilespmem:s6+$0xE730]  }
0x48b: {  	v43 =	vld [tilespmem:s6+$0x8330]  }
0x48c: {  	v44 =	vld [tilespmem:s6+$0x82F0]  }
0x48d: {  	v45 =	vld [tilespmem:s6+$0xE780]  }
0x48e: {  	v46 =	vld [tilespmem:s6+$0x8380]  }
0x48f: {  	v63 =	vld [tilespmem:s6+$0xE7B0]  }
0x490: {  	v6 =	vadd.f32 v7, v6;
	v7 =	vld [tilespmem:s6+$0xE5C0]  }
0x491: {  	v48 =	vadd.f32 v11, v10;
	v10 =	vld [tilespmem:s6+$0x81C0]  }
0x492: {  	v11 =	vld [tilespmem:s6+$0x81D0]  }
0x493: {  	v8 =	vadd.f32 v9, v8;
	v9 =	vld [tilespmem:s6+$0xE640]  }
0x494: {  	v53 =	vadd.f32 v20, v15;
	v20 =	vld [tilespmem:s6+$0xE5F0]  }
0x495: {  	v49 =	vadd.f32 v13, v12;
	v13 =	vld [tilespmem:s6+$0xE650]  }
0x496: {  	v15 =	vld [tilespmem:s6+$0x8250]  }
0x497: {  	v52 =	vadd.f32 v14, v47;
	v14 =	vld [tilespmem:s6+$0xE660]  }
0x498: {  	v57 =	vadd.f32 v29, v28;
	v28 =	vld [tilespmem:s6+$0x8260]  }
0x499: {  	v54 =	vadd.f32 v24, v21;
	v24 =	vld [tilespmem:s6+$0x82C0]  }
0x49a: {  	v58 =	vadd.f32 v32, v31;
	v31 =	vld [tilespmem:s6+$0xE670]  }
0x49b: {  	v32 =	vld [tilespmem:s6+$0xE6D0]  }
0x49c: {  	v59 =	vadd.f32 v34, v33;
	v33 =	vld [tilespmem:s6+$0x82D0]  }
0x49d: {  	v34 =	vld [tilespmem:s6+$0x8270]  }
0x49e: {  	v29 =	vld [tilespmem:s6+$0xE6E0]  }
0x49f: {  	v35 =	vadd.f32 v36, v35;
	v36 =	vld [tilespmem:s6+$0x82E0]  }
0x4a0: {  	v61 =	vadd.f32 v40, v39;
	v39 =	vld [tilespmem:s6+$0xE740]  }
0x4a1: {  	v40 =	vld [tilespmem:s6+$0xE6F0]  }
0x4a2: {  	v62 =	vadd.f32 v42, v41;
	v41 =	vld [tilespmem:s6+$0xE750]  }
0x4a3: {  	v42 =	vld [tilespmem:s6+$0x8350]  }
0x4a4: {  	v47 =	vld [tilespmem:s6+$0xE790]  }
0x4a5: {  	v12 =	vadd.f32 v51, v50;
	v50 =	vld [tilespmem:s6+$0x83A0]  }
0x4a6: {  	v51 =	vld [tilespmem:s6+$0x83B0]  }
0x4a7: {  	v37 =	vadd.f32 v38, v37;
	v38 =	vadd.f32 v43, v60;
	v43 =	vld [tilespmem:s6+$0x8360]  }
0x4a8: {  	v21 =	vadd.f32 v56, v55;
	v55 =	vld [tilespmem:s6+$0x8400]  }
0x4a9: {  	v56 =	vld [tilespmem:s6+$0xE810]  }
0x4aa: {  	v18 =	vadd.f32 v19, v18;
	v19 =	vld [tilespmem:s6+$0x8430]  }
0x4ab: {  	v16 =	vadd.f32 v25, v16;
	v25 =	vld [tilespmem:s6+$0xE7F0]  }
0x4ac: {  	v22 =	vadd.f32 v23, v22;
	v23 =	vld [tilespmem:s6+$0xE500]  }
0x4ad: {  	[tilespmem:s6+$0x14980] =	vst v8;
	v8 =	vld [tilespmem:s6+$0xE5D0]  }
0x4ae: {  	[tilespmem:s6+$0x14930] =	vst v6;
	v6 =	vld [tilespmem:s6+$0xE5E0]  }
0x4af: {  	[tilespmem:s6+$0x14A00] =	vst v12;
	v12 =	vld [tilespmem:s6+$0x8240]  }
0x4b0: {  	[tilespmem:s6+$0x14A80] =	vst v21;
	v21 =	vld [tilespmem:s6+$0xE6C0]  }
0x4b1: {  	[tilespmem:s6+$0x14AB0] =	vst v35;
	v35 =	vld [tilespmem:s6+$0x8340]  }
0x4b2: {  	[tilespmem:s6+$0x14B00] =	vst v37;
	v37 =	vld [tilespmem:s6+$0xE760]  }
0x4b3: {  	[tilespmem:s6+$0x14990] =	vst v48;
	v48 =	vld [tilespmem:s6+$0x8390]  }
0x4b4: {  	[tilespmem:s6+$0x149A0] =	vst v49;
	v49 =	vld [tilespmem:s6+$0xE7A0]  }
0x4b5: {  	v45 =	vadd.f32 v46, v45;
	[tilespmem:s6+$0x14B30] =	vst v38;
	v38 =	vld [tilespmem:s6+$0x83C0]  }
0x4b6: {  	[tilespmem:s6+$0x149B0] =	vst v52;
	v52 =	vld [tilespmem:s6+$0x8370]  }
0x4b7: {  	[tilespmem:s6+$0x14B80] =	vst v45;
	v45 =	vld [tilespmem:s6+$0xE7E0]  }
0x4b8: {  	[tilespmem:s6+$0x14A10] =	vst v53;
	v53 =	vld [tilespmem:s6+$0x83E0]  }
0x4b9: {  	[tilespmem:s6+$0x14A20] =	vst v54;
	v54 =	vld [tilespmem:s6+$0xE800]  }
0x4ba: {  	[tilespmem:s6+$0x14A30] =	vst v57;
	v57 =	vld [tilespmem:s6+$0x8410]  }
0x4bb: {  	[tilespmem:s6+$0x14B20] =	vst v62;
	v62 =	vld [tilespmem:s6+$0xE820]  }
0x4bc: {  	[tilespmem:s6+$0x14940] =	vst v22;
	v22 =	vld [tilespmem:s6+$0xE840]  }
0x4bd: {  	[tilespmem:s6+$0x14960] =	vst v16;
	v16 =	vld [tilespmem:s6+$0xE850]  }
0x4be: {  	[tilespmem:s6+$0x14950] =	vst v18;
	v18 =	vld [tilespmem:s6+$0xE860]  }
0x4bf: {  	v46 =	vadd.f32 v51, v63;
	v63 =	vld [tilespmem:s6+$0x8420]  }
0x4c0: {  	v51 =	vld [tilespmem:s6+$0xE8B0]  }
0x4c1: {  	v7 =	vadd.f32 v10, v7;
	v10 =	vld [tilespmem:s6+$0xE8D0]  }
0x4c2: {  	v13 =	vadd.f32 v15, v13;
	v15 =	vld [tilespmem:s6+$0xE930]  }
0x4c3: {  	[tilespmem:s6+$0x14A90] =	vst v58;
	v42 =	vadd.f32 v42, v41;
	v41 =	vld [tilespmem:s6+$0x8590]  }
0x4c4: {  	[tilespmem:s6+$0x14AA0] =	vst v59;
	v60 =	vadd.f32 v48, v47;
	v47 =	vld [tilespmem:s6+$0xE7C0]  }
0x4c5: {  	[tilespmem:s6+$0x14B10] =	vst v61;
	v48 =	vld [tilespmem:s6+$0xE770]  }
0x4c6: {  	v61 =	vadd.f32 v50, v49;
	v49 =	vld [tilespmem:s6+$0xE7D0];
	[tilespmem:s6+$0x14BB0] =	vst v46  }
0x4c7: {  	v50 =	vld [tilespmem:s6+$0x83D0];
	[tilespmem:s6+$0x149C0] =	vst v7  }
0x4c8: {  	v4 =	vadd.f32 v4, v23;
	v58 =	vadd.f32 v55, v54;
	v54 =	vld [tilespmem:s6+$0xE830];
	[tilespmem:s6+$0x14A50] =	vst v13  }
0x4c9: {  	v55 =	vld [tilespmem:s6+$0xE890];
	[tilespmem:s6+$0x14B50] =	vst v42  }
0x4ca: {  	v59 =	vadd.f32 v57, v56;
	v56 =	vld [tilespmem:s6+$0x8490];
	[tilespmem:s6+$0x14900] =	vst v4  }
0x4cb: {  	v7 =	vld [tilespmem:s6+$0xE870];
	[tilespmem:s6+$0x14B90] =	vst v60  }
0x4cc: {  	v9 =	vadd.f32 v12, v9;
	v12 =	vld [tilespmem:s6+$0x84D0];
	[tilespmem:s6+$0x14BA0] =	vst v61  }
0x4cd: {  	v6 =	vadd.f32 v17, v6;
	v57 =	vadd.f32 v28, v14;
	v14 =	vld [tilespmem:s6+$0xE8E0];
	[tilespmem:s6+$0x14C00] =	vst v58  }
0x4ce: {  	v60 =	vadd.f32 v27, v26;
	v26 =	vld [tilespmem:s6+$0x8440];
	[tilespmem:s6+$0x14C10] =	vst v59  }
0x4cf: {  	v27 =	vld [tilespmem:s6+$0x83F0];
	[tilespmem:s6+$0x149E0] =	vst v6  }
0x4d0: {  	v5 =	vadd.f32 v5, v16;
	v6 =	vld [tilespmem:s6+$0x8470];
	[tilespmem:s6+$0x14A40] =	vst v9  }
0x4d1: {  	v59 =	vld [tilespmem:s6+$0xE900];
	[tilespmem:s6+$0x14A60] =	vst v57  }
0x4d2: {  	v58 =	vadd.f32 v34, v31;
	v34 =	vld [tilespmem:s6+$0xE920];
	[tilespmem:s6+$0x14C50] =	vst v5  }
0x4d3: {  	v31 =	vadd.f32 v36, v29;
	v36 =	vadd.f32 v35, v39;
	v39 =	vld [tilespmem:s6+$0x8520];
	[tilespmem:s6+$0x14970] =	vst v60  }
0x4d4: {  	v35 =	vld [tilespmem:s6+$0xE960];
	[tilespmem:s6+$0x14A70] =	vst v58  }
0x4d5: {  	v61 =	vadd.f32 v63, v62;
	v62 =	vld [tilespmem:s6+$0xE880];
	[tilespmem:s6+$0x14AE0] =	vst v31  }
0x4d6: {  	v63 =	vld [tilespmem:s6+$0x8480];
	[tilespmem:s6+$0x14B40] =	vst v36;
	v57 =	vadd.f32 v52, v48  }
0x4d7: {  	v60 =	vld [tilespmem:s6+$0xE8A0];
	[tilespmem:s6+$0x14C20] =	vst v61;
	v10 =	vadd.f32 v12, v10  }
0x4d8: {  	v58 =	vld [tilespmem:s6+$0xE8F0];
	[tilespmem:s6+$0x14B70] =	vst v57;
	v25 =	vadd.f32 v27, v25  }
0x4d9: {  	v36 =	vld [tilespmem:s6+$0x8560];
	v22 =	vadd.f32 v26, v22;
	[tilespmem:s6+$0x14CD0] =	vst v10  }
0x4da: {  	v61 =	vld [tilespmem:s6+$0x84A0];
	v42 =	vadd.f32 v6, v7;
	[tilespmem:s6+$0x14BF0] =	vst v25  }
0x4db: {  	v48 =	vld [tilespmem:s6+$0xE9B0];
	v46 =	vadd.f32 v63, v62;
	[tilespmem:s6+$0x14C40] =	vst v22  }
0x4dc: {  	v52 =	vld [tilespmem:s6+$0xE9C0];
	v62 =	vadd.f32 v11, v8;
	[tilespmem:s6+$0x14C70] =	vst v42  }
0x4dd: {  	v57 =	vld [tilespmem:s6+$0xE510];
	v63 =	vadd.f32 v19, v54;
	[tilespmem:s6+$0x14C80] =	vst v46  }
0x4de: {  	v8 =	vld [tilespmem:s6+$0x84B0];
	v54 =	vadd.f32 v56, v55;
	[tilespmem:s6+$0x149D0] =	vst v62  }
0x4df: {  	v19 =	vld [tilespmem:s6+$0x8460];
	v55 =	vadd.f32 v30, v20;
	[tilespmem:s6+$0x14C30] =	vst v63  }
0x4e0: {  	v11 =	vld [tilespmem:s6+$0x84C0];
	[tilespmem:s6+$0x14C90] =	vst v54;
	v56 =	vadd.f32 v61, v60  }
0x4e1: {  	v20 =	vld [tilespmem:s6+$0xE940];
	[tilespmem:s6+$0x149F0] =	vst v55;
	v60 =	vadd.f32 v24, v21  }
0x4e2: {  	v61 =	vld [tilespmem:s6+$0x8500];
	v62 =	vadd.f32 v33, v32;
	[tilespmem:s6+$0x14CA0] =	vst v56  }
0x4e3: {  	v63 =	vld [tilespmem:s6+$0xE910];
	v33 =	vadd.f32 v44, v40;
	[tilespmem:s6+$0x14AC0] =	vst v60  }
0x4e4: {  	v32 =	vld [tilespmem:s6+$0x8510];
	v3 =	vadd.f32 v3, v52;
	[tilespmem:s6+$0x14AD0] =	vst v62  }
0x4e5: {  	v46 =	vld [tilespmem:s6+$0xE8C0];
	[tilespmem:s6+$0x14AF0] =	vst v33;
	v56 =	vadd.f32 v43, v37  }
0x4e6: {  	v44 =	vld [tilespmem:s6+$0x8530];
	v2 =	vadd.f32 v2, v57;
	[tilespmem:s6+$0x14DC0] =	vst v3  }
0x4e7: {  	v54 =	vld [tilespmem:s6+$0x84E0];
	v8 =	vadd.f32 v8, v51;
	[tilespmem:s6+$0x14B60] =	vst v56  }
0x4e8: {  	v60 =	vld [tilespmem:s6+$0xE950];
	[tilespmem:s6+$0x14910] =	vst v2;
	v40 =	vadd.f32 v61, v59  }
0x4e9: {  	v62 =	vld [tilespmem:s6+$0x8550];
	v55 =	vadd.f32 v32, v63;
	[tilespmem:s6+$0x14CB0] =	vst v8  }
0x4ea: {  	v33 =	vld [tilespmem:s6+$0x84F0];
	v59 =	vadd.f32 v39, v34;
	[tilespmem:s6+$0x14D00] =	vst v40  }
0x4eb: {  	v37 =	vld [tilespmem:s6+$0xE980];
	v61 =	vadd.f32 v38, v47;
	[tilespmem:s6+$0x14D10] =	vst v55  }
0x4ec: {  	v43 =	vld [tilespmem:s6+$0xE9A0];
	v63 =	vadd.f32 v50, v49;
	[tilespmem:s6+$0x14D20] =	vst v59  }
0x4ed: {  	v51 =	vld [tilespmem:s6+$0xE970];
	v34 =	vadd.f32 v53, v45;
	[tilespmem:s6+$0x14BC0] =	vst v61  }
0x4ee: {  	v56 =	vld [tilespmem:s6+$0x85D0];
	v44 =	vadd.f32 v44, v15;
	[tilespmem:s6+$0x14BD0] =	vst v63  }
0x4ef: {  	v8 =	vld [tilespmem:s6+$0x8540];
	v11 =	vadd.f32 v11, v46;
	[tilespmem:s6+$0x14BE0] =	vst v34  }
0x4f0: {  	v38 =	vld [tilespmem:s6+$0x8580];
	v53 =	vadd.f32 v54, v14;
	[tilespmem:s6+$0x14D30] =	vst v44  }
0x4f1: {  	v39 =	vld [tilespmem:s6+$0xE990];
	v40 =	vadd.f32 v19, v18;
	[tilespmem:s6+$0x14CC0] =	vst v11  }
0x4f2: {  	v45 =	vld [tilespmem:s6+$0x85A0];
	[tilespmem:s6+$0x14CE0] =	vst v53;
	v9 =	vadd.f32 v33, v58  }
0x4f3: {  	v49 =	vld [tilespmem:s6+$0x85B0];
	v59 =	vadd.f32 v62, v60;
	[tilespmem:s6+$0x14C60] =	vst v40  }
0x4f4: {  	v54 =	vld [tilespmem:s6+$0x8570];
	v61 =	vadd.f32 v36, v35;
	[tilespmem:s6+$0x14CF0] =	vst v9  }
0x4f5: {  	v55 =	vld [tilespmem:s6+$0xE9D0];
	[tilespmem:s6+$0x14D50] =	vst v59;
	v47 =	vadd.f32 v38, v37  }
0x4f6: {  	v58 =	vld [tilespmem:s6+$0xE9E0];
	[tilespmem:s6+$0x14D60] =	vst v61;
	v50 =	vadd.f32 v41, v39  }
0x4f7: {  	v60 =	vld [tilespmem:s6+$0x85E0];
	v6 =	vadd.f32 v45, v43;
	[tilespmem:s6+$0x14D80] =	vst v47  }
0x4f8: {  	v62 =	vld [tilespmem:s6+$0xE9F0];
	v8 =	vadd.f32 v8, v20;
	[tilespmem:s6+$0x14D90] =	vst v50  }
0x4f9: {  	v63 =	vld [tilespmem:s6+$0xE520];
	v5 =	vadd.f32 v49, v48;
	[tilespmem:s6+$0x14DA0] =	vst v6  }
0x4fa: {  	v4 =	vadd.f32 v54, v51;
	[tilespmem:s6+$0x14D40] =	vst v8  }
0x4fb: {  	[tilespmem:s6+$0x14DB0] =	vst v5;
	v3 =	vadd.f32 v56, v55  }
0x4fc: {  	[tilespmem:s6+$0x14D70] =	vst v4;
	v2 =	vadd.f32 v60, v58  }
0x4fd: {  	[tilespmem:s6+$0x14DD0] =	vst v3;
	v3 =	vadd.f32 v0, v62  }
0x4fe: {  	[tilespmem:s6+$0x14DE0] =	vst v2;
	v0 =	vadd.f32 v1, v63  }
0x4ff: {  	s7 =	simm.s32 $0xA;
	[tilespmem:s6+$0x14DF0] =	vst v3  }
.LBB2_21:
0x500: {  	p0 =	slt.u32 s7, $0x28;
	[tilespmem:s6+$0x14920] =	vst v0;
	s6 =	sshll.u32 s7, $0x7;
	s7 =	sadd.s32 $0xA, s7  }
0x501: {  	v2 =	vld [tilespmem:s6+$0x8110]  }
0x502: {  	v0 =	vld [tilespmem:s6+$0x85F0]  }
0x503: {  	v4 =	vld [tilespmem:s6+$0x8100]  }
0x504: {  	v3 =	vld [tilespmem:s6+$0x85C0]  }
0x505: {  	v5 =	vld [tilespmem:s6+$0x8450]  }
0x506: {  	v1 =	vld [tilespmem:s6+$0x8120]  }
0x507: {  	v6 =	vld [tilespmem:s6+$0xE530]  }
0x508: {  	v7 =	vld [tilespmem:s6+$0x8130]  }
0x509: {  	v8 =	vld [tilespmem:s6+$0xE540]  }
0x50a: {  	v9 =	vld [tilespmem:s6+$0x8140]  }
0x50b: {  	v10 =	vld [tilespmem:s6+$0xE550]  }
0x50c: {  	v11 =	vld [tilespmem:s6+$0x8150]  }
0x50d: {  	v6 =	vadd.f32 v7, v6;
	v7 =	vld [tilespmem:s6+$0xE560]  }
0x50e: {  	v12 =	vld [tilespmem:s6+$0x8160]  }
0x50f: {  	[tilespmem:s6+$0x14930] =	vst v6;
	v6 =	vadd.f32 v9, v8;
	v8 =	vld [tilespmem:s6+$0xE570]  }
0x510: {  	v9 =	vld [tilespmem:s6+$0x8170]  }
0x511: {  	[tilespmem:s6+$0x14940] =	vst v6;
	v6 =	vadd.f32 v11, v10;
	v10 =	vld [tilespmem:s6+$0xE580]  }
0x512: {  	v11 =	vld [tilespmem:s6+$0x8180]  }
0x513: {  	[tilespmem:s6+$0x14950] =	vst v6;
	v6 =	vadd.f32 v12, v7;
	v7 =	vld [tilespmem:s6+$0xE590]  }
0x514: {  	v12 =	vld [tilespmem:s6+$0x8190]  }
0x515: {  	[tilespmem:s6+$0x14960] =	vst v6;
	v6 =	vadd.f32 v9, v8;
	v8 =	vld [tilespmem:s6+$0xE5A0]  }
0x516: {  	v9 =	vld [tilespmem:s6+$0x81A0]  }
0x517: {  	[tilespmem:s6+$0x14970] =	vst v6;
	v6 =	vadd.f32 v11, v10;
	v10 =	vld [tilespmem:s6+$0xE5B0]  }
0x518: {  	v11 =	vld [tilespmem:s6+$0x81B0]  }
0x519: {  	[tilespmem:s6+$0x14980] =	vst v6;
	v6 =	vadd.f32 v12, v7;
	v7 =	vld [tilespmem:s6+$0xE5C0]  }
0x51a: {  	v12 =	vld [tilespmem:s6+$0x81C0]  }
0x51b: {  	[tilespmem:s6+$0x14990] =	vst v6;
	v6 =	vadd.f32 v9, v8;
	v8 =	vld [tilespmem:s6+$0xE5D0]  }
0x51c: {  	v9 =	vld [tilespmem:s6+$0x81D0]  }
0x51d: {  	[tilespmem:s6+$0x149A0] =	vst v6;
	v6 =	vadd.f32 v11, v10;
	v10 =	vld [tilespmem:s6+$0xE5E0]  }
0x51e: {  	v11 =	vld [tilespmem:s6+$0x81E0]  }
0x51f: {  	[tilespmem:s6+$0x149B0] =	vst v6;
	v6 =	vadd.f32 v12, v7;
	v7 =	vld [tilespmem:s6+$0xE5F0]  }
0x520: {  	v12 =	vld [tilespmem:s6+$0x81F0]  }
0x521: {  	[tilespmem:s6+$0x149C0] =	vst v6;
	v6 =	vadd.f32 v9, v8;
	v8 =	vld [tilespmem:s6+$0xE600]  }
0x522: {  	v9 =	vld [tilespmem:s6+$0x8200]  }
0x523: {  	[tilespmem:s6+$0x149D0] =	vst v6;
	v6 =	vadd.f32 v11, v10;
	v10 =	vld [tilespmem:s6+$0xE610]  }
0x524: {  	v11 =	vld [tilespmem:s6+$0x8210]  }
0x525: {  	[tilespmem:s6+$0x149E0] =	vst v6;
	v6 =	vadd.f32 v12, v7;
	v7 =	vld [tilespmem:s6+$0xE620]  }
0x526: {  	v12 =	vld [tilespmem:s6+$0x8220]  }
0x527: {  	[tilespmem:s6+$0x149F0] =	vst v6;
	v6 =	vadd.f32 v9, v8;
	v8 =	vld [tilespmem:s6+$0xE630]  }
0x528: {  	v9 =	vld [tilespmem:s6+$0x8230]  }
0x529: {  	[tilespmem:s6+$0x14A00] =	vst v6;
	v6 =	vadd.f32 v11, v10;
	v10 =	vld [tilespmem:s6+$0xE640]  }
0x52a: {  	v11 =	vld [tilespmem:s6+$0x8240]  }
0x52b: {  	[tilespmem:s6+$0x14A10] =	vst v6;
	v6 =	vadd.f32 v12, v7;
	v7 =	vld [tilespmem:s6+$0xE650]  }
0x52c: {  	v12 =	vld [tilespmem:s6+$0x8250]  }
0x52d: {  	[tilespmem:s6+$0x14A20] =	vst v6;
	v6 =	vadd.f32 v9, v8;
	v8 =	vld [tilespmem:s6+$0xE660]  }
0x52e: {  	v9 =	vld [tilespmem:s6+$0x8260]  }
0x52f: {  	[tilespmem:s6+$0x14A30] =	vst v6;
	v6 =	vadd.f32 v11, v10;
	v10 =	vld [tilespmem:s6+$0xE670]  }
0x530: {  	v11 =	vld [tilespmem:s6+$0x8270]  }
0x531: {  	[tilespmem:s6+$0x14A40] =	vst v6;
	v6 =	vadd.f32 v12, v7;
	v7 =	vld [tilespmem:s6+$0xE680]  }
0x532: {  	v12 =	vld [tilespmem:s6+$0x8280]  }
0x533: {  	[tilespmem:s6+$0x14A50] =	vst v6;
	v6 =	vadd.f32 v9, v8;
	v8 =	vld [tilespmem:s6+$0xE690]  }
0x534: {  	v9 =	vld [tilespmem:s6+$0x8290]  }
0x535: {  	[tilespmem:s6+$0x14A60] =	vst v6;
	v6 =	vadd.f32 v11, v10;
	v10 =	vld [tilespmem:s6+$0xE6A0]  }
0x536: {  	v11 =	vld [tilespmem:s6+$0x82A0]  }
0x537: {  	[tilespmem:s6+$0x14A70] =	vst v6;
	v6 =	vadd.f32 v12, v7;
	v7 =	vld [tilespmem:s6+$0xE6B0]  }
0x538: {  	v12 =	vld [tilespmem:s6+$0x82B0]  }
0x539: {  	[tilespmem:s6+$0x14A80] =	vst v6;
	v6 =	vadd.f32 v9, v8;
	v8 =	vld [tilespmem:s6+$0xE6C0]  }
0x53a: {  	v9 =	vld [tilespmem:s6+$0x82C0]  }
0x53b: {  	[tilespmem:s6+$0x14A90] =	vst v6;
	v6 =	vadd.f32 v11, v10;
	v10 =	vld [tilespmem:s6+$0xE6D0]  }
0x53c: {  	v11 =	vld [tilespmem:s6+$0x82D0]  }
0x53d: {  	[tilespmem:s6+$0x14AA0] =	vst v6;
	v6 =	vadd.f32 v12, v7;
	v7 =	vld [tilespmem:s6+$0xE6E0]  }
0x53e: {  	v12 =	vld [tilespmem:s6+$0x82E0]  }
0x53f: {  	[tilespmem:s6+$0x14AB0] =	vst v6;
	v6 =	vadd.f32 v9, v8;
	v8 =	vld [tilespmem:s6+$0xE6F0]  }
0x540: {  	v9 =	vld [tilespmem:s6+$0x82F0]  }
0x541: {  	[tilespmem:s6+$0x14AC0] =	vst v6;
	v6 =	vadd.f32 v11, v10;
	v10 =	vld [tilespmem:s6+$0xE700]  }
0x542: {  	v11 =	vld [tilespmem:s6+$0x8300]  }
0x543: {  	[tilespmem:s6+$0x14AD0] =	vst v6;
	v6 =	vadd.f32 v12, v7;
	v7 =	vld [tilespmem:s6+$0xE710]  }
0x544: {  	v12 =	vld [tilespmem:s6+$0x8310]  }
0x545: {  	[tilespmem:s6+$0x14AE0] =	vst v6;
	v6 =	vadd.f32 v9, v8;
	v8 =	vld [tilespmem:s6+$0xE720]  }
0x546: {  	v9 =	vld [tilespmem:s6+$0x8320]  }
0x547: {  	[tilespmem:s6+$0x14AF0] =	vst v6;
	v6 =	vadd.f32 v11, v10;
	v10 =	vld [tilespmem:s6+$0xE730]  }
0x548: {  	v11 =	vld [tilespmem:s6+$0x8330]  }
0x549: {  	[tilespmem:s6+$0x14B00] =	vst v6;
	v6 =	vadd.f32 v12, v7;
	v7 =	vld [tilespmem:s6+$0xE740]  }
0x54a: {  	v12 =	vld [tilespmem:s6+$0x8340]  }
0x54b: {  	[tilespmem:s6+$0x14B10] =	vst v6;
	v6 =	vadd.f32 v9, v8;
	v8 =	vld [tilespmem:s6+$0xE750]  }
0x54c: {  	v9 =	vld [tilespmem:s6+$0x8350]  }
0x54d: {  	[tilespmem:s6+$0x14B20] =	vst v6;
	v6 =	vadd.f32 v11, v10;
	v10 =	vld [tilespmem:s6+$0xE760]  }
0x54e: {  	v11 =	vld [tilespmem:s6+$0x8360]  }
0x54f: {  	[tilespmem:s6+$0x14B30] =	vst v6;
	v6 =	vadd.f32 v12, v7;
	v7 =	vld [tilespmem:s6+$0xE770]  }
0x550: {  	v12 =	vld [tilespmem:s6+$0x8370]  }
0x551: {  	[tilespmem:s6+$0x14B40] =	vst v6;
	v6 =	vadd.f32 v9, v8;
	v8 =	vld [tilespmem:s6+$0xE780]  }
0x552: {  	v9 =	vld [tilespmem:s6+$0x8380]  }
0x553: {  	[tilespmem:s6+$0x14B50] =	vst v6;
	v6 =	vadd.f32 v11, v10;
	v10 =	vld [tilespmem:s6+$0xE790]  }
0x554: {  	v11 =	vld [tilespmem:s6+$0x8390]  }
0x555: {  	[tilespmem:s6+$0x14B60] =	vst v6;
	v6 =	vadd.f32 v12, v7;
	v7 =	vld [tilespmem:s6+$0xE7A0]  }
0x556: {  	v12 =	vld [tilespmem:s6+$0x83A0]  }
0x557: {  	[tilespmem:s6+$0x14B70] =	vst v6;
	v6 =	vadd.f32 v9, v8;
	v8 =	vld [tilespmem:s6+$0xE7B0]  }
0x558: {  	v9 =	vld [tilespmem:s6+$0x83B0]  }
0x559: {  	[tilespmem:s6+$0x14B80] =	vst v6;
	v6 =	vadd.f32 v11, v10;
	v10 =	vld [tilespmem:s6+$0xE7C0]  }
0x55a: {  	v11 =	vld [tilespmem:s6+$0x83C0]  }
0x55b: {  	[tilespmem:s6+$0x14B90] =	vst v6;
	v6 =	vadd.f32 v12, v7;
	v7 =	vld [tilespmem:s6+$0xE7D0]  }
0x55c: {  	v12 =	vld [tilespmem:s6+$0x83D0]  }
0x55d: {  	[tilespmem:s6+$0x14BA0] =	vst v6;
	v6 =	vadd.f32 v9, v8;
	v8 =	vld [tilespmem:s6+$0xE7E0]  }
0x55e: {  	v9 =	vld [tilespmem:s6+$0x83E0]  }
0x55f: {  	[tilespmem:s6+$0x14BB0] =	vst v6;
	v6 =	vadd.f32 v11, v10;
	v10 =	vld [tilespmem:s6+$0xE7F0]  }
0x560: {  	v11 =	vld [tilespmem:s6+$0x83F0]  }
0x561: {  	[tilespmem:s6+$0x14BC0] =	vst v6;
	v6 =	vadd.f32 v12, v7;
	v7 =	vld [tilespmem:s6+$0xE800]  }
0x562: {  	v12 =	vld [tilespmem:s6+$0x8400]  }
0x563: {  	[tilespmem:s6+$0x14BD0] =	vst v6;
	v6 =	vadd.f32 v9, v8;
	v8 =	vld [tilespmem:s6+$0xE810]  }
0x564: {  	v9 =	vld [tilespmem:s6+$0x8410]  }
0x565: {  	[tilespmem:s6+$0x14BE0] =	vst v6;
	v6 =	vadd.f32 v11, v10;
	v10 =	vld [tilespmem:s6+$0xE820]  }
0x566: {  	v11 =	vld [tilespmem:s6+$0x8420]  }
0x567: {  	[tilespmem:s6+$0x14BF0] =	vst v6;
	v6 =	vadd.f32 v12, v7;
	v7 =	vld [tilespmem:s6+$0xE830]  }
0x568: {  	v12 =	vld [tilespmem:s6+$0x8430]  }
0x569: {  	[tilespmem:s6+$0x14C00] =	vst v6;
	v6 =	vadd.f32 v9, v8;
	v8 =	vld [tilespmem:s6+$0xE840]  }
0x56a: {  	v9 =	vld [tilespmem:s6+$0x8440]  }
0x56b: {  	[tilespmem:s6+$0x14C10] =	vst v6;
	v6 =	vadd.f32 v11, v10;
	v10 =	vld [tilespmem:s6+$0xE850]  }
0x56c: {  	v11 =	vld [tilespmem:s6+$0xE500]  }
0x56d: {  	[tilespmem:s6+$0x14C20] =	vst v6;
	v6 =	vadd.f32 v12, v7;
	v7 =	vld [tilespmem:s6+$0xE860]  }
0x56e: {  	v12 =	vld [tilespmem:s6+$0x8460]  }
0x56f: {  	[tilespmem:s6+$0x14C30] =	vst v6;
	v6 =	vadd.f32 v9, v8;
	v8 =	vld [tilespmem:s6+$0xE870]  }
0x570: {  	v5 =	vadd.f32 v5, v10;
	v9 =	vld [tilespmem:s6+$0x8470]  }
0x571: {  	v4 =	vadd.f32 v4, v11;
	[tilespmem:s6+$0x14C40] =	vst v6;
	v6 =	vld [tilespmem:s6+$0xE880]  }
0x572: {  	[tilespmem:s6+$0x14C50] =	vst v5;
	v5 =	vld [tilespmem:s6+$0x8480]  }
0x573: {  	[tilespmem:s6+$0x14900] =	vst v4;
	v4 =	vadd.f32 v12, v7;
	v7 =	vld [tilespmem:s6+$0xE890]  }
0x574: {  	v10 =	vld [tilespmem:s6+$0x8490]  }
0x575: {  	[tilespmem:s6+$0x14C60] =	vst v4;
	v4 =	vadd.f32 v9, v8;
	v8 =	vld [tilespmem:s6+$0xE8A0]  }
0x576: {  	v9 =	vld [tilespmem:s6+$0x84A0]  }
0x577: {  	[tilespmem:s6+$0x14C70] =	vst v4;
	v4 =	vadd.f32 v5, v6;
	v5 =	vld [tilespmem:s6+$0xE8B0]  }
0x578: {  	v6 =	vld [tilespmem:s6+$0x84B0]  }
0x579: {  	[tilespmem:s6+$0x14C80] =	vst v4;
	v4 =	vadd.f32 v10, v7;
	v7 =	vld [tilespmem:s6+$0xE8C0]  }
0x57a: {  	v10 =	vld [tilespmem:s6+$0x84C0]  }
0x57b: {  	[tilespmem:s6+$0x14C90] =	vst v4;
	v4 =	vadd.f32 v9, v8;
	v8 =	vld [tilespmem:s6+$0xE8D0]  }
0x57c: {  	v9 =	vld [tilespmem:s6+$0x84D0]  }
0x57d: {  	[tilespmem:s6+$0x14CA0] =	vst v4;
	v4 =	vadd.f32 v6, v5;
	v5 =	vld [tilespmem:s6+$0xE8E0]  }
0x57e: {  	v6 =	vld [tilespmem:s6+$0x84E0]  }
0x57f: {  	[tilespmem:s6+$0x14CB0] =	vst v4;
	v4 =	vadd.f32 v10, v7;
	v7 =	vld [tilespmem:s6+$0xE8F0]  }
0x580: {  	v10 =	vld [tilespmem:s6+$0x84F0]  }
0x581: {  	[tilespmem:s6+$0x14CC0] =	vst v4;
	v4 =	vadd.f32 v9, v8;
	v8 =	vld [tilespmem:s6+$0xE900]  }
0x582: {  	v9 =	vld [tilespmem:s6+$0x8500]  }
0x583: {  	[tilespmem:s6+$0x14CD0] =	vst v4;
	v4 =	vadd.f32 v6, v5;
	v5 =	vld [tilespmem:s6+$0xE910]  }
0x584: {  	v6 =	vld [tilespmem:s6+$0x8510]  }
0x585: {  	[tilespmem:s6+$0x14CE0] =	vst v4;
	v4 =	vadd.f32 v10, v7;
	v7 =	vld [tilespmem:s6+$0xE920]  }
0x586: {  	v10 =	vld [tilespmem:s6+$0x8520]  }
0x587: {  	[tilespmem:s6+$0x14CF0] =	vst v4;
	v4 =	vadd.f32 v9, v8;
	v8 =	vld [tilespmem:s6+$0xE930]  }
0x588: {  	v9 =	vld [tilespmem:s6+$0x8530]  }
0x589: {  	[tilespmem:s6+$0x14D00] =	vst v4;
	v4 =	vadd.f32 v6, v5;
	v5 =	vld [tilespmem:s6+$0xE940]  }
0x58a: {  	v6 =	vld [tilespmem:s6+$0x8540]  }
0x58b: {  	[tilespmem:s6+$0x14D10] =	vst v4;
	v4 =	vadd.f32 v10, v7;
	v7 =	vld [tilespmem:s6+$0xE950]  }
0x58c: {  	v10 =	vld [tilespmem:s6+$0x8550]  }
0x58d: {  	[tilespmem:s6+$0x14D20] =	vst v4;
	v4 =	vadd.f32 v9, v8;
	v8 =	vld [tilespmem:s6+$0xE960]  }
0x58e: {  	v9 =	vld [tilespmem:s6+$0x8560]  }
0x58f: {  	[tilespmem:s6+$0x14D30] =	vst v4;
	v4 =	vadd.f32 v6, v5;
	v5 =	vld [tilespmem:s6+$0xE970]  }
0x590: {  	v6 =	vld [tilespmem:s6+$0x8570]  }
0x591: {  	[tilespmem:s6+$0x14D40] =	vst v4;
	v4 =	vadd.f32 v10, v7;
	v7 =	vld [tilespmem:s6+$0xE980]  }
0x592: {  	v10 =	vld [tilespmem:s6+$0x8580]  }
0x593: {  	[tilespmem:s6+$0x14D50] =	vst v4;
	v4 =	vadd.f32 v9, v8;
	v8 =	vld [tilespmem:s6+$0xE990]  }
0x594: {  	v9 =	vld [tilespmem:s6+$0x8590]  }
0x595: {  	[tilespmem:s6+$0x14D60] =	vst v4;
	v4 =	vadd.f32 v6, v5;
	v5 =	vld [tilespmem:s6+$0xE9A0]  }
0x596: {  	v6 =	vld [tilespmem:s6+$0x85A0]  }
0x597: {  	[tilespmem:s6+$0x14D70] =	vst v4;
	v4 =	vadd.f32 v10, v7;
	v7 =	vld [tilespmem:s6+$0xE9B0]  }
0x598: {  	v10 =	vld [tilespmem:s6+$0x85B0]  }
0x599: {  	[tilespmem:s6+$0x14D80] =	vst v4;
	v4 =	vadd.f32 v9, v8;
	v8 =	vld [tilespmem:s6+$0xE9C0]  }
0x59a: {  	v9 =	vld [tilespmem:s6+$0xE510]  }
0x59b: {  	[tilespmem:s6+$0x14D90] =	vst v4;
	v4 =	vadd.f32 v6, v5;
	v5 =	vld [tilespmem:s6+$0xE9D0]  }
0x59c: {  	v6 =	vld [tilespmem:s6+$0x85D0]  }
0x59d: {  	[tilespmem:s6+$0x14DA0] =	vst v4;
	v4 =	vadd.f32 v10, v7;
	v7 =	vld [tilespmem:s6+$0xE9E0]  }
0x59e: {  	v3 =	vadd.f32 v3, v8;
	v8 =	vld [tilespmem:s6+$0x85E0]  }
0x59f: {  	v2 =	vadd.f32 v2, v9;
	[tilespmem:s6+$0x14DB0] =	vst v4;
	v4 =	vld [tilespmem:s6+$0xE9F0]  }
0x5a0: {  	v9 =	vld [tilespmem:s6+$0xE520];
	[tilespmem:s6+$0x14DC0] =	vst v3  }
0x5a1: {  	[tilespmem:s6+$0x14910] =	vst v2;
	v2 =	vadd.f32 v6, v5  }
.Ltmp14:
0x5a2: {  	(pc) =	sbr.rel @p0 .LBB2_21-.Ltmp14, $4  }
0x5a3: {  	[tilespmem:s6+$0x14DD0] =	vst v2;
	v2 =	vadd.f32 v8, v7  }
0x5a4: {  	v3 =	vadd.f32 v0, v4  }
0x5a5: {  	v0 =	vadd.f32 v1, v9;
	[tilespmem:s6+$0x14DE0] =	vst v2  }
0x5a6: {  	[tilespmem:s6+$0x14DF0] =	vst v3  }
0x5a7: {  	p0 =	seq.s32 s18, $0x3F  }
.Ltmp15:
0x5a8: {  	s7 =	sadd.s32 s20, s10;
	(pc) =	sbr.rel @p0 .LBB2_24-.Ltmp15, $4  }
0x5a9: {  	s7 =	sshll.u32 s7, $0x3  }
0x5aa: {  	s7 =	sand.u32 $0x1FFFFFE0, s7  }
0x5ab: {  	[tilespmem:s6+$0x14920] =	vst v0;
	s20 =	sadd.s32 s2, s7  }
0x5ac: {  	[hbm4b:s20+s3] =	stream.linear.scatter [tilespmem:s0], [sflag:$0x8], $0x1900, $0x38;
	[tilespmem:$0x16200] =	vst v63  }
0x5ad: {  	s6 =	smul.u32 $0x680, s18  }
.Ltmp16:
0x5ae: {  	_ = 	snop;
	(pc) =	sbr.rel .LBB2_2-.Ltmp16, $4  }
0x5af: {  	_ = 	snop  }
0x5b0: {  	s6 =	sshra.s32 s6, $0x2  }
0x5b1: {  	s18 =	sadd.s32 $0x1, s18;
	s6 =	sadd.s32 $0x2D8, s6  }
0x5b2: {  	[tilespmem:s21], [sflag:$0x4] =	stream.indirect.gather [hbm4b:s4+s14], $0x40, s6, s14, $0xb8;
	[tilespmem:$0x16200] =	vst v63  }
.LBB2_25:
0x5b3: {  	_ =	sfence.sel $0x180000  }
0x5b4: {  	[bflag:$0x0] =	sbarrier.arrive $0xFFFF  }
0x5b5: {  	_ =	strace $0x90000047  }
0x5b6: {  	s0 =	stileid.u32;
	[bflag:$0x2] =	sbarrier.arrive $0xFFFF  }
0x5b7: {  	p0 =	sne.s32 s0, $0x0;
	s0 =	rddreg [dreg:$0x2]  }
0x5b8: {  	s0 =	sadd.s32 @!p0 $0x100000, s0  }
0x5b9: {  	[sflag:s0] =	ssyncadd.tile.s32 @!p0 $0x1;
	_ =	shalt  }
.Lfunc_end2:
_tile_overlayer_lowered:
.L_overlay_start_2:
0x5ba: {  	(tag) =	ssettag $0x2  }
0x5bb: {  	s0 =	rddreg [dreg:$0x0];
	s2 =	stileid.u32  }
0x5bc: {  	s1 =	rddreg [dreg:$0x1];
	p0 =	sne.s32 s2, $0x0  }
0x5bd: {  	s3 =	rddreg [dreg:$0x2];
	[bflag:$0x3] =	sbarrier.arrive $0xFFFF;
	s2 =	simm.s32 @!p0 $0x1C09  }
0x5be: {  	[timem:s3], [sflag:s2] =	dma.local @!p0 [hbm:s0], s1  }
0x5bf: {  	s0 =	simm.s32 @!p0 $0x9  }
0x5c0: {  	_ =	swait.ge @!p0 [sflag:s0], s1  }
0x5c1: {  	s1 =	ssub.s32 @!p0 $0x0, s1;
	[sflag:s0] =	ssyncset.done @!p0 $0x0  }
0x5c2: {  	[sflag:s0] =	ssyncadd.s32 @!p0 s1  }
0x5c3: {  	[bflag:$0x3] =	sbarrier.arrive $0xFFFF  }
0x5c4: {  	_ =	shalt  }

</sc_bundles>
